<compile_context>
chip_gen: v7x
topology: tpu7x:2x2x1
jax: 0.10.2.dev20260603
libtpu: 0.0.44.dev20260713+nightly
codegen_flags: <defaults>
</compile_context>

<pallas_src>
import dataclasses
import functools

import jax
import jax.numpy as jnp
from jax import lax
from jax.experimental import pallas as pl
from jax.experimental.pallas import tpu as pltpu
from jax.experimental.pallas import tpu_sc as plsc

N = 10000
E = 320000
F = 128
C_OUT = 16

NC = 2
NS = 16
NW = NC * NS
EPW = E // NW
CH = 125
NCHUNK = EPW // CH
NP = 10240
RPS = NP // NS
NH = 2
NCH = NCHUNK // NH

_MESH = plsc.VectorSubcoreMesh(core_axis_name="c", subcore_axis_name="s",
                               num_cores=NC, num_subcores=NS)

_NO_LAYOUT_CP = pltpu.CompilerParams()
if "needs_layout_passes" in pltpu.CompilerParams.__dataclass_fields__:
    _NO_LAYOUT_CP = dataclasses.replace(_NO_LAYOUT_CP,
                                        needs_layout_passes=False)



HR = NP // 128


def _deg_body(src_hbm, dst_hbm, zeros_hbm, out_s_hbm, out_d_hbm,
              srcv, dstv, hist_s, hist_d, rowidx, shs, shd):
    c = lax.axis_index("c")
    s = lax.axis_index("s")
    wid = s * NC + c
    pltpu.sync_copy(src_hbm.at[wid], srcv)
    pltpu.sync_copy(dst_hbm.at[wid], dstv)
    pltpu.sync_copy(zeros_hbm.at[pl.ds(0, HR)], hist_s)
    pltpu.sync_copy(zeros_hbm.at[pl.ds(0, HR)], hist_d)

    @pl.when(s < HR // 8)
    def _():
        pltpu.sync_copy(zeros_hbm.at[pl.ds(0, 8)], shs.at[pl.ds(s * 8, 8)])
        pltpu.sync_copy(zeros_hbm.at[pl.ds(0, 8)], shd.at[pl.ds(s * 8, 8)])

    @pl.loop(0, HR // 16)
    def _(k):
        rowidx[pl.ds(k * 16, 16)] = lax.iota(jnp.int32, 16) + k * 16

    def _count(hist, v):
        cnt, last = plsc.scan_count(v)
        plsc.addupdate_scatter(
            hist,
            [lax.shift_right_logical(v, 7), lax.bitwise_and(v, 127)],
            cnt.astype(jnp.float32), mask=last)

    @pl.loop(0, EPW // 16)
    def _(e):
        _count(hist_s, srcv[pl.ds(e * 16, 16)])
        _count(hist_d, dstv[pl.ds(e * 16, 16)])

    plsc.subcore_barrier()
    pltpu.sync_copy(hist_s, shs.at[rowidx], add=True)
    pltpu.sync_copy(hist_d, shd.at[rowidx], add=True)
    plsc.subcore_barrier()

    @pl.when(s < HR // 8)
    def _():
        pltpu.sync_copy(shs.at[pl.ds(s * 8, 8)],
                        out_s_hbm.at[c].at[pl.ds(s * 8, 8)])
        pltpu.sync_copy(shd.at[pl.ds(s * 8, 8)],
                        out_d_hbm.at[c].at[pl.ds(s * 8, 8)])


_deg = pl.kernel(
    _deg_body,
    out_type=(jax.ShapeDtypeStruct((NC, HR, 128), jnp.float32),
              jax.ShapeDtypeStruct((NC, HR, 128), jnp.float32)),
    mesh=_MESH,
    scratch_types=[
        pltpu.VMEM((EPW,), jnp.int32),
        pltpu.VMEM((EPW,), jnp.int32),
        pltpu.VMEM((HR, 128), jnp.float32),
        pltpu.VMEM((HR, 128), jnp.float32),
        pltpu.VMEM((HR,), jnp.int32),
        pltpu.VMEM_SHARED((HR, 128), jnp.float32),
        pltpu.VMEM_SHARED((HR, 128), jnp.float32),
    ],
    compiler_params=_NO_LAYOUT_CP,
)


def _make_agg(fw):
    def body(y_hbm, src_hbm, dst_hbm, zeros_hbm, out_hbm,
             srcv, dstv, rows0, rows1, gs0, gs1, acc):
        c = lax.axis_index("c")
        s = lax.axis_index("s")
        wid = s * NC + c
        pltpu.sync_copy(zeros_hbm, acc.at[pl.ds(s * RPS, RPS)])
        plsc.subcore_barrier()

        @pl.loop(0, NH)
        def _(h):
            pltpu.sync_copy(src_hbm.at[wid].at[h], srcv)
            pltpu.sync_copy(dst_hbm.at[wid].at[h], dstv)
            pltpu.async_copy(y_hbm.at[srcv.at[0]], rows0, gs0)

            @pl.loop(0, NCH // 2)
            def _(p):
                j = p * 2
                pltpu.async_copy(y_hbm.at[srcv.at[j + 1]], rows1, gs1)
                pltpu.make_async_copy(y_hbm.at[srcv.at[j]], rows0,
                                      gs0).wait()
                pltpu.sync_copy(rows0, acc.at[dstv.at[j]], add=True)

                @pl.when(p < NCH // 2 - 1)
                def _():
                    pltpu.async_copy(y_hbm.at[srcv.at[j + 2]], rows0, gs0)

                pltpu.make_async_copy(y_hbm.at[srcv.at[j + 1]], rows1,
                                      gs1).wait()
                pltpu.sync_copy(rows1, acc.at[dstv.at[j + 1]], add=True)

        plsc.subcore_barrier()
        pltpu.sync_copy(acc.at[pl.ds(s * RPS, RPS)],
                        out_hbm.at[c].at[pl.ds(s * RPS, RPS)])

    return pl.kernel(
        body,
        out_type=jax.ShapeDtypeStruct((NC, NP, fw), jnp.float32),
        mesh=_MESH,
        scratch_types=[
            pltpu.VMEM((NCH, CH), jnp.int32),
            pltpu.VMEM((NCH, CH), jnp.int32),
            pltpu.VMEM((CH, fw), jnp.float32),
            pltpu.VMEM((CH, fw), jnp.float32),
            pltpu.SemaphoreType.DMA,
            pltpu.SemaphoreType.DMA,
            pltpu.VMEM_SHARED((NP, fw), jnp.float32),
        ],
    )


_agg128 = _make_agg(F)



def _norm(deg):
    return jnp.where(deg > 0, lax.rsqrt(jnp.maximum(deg, 1.0)), 0.0)


def _flat_col(h_ref):
    h = h_ref[0] + h_ref[1]
    return _norm(jnp.transpose(h[:, None, :], (0, 2, 1)).reshape(NP, 1)[:N])


def _y1_body(x_ref, w_ref, hs_ref, y1_ref):
    y1_ref[...] = jnp.dot(x_ref[...], w_ref[...],
                          preferred_element_type=jnp.float32) \
        * _flat_col(hs_ref)


def _pre_body(a_ref, hs_ref, hd_ref, b_ref, w_ref, y_ref):
    h = jnp.maximum(
        (a_ref[0, :N] + a_ref[1, :N]) * _flat_col(hd_ref) + b_ref[...], 0.0)
    y_ref[...] = jnp.dot(h, w_ref[...],
                         preferred_element_type=jnp.float32) \
        * _flat_col(hs_ref)


def _mid_body(a_ref, hs_ref, hd_ref, b_ref, y_ref):
    h = jnp.maximum(
        (a_ref[0, :N] + a_ref[1, :N]) * _flat_col(hd_ref) + b_ref[...], 0.0)
    y_ref[...] = h * _flat_col(hs_ref)


def _post_body(a_ref, hd_ref, b_ref, w_ref, o_ref):
    a = a_ref[0, :N] + a_ref[1, :N]
    o_ref[...] = jnp.dot(a, w_ref[...],
                         preferred_element_type=jnp.float32) \
        * _flat_col(hd_ref) + b_ref[...]


def _f32(*shape):
    return jax.ShapeDtypeStruct(shape, jnp.float32)


_y1 = pl.pallas_call(_y1_body, out_shape=_f32(N, F))
_pre128 = pl.pallas_call(_pre_body, out_shape=_f32(N, F))
_mid = pl.pallas_call(_mid_body, out_shape=_f32(N, F))
_post = pl.pallas_call(_post_body, out_shape=_f32(N, C_OUT))



def kernel(x, edge_index, W1, b1, W2, b2, W3, b3):
    srcsf = edge_index[0].reshape(NW, EPW)
    dstsf = edge_index[1].reshape(NW, EPW)
    srcs4 = edge_index[0].reshape(NW, NH, NCH, CH)
    dsts4 = edge_index[1].reshape(NW, NH, NCH, CH)
    z128 = jnp.zeros((RPS, F), jnp.float32)

    hs, hd = _deg(srcsf, dstsf, z128)
    y1 = _y1(x, W1, hs)
    a1 = _agg128(y1, srcs4, dsts4, z128)
    y2 = _pre128(a1, hs, hd, b1, W2)
    a2 = _agg128(y2, srcs4, dsts4, z128)
    y3 = _mid(a2, hs, hd, b2)
    a3 = _agg128(y3, srcs4, dsts4, z128)
    out = _post(a3, hd, b3, W3)
    return out

# --- scband reference (transcript-rebuilt; emitter-appended) ---
"""Pipeline reference for scband-gcn-2585570312241 (READ-ONLY COPY).

The authoritative reference and input builder live on the scoring server;
editing this copy changes nothing except your own understanding.
"""

import jax, jax.numpy as jnp
import numpy as np

N_NODES = 10000
N_EDGES = 320000
FEAT_DIM = 128
H_DIMS = [128, 128]
NUM_CLASSES = 16


def _glorot(key, shape):
    fan_in, fan_out = shape
    lim = (6.0 / (fan_in + fan_out)) ** 0.5
    return jax.random.uniform(key, shape, dtype=jnp.float32, minval=-lim, maxval=lim)


def setup_inputs(seed: int = 0):
    key = jax.random.key(seed)
    ks = jax.random.split(key, 8)
    x = jax.random.normal(ks[0], (N_NODES, FEAT_DIM), dtype=jnp.float32)
    edge_index = jax.random.randint(ks[1], (2, N_EDGES), 0, N_NODES, dtype=jnp.int32)
    W1 = _glorot(ks[2], (FEAT_DIM, H_DIMS[0]))
    b1 = jnp.zeros((H_DIMS[0],), jnp.float32)
    W2 = _glorot(ks[3], (H_DIMS[0], H_DIMS[1]))
    b2 = jnp.zeros((H_DIMS[1],), jnp.float32)
    W3 = _glorot(ks[4], (H_DIMS[1], NUM_CLASSES))
    b3 = jnp.zeros((NUM_CLASSES,), jnp.float32)
    return {"x": x, "edge_index": edge_index, "W1": W1, "b1": b1, "W2": W2, "b2": b2, "W3": W3, "b3": b3}


def _gcn_layer(x, src, dst, W, b):
    # DGL GraphConv with norm='both': D_out^{-1/2} on src side, D_in^{-1/2} on dst side
    N = x.shape[0]
    out_deg = jnp.zeros((N,), jnp.float32).at[src].add(1.0)
    in_deg = jnp.zeros((N,), jnp.float32).at[dst].add(1.0)
    norm_s = jnp.where(out_deg > 0, 1.0 / jnp.sqrt(jnp.maximum(out_deg, 1.0)), 0.0)
    norm_d = jnp.where(in_deg > 0, 1.0 / jnp.sqrt(jnp.maximum(in_deg, 1.0)), 0.0)
    h = (x * norm_s[:, None]) @ W
    agg = jnp.zeros((N, W.shape[1]), jnp.float32).at[dst].add(h[src])
    return agg * norm_d[:, None] + b


def reference(x, edge_index, W1, b1, W2, b2, W3, b3):
    src = edge_index[0]
    dst = edge_index[1]
    h = jax.nn.relu(_gcn_layer(x, src, dst, W1, b1))
    h = jax.nn.relu(_gcn_layer(h, src, dst, W2, b2))
    out = _gcn_layer(h, src, dst, W3, b3)
    return out

if __name__ == "__main__":
    import jax
    _d = setup_inputs()
    print(jax.jit(kernel)(*tuple(_d.values())))

</pallas_src>

<mosaic_0001>
#map = affine_map<(d0, d1) -> (0, 0)>
#map1 = affine_map<(d0, d1) -> (0, 0, 0, 0)>
#map2 = affine_map<(d0, d1) -> (0, 0, 0)>
module attributes {stable_mosaic.version = 14 : i64} {
  func.func @body(%arg0: i32, %arg1: i32, %arg2: memref<10000x128xf32, #tpu.memory_space<hbm>>, %arg3: memref<32x2x40x125xi32, #tpu.memory_space<hbm>>, %arg4: memref<32x2x40x125xi32, #tpu.memory_space<hbm>>, %arg5: memref<640x128xf32, #tpu.memory_space<hbm>>, %arg6: memref<2x10240x128xf32, #tpu.memory_space<hbm>>, %arg7: memref<40x125xi32, #tpu.memory_space<vmem>>, %arg8: memref<40x125xi32, #tpu.memory_space<vmem>>, %arg9: memref<125x128xf32, #tpu.memory_space<vmem>>, %arg10: memref<125x128xf32, #tpu.memory_space<vmem>>, %arg11: memref<!tpu.dma_semaphore, #tpu.memory_space<semaphore_mem>>, %arg12: memref<!tpu.dma_semaphore, #tpu.memory_space<semaphore_mem>>, %arg13: memref<10240x128xf32, #tpu.memory_space<vmem_shared>>) attributes {dimension_semantics = [#tpu.dimension_semantics<core_parallel>, #tpu.dimension_semantics<subcore_parallel>], iteration_bounds = array<i64: 2, 16>, scalar_prefetch = 0 : i64, scratch_operands = 7 : i64, tpu.core_type = #tpu.core_type<sc_vector_subcore>, window_params = [{transform_indices = #map}, {transform_indices = #map1}, {transform_indices = #map1}, {transform_indices = #map}, {transform_indices = #map2}]} {
    %mul3A = arith.constant 2 : i32
    %mul3A_0 = arith.muli %arg1, %mul3A : i32
    %add3A = arith.addi %mul3A_0, %arg0 : i32
    %mul3A_1 = arith.constant 640 : i32
    %mul3A_2 = arith.muli %arg1, %mul3A_1 : i32
    "tpu.region"() ({
      %run_scoped3A = tpu.sem_alloc : memref<!tpu.dma_semaphore, #tpu.memory_space<semaphore_mem>>
      %dma_start3A = arith.constant 0 : i32
      %dma_start3A_12 = tpu.memref_slice %arg13[%mul3A_2, %dma_start3A] : memref<10240x128xf32, #tpu.memory_space<vmem_shared>> -> memref<640x128xf32, #tpu.memory_space<vmem_shared>>
      tpu.enqueue_dma source(%arg5 : memref<640x128xf32, #tpu.memory_space<hbm>>) target(%dma_start3A_12 : memref<640x128xf32, #tpu.memory_space<vmem_shared>>) target_semaphore(%run_scoped3A : memref<!tpu.dma_semaphore, #tpu.memory_space<semaphore_mem>>)
      %dma_wait3A = arith.constant 0 : i32
      %dma_wait3A_13 = tpu.memref_slice %arg13[%mul3A_2, %dma_wait3A] : memref<10240x128xf32, #tpu.memory_space<vmem_shared>> -> memref<640x128xf32, #tpu.memory_space<vmem_shared>>
      tpu.wait_dma2 semaphore(%run_scoped3A : memref<!tpu.dma_semaphore, #tpu.memory_space<semaphore_mem>>) src(%arg5 : memref<640x128xf32, #tpu.memory_space<hbm>>) dst(%dma_wait3A_13 : memref<640x128xf32, #tpu.memory_space<vmem_shared>>)
      tpu.yield
    }) : () -> ()
    %barrier3A = arith.constant 0 : index
    tpu.barrier barrier_id(%barrier3A)
    %scan3A = arith.constant 0 : i32
    %scan3A_3 = arith.constant 2 : i32
    %scan3A_4 = arith.addi %scan3A, %scan3A_3 : i32
    %scan3A_5 = arith.constant 1 : i32
    scf.for %scan3A_12 = %scan3A to %scan3A_4 step %scan3A_5  : i32 {
      %mul3A_13 = arith.constant 1 : i32
      %mul3A_14 = arith.muli %scan3A_12, %mul3A_13 : i32
      %add3A_15 = arith.constant 0 : i32
      %add3A_16 = arith.addi %add3A_15, %mul3A_14 : i32
      "tpu.region"() ({
        %run_scoped3A = tpu.sem_alloc : memref<!tpu.dma_semaphore, #tpu.memory_space<semaphore_mem>>
        %dma_start3A_28 = arith.constant 0 : i32
        %dma_start3A_29 = arith.constant 0 : i32
        %dma_start3A_30 = arith.constant 0 : i32
        %dma_start3A_31 = tpu.memref_slice %arg3[%add3A, %dma_start3A_28, %dma_start3A_29, %dma_start3A_30] : memref<32x2x40x125xi32, #tpu.memory_space<hbm>> -> memref<1x2x40x125xi32, #tpu.memory_space<hbm>>
        %dma_start3A_32 = tpu.memref_squeeze %dma_start3A_31 : memref<1x2x40x125xi32, #tpu.memory_space<hbm>> -> memref<2x40x125xi32, #tpu.memory_space<hbm>>
        %dma_start3A_33 = arith.constant 0 : i32
        %dma_start3A_34 = arith.constant 0 : i32
        %dma_start3A_35 = tpu.memref_slice %dma_start3A_32[%add3A_16, %dma_start3A_33, %dma_start3A_34] : memref<2x40x125xi32, #tpu.memory_space<hbm>> -> memref<1x40x125xi32, #tpu.memory_space<hbm>>
        %dma_start3A_36 = tpu.memref_squeeze %dma_start3A_35 : memref<1x40x125xi32, #tpu.memory_space<hbm>> -> memref<40x125xi32, #tpu.memory_space<hbm>>
        %dma_start3A_37 = arith.constant 0 : i32
        %dma_start3A_38 = arith.constant 0 : i32
        %dma_start3A_39 = arith.constant 0 : i32
        %dma_start3A_40 = tpu.memref_slice %arg3[%add3A, %dma_start3A_37, %dma_start3A_38, %dma_start3A_39] : memref<32x2x40x125xi32, #tpu.memory_space<hbm>> -> memref<1x2x40x125xi32, #tpu.memory_space<hbm>>
        %dma_start3A_41 = tpu.memref_squeeze %dma_start3A_40 : memref<1x2x40x125xi32, #tpu.memory_space<hbm>> -> memref<2x40x125xi32, #tpu.memory_space<hbm>>
        %dma_start3A_42 = arith.constant 0 : i32
        %dma_start3A_43 = arith.constant 0 : i32
        %dma_start3A_44 = tpu.memref_slice %dma_start3A_41[%add3A_16, %dma_start3A_42, %dma_start3A_43] : memref<2x40x125xi32, #tpu.memory_space<hbm>> -> memref<1x40x125xi32, #tpu.memory_space<hbm>>
        %dma_start3A_45 = tpu.memref_squeeze %dma_start3A_44 : memref<1x40x125xi32, #tpu.memory_space<hbm>> -> memref<40x125xi32, #tpu.memory_space<hbm>>
        tpu.enqueue_dma source(%dma_start3A_45 : memref<40x125xi32, #tpu.memory_space<hbm>>) target(%arg7 : memref<40x125xi32, #tpu.memory_space<vmem>>) target_semaphore(%run_scoped3A : memref<!tpu.dma_semaphore, #tpu.memory_space<semaphore_mem>>)
        %dma_wait3A = arith.constant 0 : i32
        %dma_wait3A_46 = arith.constant 0 : i32
        %dma_wait3A_47 = arith.constant 0 : i32
        %dma_wait3A_48 = tpu.memref_slice %arg3[%add3A, %dma_wait3A, %dma_wait3A_46, %dma_wait3A_47] : memref<32x2x40x125xi32, #tpu.memory_space<hbm>> -> memref<1x2x40x125xi32, #tpu.memory_space<hbm>>
        %dma_wait3A_49 = tpu.memref_squeeze %dma_wait3A_48 : memref<1x2x40x125xi32, #tpu.memory_space<hbm>> -> memref<2x40x125xi32, #tpu.memory_space<hbm>>
        %dma_wait3A_50 = arith.constant 0 : i32
        %dma_wait3A_51 = arith.constant 0 : i32
        %dma_wait3A_52 = tpu.memref_slice %dma_wait3A_49[%add3A_16, %dma_wait3A_50, %dma_wait3A_51] : memref<2x40x125xi32, #tpu.memory_space<hbm>> -> memref<1x40x125xi32, #tpu.memory_space<hbm>>
        %dma_wait3A_53 = tpu.memref_squeeze %dma_wait3A_52 : memref<1x40x125xi32, #tpu.memory_space<hbm>> -> memref<40x125xi32, #tpu.memory_space<hbm>>
        %dma_wait3A_54 = arith.constant 0 : i32
        %dma_wait3A_55 = arith.constant 0 : i32
        %dma_wait3A_56 = arith.constant 0 : i32
        %dma_wait3A_57 = tpu.memref_slice %arg3[%add3A, %dma_wait3A_54, %dma_wait3A_55, %dma_wait3A_56] : memref<32x2x40x125xi32, #tpu.memory_space<hbm>> -> memref<1x2x40x125xi32, #tpu.memory_space<hbm>>
        %dma_wait3A_58 = tpu.memref_squeeze %dma_wait3A_57 : memref<1x2x40x125xi32, #tpu.memory_space<hbm>> -> memref<2x40x125xi32, #tpu.memory_space<hbm>>
        %dma_wait3A_59 = arith.constant 0 : i32
        %dma_wait3A_60 = arith.constant 0 : i32
        %dma_wait3A_61 = tpu.memref_slice %dma_wait3A_58[%add3A_16, %dma_wait3A_59, %dma_wait3A_60] : memref<2x40x125xi32, #tpu.memory_space<hbm>> -> memref<1x40x125xi32, #tpu.memory_space<hbm>>
        %dma_wait3A_62 = tpu.memref_squeeze %dma_wait3A_61 : memref<1x40x125xi32, #tpu.memory_space<hbm>> -> memref<40x125xi32, #tpu.memory_space<hbm>>
        tpu.wait_dma2 semaphore(%run_scoped3A : memref<!tpu.dma_semaphore, #tpu.memory_space<semaphore_mem>>) src(%dma_wait3A_62 : memref<40x125xi32, #tpu.memory_space<hbm>>) dst(%arg7 : memref<40x125xi32, #tpu.memory_space<vmem>>)
        tpu.yield
      }) : () -> ()
      "tpu.region"() ({
        %run_scoped3A = tpu.sem_alloc : memref<!tpu.dma_semaphore, #tpu.memory_space<semaphore_mem>>
        %dma_start3A_28 = arith.constant 0 : i32
        %dma_start3A_29 = arith.constant 0 : i32
        %dma_start3A_30 = arith.constant 0 : i32
        %dma_start3A_31 = tpu.memref_slice %arg4[%add3A, %dma_start3A_28, %dma_start3A_29, %dma_start3A_30] : memref<32x2x40x125xi32, #tpu.memory_space<hbm>> -> memref<1x2x40x125xi32, #tpu.memory_space<hbm>>
        %dma_start3A_32 = tpu.memref_squeeze %dma_start3A_31 : memref<1x2x40x125xi32, #tpu.memory_space<hbm>> -> memref<2x40x125xi32, #tpu.memory_space<hbm>>
        %dma_start3A_33 = arith.constant 0 : i32
        %dma_start3A_34 = arith.constant 0 : i32
        %dma_start3A_35 = tpu.memref_slice %dma_start3A_32[%add3A_16, %dma_start3A_33, %dma_start3A_34] : memref<2x40x125xi32, #tpu.memory_space<hbm>> -> memref<1x40x125xi32, #tpu.memory_space<hbm>>
        %dma_start3A_36 = tpu.memref_squeeze %dma_start3A_35 : memref<1x40x125xi32, #tpu.memory_space<hbm>> -> memref<40x125xi32, #tpu.memory_space<hbm>>
        %dma_start3A_37 = arith.constant 0 : i32
        %dma_start3A_38 = arith.constant 0 : i32
        %dma_start3A_39 = arith.constant 0 : i32
        %dma_start3A_40 = tpu.memref_slice %arg4[%add3A, %dma_start3A_37, %dma_start3A_38, %dma_start3A_39] : memref<32x2x40x125xi32, #tpu.memory_space<hbm>> -> memref<1x2x40x125xi32, #tpu.memory_space<hbm>>
        %dma_start3A_41 = tpu.memref_squeeze %dma_start3A_40 : memref<1x2x40x125xi32, #tpu.memory_space<hbm>> -> memref<2x40x125xi32, #tpu.memory_space<hbm>>
        %dma_start3A_42 = arith.constant 0 : i32
        %dma_start3A_43 = arith.constant 0 : i32
        %dma_start3A_44 = tpu.memref_slice %dma_start3A_41[%add3A_16, %dma_start3A_42, %dma_start3A_43] : memref<2x40x125xi32, #tpu.memory_space<hbm>> -> memref<1x40x125xi32, #tpu.memory_space<hbm>>
        %dma_start3A_45 = tpu.memref_squeeze %dma_start3A_44 : memref<1x40x125xi32, #tpu.memory_space<hbm>> -> memref<40x125xi32, #tpu.memory_space<hbm>>
        tpu.enqueue_dma source(%dma_start3A_45 : memref<40x125xi32, #tpu.memory_space<hbm>>) target(%arg8 : memref<40x125xi32, #tpu.memory_space<vmem>>) target_semaphore(%run_scoped3A : memref<!tpu.dma_semaphore, #tpu.memory_space<semaphore_mem>>)
        %dma_wait3A = arith.constant 0 : i32
        %dma_wait3A_46 = arith.constant 0 : i32
        %dma_wait3A_47 = arith.constant 0 : i32
        %dma_wait3A_48 = tpu.memref_slice %arg4[%add3A, %dma_wait3A, %dma_wait3A_46, %dma_wait3A_47] : memref<32x2x40x125xi32, #tpu.memory_space<hbm>> -> memref<1x2x40x125xi32, #tpu.memory_space<hbm>>
        %dma_wait3A_49 = tpu.memref_squeeze %dma_wait3A_48 : memref<1x2x40x125xi32, #tpu.memory_space<hbm>> -> memref<2x40x125xi32, #tpu.memory_space<hbm>>
        %dma_wait3A_50 = arith.constant 0 : i32
        %dma_wait3A_51 = arith.constant 0 : i32
        %dma_wait3A_52 = tpu.memref_slice %dma_wait3A_49[%add3A_16, %dma_wait3A_50, %dma_wait3A_51] : memref<2x40x125xi32, #tpu.memory_space<hbm>> -> memref<1x40x125xi32, #tpu.memory_space<hbm>>
        %dma_wait3A_53 = tpu.memref_squeeze %dma_wait3A_52 : memref<1x40x125xi32, #tpu.memory_space<hbm>> -> memref<40x125xi32, #tpu.memory_space<hbm>>
        %dma_wait3A_54 = arith.constant 0 : i32
        %dma_wait3A_55 = arith.constant 0 : i32
        %dma_wait3A_56 = arith.constant 0 : i32
        %dma_wait3A_57 = tpu.memref_slice %arg4[%add3A, %dma_wait3A_54, %dma_wait3A_55, %dma_wait3A_56] : memref<32x2x40x125xi32, #tpu.memory_space<hbm>> -> memref<1x2x40x125xi32, #tpu.memory_space<hbm>>
        %dma_wait3A_58 = tpu.memref_squeeze %dma_wait3A_57 : memref<1x2x40x125xi32, #tpu.memory_space<hbm>> -> memref<2x40x125xi32, #tpu.memory_space<hbm>>
        %dma_wait3A_59 = arith.constant 0 : i32
        %dma_wait3A_60 = arith.constant 0 : i32
        %dma_wait3A_61 = tpu.memref_slice %dma_wait3A_58[%add3A_16, %dma_wait3A_59, %dma_wait3A_60] : memref<2x40x125xi32, #tpu.memory_space<hbm>> -> memref<1x40x125xi32, #tpu.memory_space<hbm>>
        %dma_wait3A_62 = tpu.memref_squeeze %dma_wait3A_61 : memref<1x40x125xi32, #tpu.memory_space<hbm>> -> memref<40x125xi32, #tpu.memory_space<hbm>>
        tpu.wait_dma2 semaphore(%run_scoped3A : memref<!tpu.dma_semaphore, #tpu.memory_space<semaphore_mem>>) src(%dma_wait3A_62 : memref<40x125xi32, #tpu.memory_space<hbm>>) dst(%arg8 : memref<40x125xi32, #tpu.memory_space<vmem>>)
        tpu.yield
      }) : () -> ()
      %dma_start3A = arith.constant 0 : i32
      %dma_start3A_17 = arith.constant 0 : i32
      %dma_start3A_18 = tpu.memref_slice %arg7[%dma_start3A, %dma_start3A_17] : memref<40x125xi32, #tpu.memory_space<vmem>> -> memref<1x125xi32, #tpu.memory_space<vmem>>
      %dma_start3A_19 = tpu.memref_squeeze %dma_start3A_18 : memref<1x125xi32, #tpu.memory_space<vmem>> -> memref<125xi32, #tpu.memory_space<vmem>>
      %dma_start3A_20 = arith.constant 0 : i32
      %dma_start3A_21 = arith.constant 0 : i32
      %dma_start3A_22 = tpu.memref_slice %arg2[%dma_start3A_20, %dma_start3A_21] : memref<10000x128xf32, #tpu.memory_space<hbm>> -> memref<10000x128xf32, #tpu.memory_space<hbm>>
      tpu.enqueue_indirect_dma source(%dma_start3A_22 : memref<10000x128xf32, #tpu.memory_space<hbm>>) target(%arg9 : memref<125x128xf32, #tpu.memory_space<vmem>>) offsets(%dma_start3A_19 : memref<125xi32, #tpu.memory_space<vmem>>) semaphore(%arg11 : memref<!tpu.dma_semaphore, #tpu.memory_space<semaphore_mem>>)
      %scan3A_23 = arith.constant 0 : i32
      %scan3A_24 = arith.constant 20 : i32
      %scan3A_25 = arith.addi %scan3A_23, %scan3A_24 : i32
      %scan3A_26 = arith.constant 1 : i32
      scf.for %scan3A_28 = %scan3A_23 to %scan3A_25 step %scan3A_26  : i32 {
        %mul3A_29 = arith.constant 1 : i32
        %mul3A_30 = arith.muli %scan3A_28, %mul3A_29 : i32
        %add3A_31 = arith.constant 0 : i32
        %add3A_32 = arith.addi %add3A_31, %mul3A_30 : i32
        %mul3A_33 = arith.constant 2 : i32
        %mul3A_34 = arith.muli %add3A_32, %mul3A_33 : i32
        %add3A_35 = arith.constant 1 : i32
        %add3A_36 = arith.addi %mul3A_34, %add3A_35 : i32
        %dma_start3A_37 = arith.constant 0 : i32
        %dma_start3A_38 = tpu.memref_slice %arg7[%add3A_36, %dma_start3A_37] : memref<40x125xi32, #tpu.memory_space<vmem>> -> memref<1x125xi32, #tpu.memory_space<vmem>>
        %dma_start3A_39 = tpu.memref_squeeze %dma_start3A_38 : memref<1x125xi32, #tpu.memory_space<vmem>> -> memref<125xi32, #tpu.memory_space<vmem>>
        %dma_start3A_40 = arith.constant 0 : i32
        %dma_start3A_41 = arith.constant 0 : i32
        %dma_start3A_42 = tpu.memref_slice %arg2[%dma_start3A_40, %dma_start3A_41] : memref<10000x128xf32, #tpu.memory_space<hbm>> -> memref<10000x128xf32, #tpu.memory_space<hbm>>
        tpu.enqueue_indirect_dma source(%dma_start3A_42 : memref<10000x128xf32, #tpu.memory_space<hbm>>) target(%arg10 : memref<125x128xf32, #tpu.memory_space<vmem>>) offsets(%dma_start3A_39 : memref<125xi32, #tpu.memory_space<vmem>>) semaphore(%arg12 : memref<!tpu.dma_semaphore, #tpu.memory_space<semaphore_mem>>)
        %dma_wait3A = arith.constant 0 : i32
        %dma_wait3A_43 = tpu.memref_slice %arg7[%mul3A_34, %dma_wait3A] : memref<40x125xi32, #tpu.memory_space<vmem>> -> memref<1x125xi32, #tpu.memory_space<vmem>>
        %dma_wait3A_44 = tpu.memref_squeeze %dma_wait3A_43 : memref<1x125xi32, #tpu.memory_space<vmem>> -> memref<125xi32, #tpu.memory_space<vmem>>
        %dma_wait3A_45 = arith.constant 0 : i32
        %dma_wait3A_46 = arith.constant 0 : i32
        %dma_wait3A_47 = tpu.memref_slice %arg2[%dma_wait3A_45, %dma_wait3A_46] : memref<10000x128xf32, #tpu.memory_space<hbm>> -> memref<10000x128xf32, #tpu.memory_space<hbm>>
        tpu.wait_indirect_dma semaphore(%arg11 : memref<!tpu.dma_semaphore, #tpu.memory_space<semaphore_mem>>) src(%dma_wait3A_47 : memref<10000x128xf32, #tpu.memory_space<hbm>>) dst(%arg9 : memref<125x128xf32, #tpu.memory_space<vmem>>)
        "tpu.region"() ({
          %run_scoped3A = tpu.sem_alloc : memref<!tpu.dma_semaphore, #tpu.memory_space<semaphore_mem>>
          %dma_start3A_60 = arith.constant 0 : i32
          %dma_start3A_61 = tpu.memref_slice %arg8[%mul3A_34, %dma_start3A_60] : memref<40x125xi32, #tpu.memory_space<vmem>> -> memref<1x125xi32, #tpu.memory_space<vmem>>
          %dma_start3A_62 = tpu.memref_squeeze %dma_start3A_61 : memref<1x125xi32, #tpu.memory_space<vmem>> -> memref<125xi32, #tpu.memory_space<vmem>>
          %dma_start3A_63 = arith.constant 0 : i32
          %dma_start3A_64 = arith.constant 0 : i32
          %dma_start3A_65 = tpu.memref_slice %arg13[%dma_start3A_63, %dma_start3A_64] : memref<10240x128xf32, #tpu.memory_space<vmem_shared>> -> memref<10240x128xf32, #tpu.memory_space<vmem_shared>>
          tpu.enqueue_indirect_dma source(%arg9 : memref<125x128xf32, #tpu.memory_space<vmem>>) target(%dma_start3A_65 : memref<10240x128xf32, #tpu.memory_space<vmem_shared>>) offsets(%dma_start3A_62 : memref<125xi32, #tpu.memory_space<vmem>>) semaphore(%run_scoped3A : memref<!tpu.dma_semaphore, #tpu.memory_space<semaphore_mem>>) {add = true}
          %dma_wait3A_66 = arith.constant 0 : i32
          %dma_wait3A_67 = tpu.memref_slice %arg8[%mul3A_34, %dma_wait3A_66] : memref<40x125xi32, #tpu.memory_space<vmem>> -> memref<1x125xi32, #tpu.memory_space<vmem>>
          %dma_wait3A_68 = tpu.memref_squeeze %dma_wait3A_67 : memref<1x125xi32, #tpu.memory_space<vmem>> -> memref<125xi32, #tpu.memory_space<vmem>>
          %dma_wait3A_69 = arith.constant 0 : i32
          %dma_wait3A_70 = arith.constant 0 : i32
          %dma_wait3A_71 = tpu.memref_slice %arg13[%dma_wait3A_69, %dma_wait3A_70] : memref<10240x128xf32, #tpu.memory_space<vmem_shared>> -> memref<10240x128xf32, #tpu.memory_space<vmem_shared>>
          tpu.wait_indirect_dma semaphore(%run_scoped3A : memref<!tpu.dma_semaphore, #tpu.memory_space<semaphore_mem>>) src(%arg9 : memref<125x128xf32, #tpu.memory_space<vmem>>) dst(%dma_wait3A_71 : memref<10240x128xf32, #tpu.memory_space<vmem_shared>>)
          tpu.yield
        }) : () -> ()
        %lt3A = arith.constant 19 : i32
        %lt3A_48 = arith.cmpi slt, %add3A_32, %lt3A : i32
        %convert_element_type3A = arith.extui %lt3A_48 : i1 to i32
        %cond3A = arith.constant 0 : i32
        %cond3A_49 = arith.cmpi ne, %convert_element_type3A, %cond3A : i32
        scf.if %cond3A_49 {
          %add3A_60 = arith.constant 2 : i32
          %add3A_61 = arith.addi %mul3A_34, %add3A_60 : i32
          %dma_start3A_62 = arith.constant 0 : i32
          %dma_start3A_63 = tpu.memref_slice %arg7[%add3A_61, %dma_start3A_62] : memref<40x125xi32, #tpu.memory_space<vmem>> -> memref<1x125xi32, #tpu.memory_space<vmem>>
          %dma_start3A_64 = tpu.memref_squeeze %dma_start3A_63 : memref<1x125xi32, #tpu.memory_space<vmem>> -> memref<125xi32, #tpu.memory_space<vmem>>
          %dma_start3A_65 = arith.constant 0 : i32
          %dma_start3A_66 = arith.constant 0 : i32
          %dma_start3A_67 = tpu.memref_slice %arg2[%dma_start3A_65, %dma_start3A_66] : memref<10000x128xf32, #tpu.memory_space<hbm>> -> memref<10000x128xf32, #tpu.memory_space<hbm>>
          tpu.enqueue_indirect_dma source(%dma_start3A_67 : memref<10000x128xf32, #tpu.memory_space<hbm>>) target(%arg9 : memref<125x128xf32, #tpu.memory_space<vmem>>) offsets(%dma_start3A_64 : memref<125xi32, #tpu.memory_space<vmem>>) semaphore(%arg11 : memref<!tpu.dma_semaphore, #tpu.memory_space<semaphore_mem>>)
        } else {
        }
        %add3A_50 = arith.constant 1 : i32
        %add3A_51 = arith.addi %mul3A_34, %add3A_50 : i32
        %dma_wait3A_52 = arith.constant 0 : i32
        %dma_wait3A_53 = tpu.memref_slice %arg7[%add3A_51, %dma_wait3A_52] : memref<40x125xi32, #tpu.memory_space<vmem>> -> memref<1x125xi32, #tpu.memory_space<vmem>>
        %dma_wait3A_54 = tpu.memref_squeeze %dma_wait3A_53 : memref<1x125xi32, #tpu.memory_space<vmem>> -> memref<125xi32, #tpu.memory_space<vmem>>
        %dma_wait3A_55 = arith.constant 0 : i32
        %dma_wait3A_56 = arith.constant 0 : i32
        %dma_wait3A_57 = tpu.memref_slice %arg2[%dma_wait3A_55, %dma_wait3A_56] : memref<10000x128xf32, #tpu.memory_space<hbm>> -> memref<10000x128xf32, #tpu.memory_space<hbm>>
        tpu.wait_indirect_dma semaphore(%arg12 : memref<!tpu.dma_semaphore, #tpu.memory_space<semaphore_mem>>) src(%dma_wait3A_57 : memref<10000x128xf32, #tpu.memory_space<hbm>>) dst(%arg10 : memref<125x128xf32, #tpu.memory_space<vmem>>)
        %add3A_58 = arith.constant 1 : i32
        %add3A_59 = arith.addi %mul3A_34, %add3A_58 : i32
        "tpu.region"() ({
          %run_scoped3A = tpu.sem_alloc : memref<!tpu.dma_semaphore, #tpu.memory_space<semaphore_mem>>
          %dma_start3A_60 = arith.constant 0 : i32
          %dma_start3A_61 = tpu.memref_slice %arg8[%add3A_59, %dma_start3A_60] : memref<40x125xi32, #tpu.memory_space<vmem>> -> memref<1x125xi32, #tpu.memory_space<vmem>>
          %dma_start3A_62 = tpu.memref_squeeze %dma_start3A_61 : memref<1x125xi32, #tpu.memory_space<vmem>> -> memref<125xi32, #tpu.memory_space<vmem>>
          %dma_start3A_63 = arith.constant 0 : i32
          %dma_start3A_64 = arith.constant 0 : i32
          %dma_start3A_65 = tpu.memref_slice %arg13[%dma_start3A_63, %dma_start3A_64] : memref<10240x128xf32, #tpu.memory_space<vmem_shared>> -> memref<10240x128xf32, #tpu.memory_space<vmem_shared>>
          tpu.enqueue_indirect_dma source(%arg10 : memref<125x128xf32, #tpu.memory_space<vmem>>) target(%dma_start3A_65 : memref<10240x128xf32, #tpu.memory_space<vmem_shared>>) offsets(%dma_start3A_62 : memref<125xi32, #tpu.memory_space<vmem>>) semaphore(%run_scoped3A : memref<!tpu.dma_semaphore, #tpu.memory_space<semaphore_mem>>) {add = true}
          %dma_wait3A_66 = arith.constant 0 : i32
          %dma_wait3A_67 = tpu.memref_slice %arg8[%add3A_59, %dma_wait3A_66] : memref<40x125xi32, #tpu.memory_space<vmem>> -> memref<1x125xi32, #tpu.memory_space<vmem>>
          %dma_wait3A_68 = tpu.memref_squeeze %dma_wait3A_67 : memref<1x125xi32, #tpu.memory_space<vmem>> -> memref<125xi32, #tpu.memory_space<vmem>>
          %dma_wait3A_69 = arith.constant 0 : i32
          %dma_wait3A_70 = arith.constant 0 : i32
          %dma_wait3A_71 = tpu.memref_slice %arg13[%dma_wait3A_69, %dma_wait3A_70] : memref<10240x128xf32, #tpu.memory_space<vmem_shared>> -> memref<10240x128xf32, #tpu.memory_space<vmem_shared>>
          tpu.wait_indirect_dma semaphore(%run_scoped3A : memref<!tpu.dma_semaphore, #tpu.memory_space<semaphore_mem>>) src(%arg10 : memref<125x128xf32, #tpu.memory_space<vmem>>) dst(%dma_wait3A_71 : memref<10240x128xf32, #tpu.memory_space<vmem_shared>>)
          tpu.yield
        }) : () -> ()
      }
      %scan3A_27 = arith.constant 20 : i32
    }
    %scan3A_6 = arith.constant 2 : i32
    %barrier3A_7 = arith.constant 0 : index
    tpu.barrier barrier_id(%barrier3A_7)
    %mul3A_8 = arith.constant 640 : i32
    %mul3A_9 = arith.muli %arg1, %mul3A_8 : i32
    %mul3A_10 = arith.constant 640 : i32
    %mul3A_11 = arith.muli %arg1, %mul3A_10 : i32
    "tpu.region"() ({
      %run_scoped3A = tpu.sem_alloc : memref<!tpu.dma_semaphore, #tpu.memory_space<semaphore_mem>>
      %dma_start3A = arith.constant 0 : i32
      %dma_start3A_12 = arith.constant 0 : i32
      %dma_start3A_13 = tpu.memref_slice %arg6[%arg0, %dma_start3A, %dma_start3A_12] : memref<2x10240x128xf32, #tpu.memory_space<hbm>> -> memref<1x10240x128xf32, #tpu.memory_space<hbm>>
      %dma_start3A_14 = tpu.memref_squeeze %dma_start3A_13 : memref<1x10240x128xf32, #tpu.memory_space<hbm>> -> memref<10240x128xf32, #tpu.memory_space<hbm>>
      %dma_start3A_15 = arith.constant 0 : i32
      %dma_start3A_16 = tpu.memref_slice %dma_start3A_14[%mul3A_11, %dma_start3A_15] : memref<10240x128xf32, #tpu.memory_space<hbm>> -> memref<640x128xf32, #tpu.memory_space<hbm>>
      %dma_start3A_17 = arith.constant 0 : i32
      %dma_start3A_18 = tpu.memref_slice %arg13[%mul3A_9, %dma_start3A_17] : memref<10240x128xf32, #tpu.memory_space<vmem_shared>> -> memref<640x128xf32, #tpu.memory_space<vmem_shared>>
      tpu.enqueue_dma source(%dma_start3A_18 : memref<640x128xf32, #tpu.memory_space<vmem_shared>>) target(%dma_start3A_16 : memref<640x128xf32, #tpu.memory_space<hbm>>) target_semaphore(%run_scoped3A : memref<!tpu.dma_semaphore, #tpu.memory_space<semaphore_mem>>)
      %dma_wait3A = arith.constant 0 : i32
      %dma_wait3A_19 = arith.constant 0 : i32
      %dma_wait3A_20 = tpu.memref_slice %arg6[%arg0, %dma_wait3A, %dma_wait3A_19] : memref<2x10240x128xf32, #tpu.memory_space<hbm>> -> memref<1x10240x128xf32, #tpu.memory_space<hbm>>
      %dma_wait3A_21 = tpu.memref_squeeze %dma_wait3A_20 : memref<1x10240x128xf32, #tpu.memory_space<hbm>> -> memref<10240x128xf32, #tpu.memory_space<hbm>>
      %dma_wait3A_22 = arith.constant 0 : i32
      %dma_wait3A_23 = tpu.memref_slice %dma_wait3A_21[%mul3A_11, %dma_wait3A_22] : memref<10240x128xf32, #tpu.memory_space<hbm>> -> memref<640x128xf32, #tpu.memory_space<hbm>>
      %dma_wait3A_24 = arith.constant 0 : i32
      %dma_wait3A_25 = tpu.memref_slice %arg13[%mul3A_9, %dma_wait3A_24] : memref<10240x128xf32, #tpu.memory_space<vmem_shared>> -> memref<640x128xf32, #tpu.memory_space<vmem_shared>>
      tpu.wait_dma2 semaphore(%run_scoped3A : memref<!tpu.dma_semaphore, #tpu.memory_space<semaphore_mem>>) src(%dma_wait3A_25 : memref<640x128xf32, #tpu.memory_space<vmem_shared>>) dst(%dma_wait3A_23 : memref<640x128xf32, #tpu.memory_space<hbm>>)
      tpu.yield
    }) : () -> ()
    return
  }
}

#map = affine_map<(d0, d1) -> (0, 0)>
#map1 = affine_map<(d0, d1) -> (0, 0, 0)>
module attributes {stable_mosaic.version = 14 : i64} {
  func.func @_deg_body(%arg0: i32, %arg1: i32, %arg2: memref<32x10000xi32, #tpu.memory_space<hbm>>, %arg3: memref<32x10000xi32, #tpu.memory_space<hbm>>, %arg4: memref<640x128xf32, #tpu.memory_space<hbm>>, %arg5: memref<2x80x128xf32, #tpu.memory_space<hbm>>, %arg6: memref<2x80x128xf32, #tpu.memory_space<hbm>>, %arg7: memref<10000xi32, #tpu.memory_space<vmem>>, %arg8: memref<10000xi32, #tpu.memory_space<vmem>>, %arg9: memref<80x128xf32, #tpu.memory_space<vmem>>, %arg10: memref<80x128xf32, #tpu.memory_space<vmem>>, %arg11: memref<80xi32, #tpu.memory_space<vmem>>, %arg12: memref<80x128xf32, #tpu.memory_space<vmem_shared>>, %arg13: memref<80x128xf32, #tpu.memory_space<vmem_shared>>) attributes {dimension_semantics = [#tpu.dimension_semantics<core_parallel>, #tpu.dimension_semantics<subcore_parallel>], iteration_bounds = array<i64: 2, 16>, scalar_prefetch = 0 : i64, scratch_operands = 7 : i64, tpu.core_type = #tpu.core_type<sc_vector_subcore>, window_params = [{transform_indices = #map}, {transform_indices = #map}, {transform_indices = #map}, {transform_indices = #map1}, {transform_indices = #map1}]} {
    %mul3A = arith.constant 2 : i32
    %mul3A_0 = arith.muli %arg1, %mul3A : i32
    %add3A = arith.addi %mul3A_0, %arg0 : i32
    "tpu.region"() ({
      %run_scoped3A = tpu.sem_alloc : memref<!tpu.dma_semaphore, #tpu.memory_space<semaphore_mem>>
      %dma_start3A = arith.constant 0 : i32
      %dma_start3A_18 = tpu.memref_slice %arg2[%add3A, %dma_start3A] : memref<32x10000xi32, #tpu.memory_space<hbm>> -> memref<1x10000xi32, #tpu.memory_space<hbm>>
      %dma_start3A_19 = tpu.memref_squeeze %dma_start3A_18 : memref<1x10000xi32, #tpu.memory_space<hbm>> -> memref<10000xi32, #tpu.memory_space<hbm>>
      %dma_start3A_20 = arith.constant 0 : i32
      %dma_start3A_21 = tpu.memref_slice %arg2[%add3A, %dma_start3A_20] : memref<32x10000xi32, #tpu.memory_space<hbm>> -> memref<1x10000xi32, #tpu.memory_space<hbm>>
      %dma_start3A_22 = tpu.memref_squeeze %dma_start3A_21 : memref<1x10000xi32, #tpu.memory_space<hbm>> -> memref<10000xi32, #tpu.memory_space<hbm>>
      tpu.enqueue_dma source(%dma_start3A_22 : memref<10000xi32, #tpu.memory_space<hbm>>) target(%arg7 : memref<10000xi32, #tpu.memory_space<vmem>>) target_semaphore(%run_scoped3A : memref<!tpu.dma_semaphore, #tpu.memory_space<semaphore_mem>>)
      %dma_wait3A = arith.constant 0 : i32
      %dma_wait3A_23 = tpu.memref_slice %arg2[%add3A, %dma_wait3A] : memref<32x10000xi32, #tpu.memory_space<hbm>> -> memref<1x10000xi32, #tpu.memory_space<hbm>>
      %dma_wait3A_24 = tpu.memref_squeeze %dma_wait3A_23 : memref<1x10000xi32, #tpu.memory_space<hbm>> -> memref<10000xi32, #tpu.memory_space<hbm>>
      %dma_wait3A_25 = arith.constant 0 : i32
      %dma_wait3A_26 = tpu.memref_slice %arg2[%add3A, %dma_wait3A_25] : memref<32x10000xi32, #tpu.memory_space<hbm>> -> memref<1x10000xi32, #tpu.memory_space<hbm>>
      %dma_wait3A_27 = tpu.memref_squeeze %dma_wait3A_26 : memref<1x10000xi32, #tpu.memory_space<hbm>> -> memref<10000xi32, #tpu.memory_space<hbm>>
      tpu.wait_dma2 semaphore(%run_scoped3A : memref<!tpu.dma_semaphore, #tpu.memory_space<semaphore_mem>>) src(%dma_wait3A_27 : memref<10000xi32, #tpu.memory_space<hbm>>) dst(%arg7 : memref<10000xi32, #tpu.memory_space<vmem>>)
      tpu.yield
    }) : () -> ()
    "tpu.region"() ({
      %run_scoped3A = tpu.sem_alloc : memref<!tpu.dma_semaphore, #tpu.memory_space<semaphore_mem>>
      %dma_start3A = arith.constant 0 : i32
      %dma_start3A_18 = tpu.memref_slice %arg3[%add3A, %dma_start3A] : memref<32x10000xi32, #tpu.memory_space<hbm>> -> memref<1x10000xi32, #tpu.memory_space<hbm>>
      %dma_start3A_19 = tpu.memref_squeeze %dma_start3A_18 : memref<1x10000xi32, #tpu.memory_space<hbm>> -> memref<10000xi32, #tpu.memory_space<hbm>>
      %dma_start3A_20 = arith.constant 0 : i32
      %dma_start3A_21 = tpu.memref_slice %arg3[%add3A, %dma_start3A_20] : memref<32x10000xi32, #tpu.memory_space<hbm>> -> memref<1x10000xi32, #tpu.memory_space<hbm>>
      %dma_start3A_22 = tpu.memref_squeeze %dma_start3A_21 : memref<1x10000xi32, #tpu.memory_space<hbm>> -> memref<10000xi32, #tpu.memory_space<hbm>>
      tpu.enqueue_dma source(%dma_start3A_22 : memref<10000xi32, #tpu.memory_space<hbm>>) target(%arg8 : memref<10000xi32, #tpu.memory_space<vmem>>) target_semaphore(%run_scoped3A : memref<!tpu.dma_semaphore, #tpu.memory_space<semaphore_mem>>)
      %dma_wait3A = arith.constant 0 : i32
      %dma_wait3A_23 = tpu.memref_slice %arg3[%add3A, %dma_wait3A] : memref<32x10000xi32, #tpu.memory_space<hbm>> -> memref<1x10000xi32, #tpu.memory_space<hbm>>
      %dma_wait3A_24 = tpu.memref_squeeze %dma_wait3A_23 : memref<1x10000xi32, #tpu.memory_space<hbm>> -> memref<10000xi32, #tpu.memory_space<hbm>>
      %dma_wait3A_25 = arith.constant 0 : i32
      %dma_wait3A_26 = tpu.memref_slice %arg3[%add3A, %dma_wait3A_25] : memref<32x10000xi32, #tpu.memory_space<hbm>> -> memref<1x10000xi32, #tpu.memory_space<hbm>>
      %dma_wait3A_27 = tpu.memref_squeeze %dma_wait3A_26 : memref<1x10000xi32, #tpu.memory_space<hbm>> -> memref<10000xi32, #tpu.memory_space<hbm>>
      tpu.wait_dma2 semaphore(%run_scoped3A : memref<!tpu.dma_semaphore, #tpu.memory_space<semaphore_mem>>) src(%dma_wait3A_27 : memref<10000xi32, #tpu.memory_space<hbm>>) dst(%arg8 : memref<10000xi32, #tpu.memory_space<vmem>>)
      tpu.yield
    }) : () -> ()
    "tpu.region"() ({
      %run_scoped3A = tpu.sem_alloc : memref<!tpu.dma_semaphore, #tpu.memory_space<semaphore_mem>>
      %dma_start3A = arith.constant 0 : i32
      %dma_start3A_18 = arith.constant 0 : i32
      %dma_start3A_19 = tpu.memref_slice %arg4[%dma_start3A, %dma_start3A_18] : memref<640x128xf32, #tpu.memory_space<hbm>> -> memref<80x128xf32, #tpu.memory_space<hbm>>
      %dma_start3A_20 = arith.constant 0 : i32
      %dma_start3A_21 = arith.constant 0 : i32
      %dma_start3A_22 = tpu.memref_slice %arg4[%dma_start3A_20, %dma_start3A_21] : memref<640x128xf32, #tpu.memory_space<hbm>> -> memref<80x128xf32, #tpu.memory_space<hbm>>
      tpu.enqueue_dma source(%dma_start3A_22 : memref<80x128xf32, #tpu.memory_space<hbm>>) target(%arg9 : memref<80x128xf32, #tpu.memory_space<vmem>>) target_semaphore(%run_scoped3A : memref<!tpu.dma_semaphore, #tpu.memory_space<semaphore_mem>>)
      %dma_wait3A = arith.constant 0 : i32
      %dma_wait3A_23 = arith.constant 0 : i32
      %dma_wait3A_24 = tpu.memref_slice %arg4[%dma_wait3A, %dma_wait3A_23] : memref<640x128xf32, #tpu.memory_space<hbm>> -> memref<80x128xf32, #tpu.memory_space<hbm>>
      %dma_wait3A_25 = arith.constant 0 : i32
      %dma_wait3A_26 = arith.constant 0 : i32
      %dma_wait3A_27 = tpu.memref_slice %arg4[%dma_wait3A_25, %dma_wait3A_26] : memref<640x128xf32, #tpu.memory_space<hbm>> -> memref<80x128xf32, #tpu.memory_space<hbm>>
      tpu.wait_dma2 semaphore(%run_scoped3A : memref<!tpu.dma_semaphore, #tpu.memory_space<semaphore_mem>>) src(%dma_wait3A_27 : memref<80x128xf32, #tpu.memory_space<hbm>>) dst(%arg9 : memref<80x128xf32, #tpu.memory_space<vmem>>)
      tpu.yield
    }) : () -> ()
    "tpu.region"() ({
      %run_scoped3A = tpu.sem_alloc : memref<!tpu.dma_semaphore, #tpu.memory_space<semaphore_mem>>
      %dma_start3A = arith.constant 0 : i32
      %dma_start3A_18 = arith.constant 0 : i32
      %dma_start3A_19 = tpu.memref_slice %arg4[%dma_start3A, %dma_start3A_18] : memref<640x128xf32, #tpu.memory_space<hbm>> -> memref<80x128xf32, #tpu.memory_space<hbm>>
      %dma_start3A_20 = arith.constant 0 : i32
      %dma_start3A_21 = arith.constant 0 : i32
      %dma_start3A_22 = tpu.memref_slice %arg4[%dma_start3A_20, %dma_start3A_21] : memref<640x128xf32, #tpu.memory_space<hbm>> -> memref<80x128xf32, #tpu.memory_space<hbm>>
      tpu.enqueue_dma source(%dma_start3A_22 : memref<80x128xf32, #tpu.memory_space<hbm>>) target(%arg10 : memref<80x128xf32, #tpu.memory_space<vmem>>) target_semaphore(%run_scoped3A : memref<!tpu.dma_semaphore, #tpu.memory_space<semaphore_mem>>)
      %dma_wait3A = arith.constant 0 : i32
      %dma_wait3A_23 = arith.constant 0 : i32
      %dma_wait3A_24 = tpu.memref_slice %arg4[%dma_wait3A, %dma_wait3A_23] : memref<640x128xf32, #tpu.memory_space<hbm>> -> memref<80x128xf32, #tpu.memory_space<hbm>>
      %dma_wait3A_25 = arith.constant 0 : i32
      %dma_wait3A_26 = arith.constant 0 : i32
      %dma_wait3A_27 = tpu.memref_slice %arg4[%dma_wait3A_25, %dma_wait3A_26] : memref<640x128xf32, #tpu.memory_space<hbm>> -> memref<80x128xf32, #tpu.memory_space<hbm>>
      tpu.wait_dma2 semaphore(%run_scoped3A : memref<!tpu.dma_semaphore, #tpu.memory_space<semaphore_mem>>) src(%dma_wait3A_27 : memref<80x128xf32, #tpu.memory_space<hbm>>) dst(%arg10 : memref<80x128xf32, #tpu.memory_space<vmem>>)
      tpu.yield
    }) : () -> ()
    %lt3A = arith.constant 10 : i32
    %lt3A_1 = arith.cmpi slt, %arg1, %lt3A : i32
    %convert_element_type3A = arith.extui %lt3A_1 : i1 to i32
    %cond3A = arith.constant 0 : i32
    %cond3A_2 = arith.cmpi ne, %convert_element_type3A, %cond3A : i32
    scf.if %cond3A_2 {
      %mul3A_18 = arith.constant 8 : i32
      %mul3A_19 = arith.muli %arg1, %mul3A_18 : i32
      "tpu.region"() ({
        %run_scoped3A = tpu.sem_alloc : memref<!tpu.dma_semaphore, #tpu.memory_space<semaphore_mem>>
        %dma_start3A = arith.constant 0 : i32
        %dma_start3A_22 = tpu.memref_slice %arg12[%mul3A_19, %dma_start3A] : memref<80x128xf32, #tpu.memory_space<vmem_shared>> -> memref<8x128xf32, #tpu.memory_space<vmem_shared>>
        %dma_start3A_23 = arith.constant 0 : i32
        %dma_start3A_24 = arith.constant 0 : i32
        %dma_start3A_25 = tpu.memref_slice %arg4[%dma_start3A_23, %dma_start3A_24] : memref<640x128xf32, #tpu.memory_space<hbm>> -> memref<8x128xf32, #tpu.memory_space<hbm>>
        tpu.enqueue_dma source(%dma_start3A_25 : memref<8x128xf32, #tpu.memory_space<hbm>>) target(%dma_start3A_22 : memref<8x128xf32, #tpu.memory_space<vmem_shared>>) target_semaphore(%run_scoped3A : memref<!tpu.dma_semaphore, #tpu.memory_space<semaphore_mem>>)
        %dma_wait3A = arith.constant 0 : i32
        %dma_wait3A_26 = tpu.memref_slice %arg12[%mul3A_19, %dma_wait3A] : memref<80x128xf32, #tpu.memory_space<vmem_shared>> -> memref<8x128xf32, #tpu.memory_space<vmem_shared>>
        %dma_wait3A_27 = arith.constant 0 : i32
        %dma_wait3A_28 = arith.constant 0 : i32
        %dma_wait3A_29 = tpu.memref_slice %arg4[%dma_wait3A_27, %dma_wait3A_28] : memref<640x128xf32, #tpu.memory_space<hbm>> -> memref<8x128xf32, #tpu.memory_space<hbm>>
        tpu.wait_dma2 semaphore(%run_scoped3A : memref<!tpu.dma_semaphore, #tpu.memory_space<semaphore_mem>>) src(%dma_wait3A_29 : memref<8x128xf32, #tpu.memory_space<hbm>>) dst(%dma_wait3A_26 : memref<8x128xf32, #tpu.memory_space<vmem_shared>>)
        tpu.yield
      }) : () -> ()
      %mul3A_20 = arith.constant 8 : i32
      %mul3A_21 = arith.muli %arg1, %mul3A_20 : i32
      "tpu.region"() ({
        %run_scoped3A = tpu.sem_alloc : memref<!tpu.dma_semaphore, #tpu.memory_space<semaphore_mem>>
        %dma_start3A = arith.constant 0 : i32
        %dma_start3A_22 = tpu.memref_slice %arg13[%mul3A_21, %dma_start3A] : memref<80x128xf32, #tpu.memory_space<vmem_shared>> -> memref<8x128xf32, #tpu.memory_space<vmem_shared>>
        %dma_start3A_23 = arith.constant 0 : i32
        %dma_start3A_24 = arith.constant 0 : i32
        %dma_start3A_25 = tpu.memref_slice %arg4[%dma_start3A_23, %dma_start3A_24] : memref<640x128xf32, #tpu.memory_space<hbm>> -> memref<8x128xf32, #tpu.memory_space<hbm>>
        tpu.enqueue_dma source(%dma_start3A_25 : memref<8x128xf32, #tpu.memory_space<hbm>>) target(%dma_start3A_22 : memref<8x128xf32, #tpu.memory_space<vmem_shared>>) target_semaphore(%run_scoped3A : memref<!tpu.dma_semaphore, #tpu.memory_space<semaphore_mem>>)
        %dma_wait3A = arith.constant 0 : i32
        %dma_wait3A_26 = tpu.memref_slice %arg13[%mul3A_21, %dma_wait3A] : memref<80x128xf32, #tpu.memory_space<vmem_shared>> -> memref<8x128xf32, #tpu.memory_space<vmem_shared>>
        %dma_wait3A_27 = arith.constant 0 : i32
        %dma_wait3A_28 = arith.constant 0 : i32
        %dma_wait3A_29 = tpu.memref_slice %arg4[%dma_wait3A_27, %dma_wait3A_28] : memref<640x128xf32, #tpu.memory_space<hbm>> -> memref<8x128xf32, #tpu.memory_space<hbm>>
        tpu.wait_dma2 semaphore(%run_scoped3A : memref<!tpu.dma_semaphore, #tpu.memory_space<semaphore_mem>>) src(%dma_wait3A_29 : memref<8x128xf32, #tpu.memory_space<hbm>>) dst(%dma_wait3A_26 : memref<8x128xf32, #tpu.memory_space<vmem_shared>>)
        tpu.yield
      }) : () -> ()
    } else {
    }
    %scan3A = arith.constant 0 : i32
    %scan3A_3 = arith.constant 5 : i32
    %scan3A_4 = arith.addi %scan3A, %scan3A_3 : i32
    %scan3A_5 = arith.constant 1 : i32
    scf.for %scan3A_18 = %scan3A to %scan3A_4 step %scan3A_5  : i32 {
      %mul3A_19 = arith.constant 1 : i32
      %mul3A_20 = arith.muli %scan3A_18, %mul3A_19 : i32
      %add3A_21 = arith.constant 0 : i32
      %add3A_22 = arith.addi %add3A_21, %mul3A_20 : i32
      %iota3A = tpu.iota {dimensions = array<i32: 0>} : vector<16xi32>
      %mul3A_23 = arith.constant 16 : i32
      %mul3A_24 = arith.muli %add3A_22, %mul3A_23 : i32
      %add3A_25 = vector.broadcast %mul3A_24 : i32 to vector<16xi32>
      %add3A_26 = arith.addi %iota3A, %add3A_25 : vector<16xi32>
      %mul3A_27 = arith.constant 16 : i32
      %mul3A_28 = arith.muli %add3A_22, %mul3A_27 : i32
      %swap3A = arith.index_cast %mul3A_28 : i32 to index
      %swap3A_29 = tpu.vector_load %arg11[%swap3A] {strides = array<i32>} : memref<80xi32, #tpu.memory_space<vmem>>, vector<16xi32>,
      tpu.vector_store %arg11[%swap3A], %add3A_26 {strides = array<i32>} : memref<80xi32, #tpu.memory_space<vmem>>, vector<16xi32>,
    }
    %scan3A_6 = arith.constant 5 : i32
    %scan3A_7 = arith.constant 0 : i32
    %scan3A_8 = arith.constant 625 : i32
    %scan3A_9 = arith.addi %scan3A_7, %scan3A_8 : i32
    %scan3A_10 = arith.constant 1 : i32
    scf.for %scan3A_18 = %scan3A_7 to %scan3A_9 step %scan3A_10  : i32 {
      %mul3A_19 = arith.constant 1 : i32
      %mul3A_20 = arith.muli %scan3A_18, %mul3A_19 : i32
      %add3A_21 = arith.constant 0 : i32
      %add3A_22 = arith.addi %add3A_21, %mul3A_20 : i32
      %mul3A_23 = arith.constant 16 : i32
      %mul3A_24 = arith.muli %add3A_22, %mul3A_23 : i32
      %get3A = arith.index_cast %mul3A_24 : i32 to index
      %get3A_25 = tpu.vector_load %arg7[%get3A] {strides = array<i32>} : memref<10000xi32, #tpu.memory_space<vmem>>, vector<16xi32>,
      %broadcast_in_dim3A = arith.constant true
      %broadcast_in_dim3A_26 = vector.broadcast %broadcast_in_dim3A : i1 to vector<16xi1>
      %unique3A, %unique3A_27 = tpu.scan_count mask(%broadcast_in_dim3A_26 : vector<16xi1>) value(%get3A_25 : vector<16xi32>) : vector<16xi1>, vector<16xi32>
      %shift_right_logical3A = arith.constant 7 : i32
      %shift_right_logical3A_28 = vector.broadcast %shift_right_logical3A : i32 to vector<16xi32>
      %shift_right_logical3A_29 = arith.shrui %get3A_25, %shift_right_logical3A_28 : vector<16xi32>
      %and3A = arith.constant 127 : i32
      %and3A_30 = vector.broadcast %and3A : i32 to vector<16xi32>
      %and3A_31 = arith.andi %get3A_25, %and3A_30 : vector<16xi32>
      %convert_element_type3A_32 = arith.sitofp %unique3A_27 : vector<16xi32> to vector<16xf32>
      tpu.vector_store_idx %arg9[%shift_right_logical3A_29, %and3A_31], %convert_element_type3A_32 masked %unique3A {add = true} : memref<80x128xf32, #tpu.memory_space<vmem>>[vector<16xi32>, vector<16xi32>], vector<16xf32>, vector<16xi1>
      %mul3A_33 = arith.constant 16 : i32
      %mul3A_34 = arith.muli %add3A_22, %mul3A_33 : i32
      %get3A_35 = arith.index_cast %mul3A_34 : i32 to index
      %get3A_36 = tpu.vector_load %arg8[%get3A_35] {strides = array<i32>} : memref<10000xi32, #tpu.memory_space<vmem>>, vector<16xi32>,
      %broadcast_in_dim3A_37 = arith.constant true
      %broadcast_in_dim3A_38 = vector.broadcast %broadcast_in_dim3A_37 : i1 to vector<16xi1>
      %unique3A_39, %unique3A_40 = tpu.scan_count mask(%broadcast_in_dim3A_38 : vector<16xi1>) value(%get3A_36 : vector<16xi32>) : vector<16xi1>, vector<16xi32>
      %shift_right_logical3A_41 = arith.constant 7 : i32
      %shift_right_logical3A_42 = vector.broadcast %shift_right_logical3A_41 : i32 to vector<16xi32>
      %shift_right_logical3A_43 = arith.shrui %get3A_36, %shift_right_logical3A_42 : vector<16xi32>
      %and3A_44 = arith.constant 127 : i32
      %and3A_45 = vector.broadcast %and3A_44 : i32 to vector<16xi32>
      %and3A_46 = arith.andi %get3A_36, %and3A_45 : vector<16xi32>
      %convert_element_type3A_47 = arith.sitofp %unique3A_40 : vector<16xi32> to vector<16xf32>
      tpu.vector_store_idx %arg10[%shift_right_logical3A_43, %and3A_46], %convert_element_type3A_47 masked %unique3A_39 {add = true} : memref<80x128xf32, #tpu.memory_space<vmem>>[vector<16xi32>, vector<16xi32>], vector<16xf32>, vector<16xi1>
    }
    %scan3A_11 = arith.constant 625 : i32
    %barrier3A = arith.constant 0 : index
    tpu.barrier barrier_id(%barrier3A)
    "tpu.region"() ({
      %run_scoped3A = tpu.sem_alloc : memref<!tpu.dma_semaphore, #tpu.memory_space<semaphore_mem>>
      %dma_start3A = arith.constant 0 : i32
      %dma_start3A_18 = arith.constant 0 : i32
      %dma_start3A_19 = tpu.memref_slice %arg12[%dma_start3A, %dma_start3A_18] : memref<80x128xf32, #tpu.memory_space<vmem_shared>> -> memref<80x128xf32, #tpu.memory_space<vmem_shared>>
      tpu.enqueue_indirect_dma source(%arg9 : memref<80x128xf32, #tpu.memory_space<vmem>>) target(%dma_start3A_19 : memref<80x128xf32, #tpu.memory_space<vmem_shared>>) offsets(%arg11 : memref<80xi32, #tpu.memory_space<vmem>>) semaphore(%run_scoped3A : memref<!tpu.dma_semaphore, #tpu.memory_space<semaphore_mem>>) {add = true}
      %dma_wait3A = arith.constant 0 : i32
      %dma_wait3A_20 = arith.constant 0 : i32
      %dma_wait3A_21 = tpu.memref_slice %arg12[%dma_wait3A, %dma_wait3A_20] : memref<80x128xf32, #tpu.memory_space<vmem_shared>> -> memref<80x128xf32, #tpu.memory_space<vmem_shared>>
      tpu.wait_indirect_dma semaphore(%run_scoped3A : memref<!tpu.dma_semaphore, #tpu.memory_space<semaphore_mem>>) src(%arg9 : memref<80x128xf32, #tpu.memory_space<vmem>>) dst(%dma_wait3A_21 : memref<80x128xf32, #tpu.memory_space<vmem_shared>>)
      tpu.yield
    }) : () -> ()
    "tpu.region"() ({
      %run_scoped3A = tpu.sem_alloc : memref<!tpu.dma_semaphore, #tpu.memory_space<semaphore_mem>>
      %dma_start3A = arith.constant 0 : i32
      %dma_start3A_18 = arith.constant 0 : i32
      %dma_start3A_19 = tpu.memref_slice %arg13[%dma_start3A, %dma_start3A_18] : memref<80x128xf32, #tpu.memory_space<vmem_shared>> -> memref<80x128xf32, #tpu.memory_space<vmem_shared>>
      tpu.enqueue_indirect_dma source(%arg10 : memref<80x128xf32, #tpu.memory_space<vmem>>) target(%dma_start3A_19 : memref<80x128xf32, #tpu.memory_space<vmem_shared>>) offsets(%arg11 : memref<80xi32, #tpu.memory_space<vmem>>) semaphore(%run_scoped3A : memref<!tpu.dma_semaphore, #tpu.memory_space<semaphore_mem>>) {add = true}
      %dma_wait3A = arith.constant 0 : i32
      %dma_wait3A_20 = arith.constant 0 : i32
      %dma_wait3A_21 = tpu.memref_slice %arg13[%dma_wait3A, %dma_wait3A_20] : memref<80x128xf32, #tpu.memory_space<vmem_shared>> -> memref<80x128xf32, #tpu.memory_space<vmem_shared>>
      tpu.wait_indirect_dma semaphore(%run_scoped3A : memref<!tpu.dma_semaphore, #tpu.memory_space<semaphore_mem>>) src(%arg10 : memref<80x128xf32, #tpu.memory_space<vmem>>) dst(%dma_wait3A_21 : memref<80x128xf32, #tpu.memory_space<vmem_shared>>)
      tpu.yield
    }) : () -> ()
    %barrier3A_12 = arith.constant 0 : index
    tpu.barrier barrier_id(%barrier3A_12)
    %lt3A_13 = arith.constant 10 : i32
    %lt3A_14 = arith.cmpi slt, %arg1, %lt3A_13 : i32
    %convert_element_type3A_15 = arith.extui %lt3A_14 : i1 to i32
    %cond3A_16 = arith.constant 0 : i32
    %cond3A_17 = arith.cmpi ne, %convert_element_type3A_15, %cond3A_16 : i32
    scf.if %cond3A_17 {
      %mul3A_18 = arith.constant 8 : i32
      %mul3A_19 = arith.muli %arg1, %mul3A_18 : i32
      %mul3A_20 = arith.constant 8 : i32
      %mul3A_21 = arith.muli %arg1, %mul3A_20 : i32
      "tpu.region"() ({
        %run_scoped3A = tpu.sem_alloc : memref<!tpu.dma_semaphore, #tpu.memory_space<semaphore_mem>>
        %dma_start3A = arith.constant 0 : i32
        %dma_start3A_26 = arith.constant 0 : i32
        %dma_start3A_27 = tpu.memref_slice %arg5[%arg0, %dma_start3A, %dma_start3A_26] : memref<2x80x128xf32, #tpu.memory_space<hbm>> -> memref<1x80x128xf32, #tpu.memory_space<hbm>>
        %dma_start3A_28 = tpu.memref_squeeze %dma_start3A_27 : memref<1x80x128xf32, #tpu.memory_space<hbm>> -> memref<80x128xf32, #tpu.memory_space<hbm>>
        %dma_start3A_29 = arith.constant 0 : i32
        %dma_start3A_30 = tpu.memref_slice %dma_start3A_28[%mul3A_21, %dma_start3A_29] : memref<80x128xf32, #tpu.memory_space<hbm>> -> memref<8x128xf32, #tpu.memory_space<hbm>>
        %dma_start3A_31 = arith.constant 0 : i32
        %dma_start3A_32 = tpu.memref_slice %arg12[%mul3A_19, %dma_start3A_31] : memref<80x128xf32, #tpu.memory_space<vmem_shared>> -> memref<8x128xf32, #tpu.memory_space<vmem_shared>>
        tpu.enqueue_dma source(%dma_start3A_32 : memref<8x128xf32, #tpu.memory_space<vmem_shared>>) target(%dma_start3A_30 : memref<8x128xf32, #tpu.memory_space<hbm>>) target_semaphore(%run_scoped3A : memref<!tpu.dma_semaphore, #tpu.memory_space<semaphore_mem>>)
        %dma_wait3A = arith.constant 0 : i32
        %dma_wait3A_33 = arith.constant 0 : i32
        %dma_wait3A_34 = tpu.memref_slice %arg5[%arg0, %dma_wait3A, %dma_wait3A_33] : memref<2x80x128xf32, #tpu.memory_space<hbm>> -> memref<1x80x128xf32, #tpu.memory_space<hbm>>
        %dma_wait3A_35 = tpu.memref_squeeze %dma_wait3A_34 : memref<1x80x128xf32, #tpu.memory_space<hbm>> -> memref<80x128xf32, #tpu.memory_space<hbm>>
        %dma_wait3A_36 = arith.constant 0 : i32
        %dma_wait3A_37 = tpu.memref_slice %dma_wait3A_35[%mul3A_21, %dma_wait3A_36] : memref<80x128xf32, #tpu.memory_space<hbm>> -> memref<8x128xf32, #tpu.memory_space<hbm>>
        %dma_wait3A_38 = arith.constant 0 : i32
        %dma_wait3A_39 = tpu.memref_slice %arg12[%mul3A_19, %dma_wait3A_38] : memref<80x128xf32, #tpu.memory_space<vmem_shared>> -> memref<8x128xf32, #tpu.memory_space<vmem_shared>>
        tpu.wait_dma2 semaphore(%run_scoped3A : memref<!tpu.dma_semaphore, #tpu.memory_space<semaphore_mem>>) src(%dma_wait3A_39 : memref<8x128xf32, #tpu.memory_space<vmem_shared>>) dst(%dma_wait3A_37 : memref<8x128xf32, #tpu.memory_space<hbm>>)
        tpu.yield
      }) : () -> ()
      %mul3A_22 = arith.constant 8 : i32
      %mul3A_23 = arith.muli %arg1, %mul3A_22 : i32
      %mul3A_24 = arith.constant 8 : i32
      %mul3A_25 = arith.muli %arg1, %mul3A_24 : i32
      "tpu.region"() ({
        %run_scoped3A = tpu.sem_alloc : memref<!tpu.dma_semaphore, #tpu.memory_space<semaphore_mem>>
        %dma_start3A = arith.constant 0 : i32
        %dma_start3A_26 = arith.constant 0 : i32
        %dma_start3A_27 = tpu.memref_slice %arg6[%arg0, %dma_start3A, %dma_start3A_26] : memref<2x80x128xf32, #tpu.memory_space<hbm>> -> memref<1x80x128xf32, #tpu.memory_space<hbm>>
        %dma_start3A_28 = tpu.memref_squeeze %dma_start3A_27 : memref<1x80x128xf32, #tpu.memory_space<hbm>> -> memref<80x128xf32, #tpu.memory_space<hbm>>
        %dma_start3A_29 = arith.constant 0 : i32
        %dma_start3A_30 = tpu.memref_slice %dma_start3A_28[%mul3A_25, %dma_start3A_29] : memref<80x128xf32, #tpu.memory_space<hbm>> -> memref<8x128xf32, #tpu.memory_space<hbm>>
        %dma_start3A_31 = arith.constant 0 : i32
        %dma_start3A_32 = tpu.memref_slice %arg13[%mul3A_23, %dma_start3A_31] : memref<80x128xf32, #tpu.memory_space<vmem_shared>> -> memref<8x128xf32, #tpu.memory_space<vmem_shared>>
        tpu.enqueue_dma source(%dma_start3A_32 : memref<8x128xf32, #tpu.memory_space<vmem_shared>>) target(%dma_start3A_30 : memref<8x128xf32, #tpu.memory_space<hbm>>) target_semaphore(%run_scoped3A : memref<!tpu.dma_semaphore, #tpu.memory_space<semaphore_mem>>)
        %dma_wait3A = arith.constant 0 : i32
        %dma_wait3A_33 = arith.constant 0 : i32
        %dma_wait3A_34 = tpu.memref_slice %arg6[%arg0, %dma_wait3A, %dma_wait3A_33] : memref<2x80x128xf32, #tpu.memory_space<hbm>> -> memref<1x80x128xf32, #tpu.memory_space<hbm>>
        %dma_wait3A_35 = tpu.memref_squeeze %dma_wait3A_34 : memref<1x80x128xf32, #tpu.memory_space<hbm>> -> memref<80x128xf32, #tpu.memory_space<hbm>>
        %dma_wait3A_36 = arith.constant 0 : i32
        %dma_wait3A_37 = tpu.memref_slice %dma_wait3A_35[%mul3A_25, %dma_wait3A_36] : memref<80x128xf32, #tpu.memory_space<hbm>> -> memref<8x128xf32, #tpu.memory_space<hbm>>
        %dma_wait3A_38 = arith.constant 0 : i32
        %dma_wait3A_39 = tpu.memref_slice %arg13[%mul3A_23, %dma_wait3A_38] : memref<80x128xf32, #tpu.memory_space<vmem_shared>> -> memref<8x128xf32, #tpu.memory_space<vmem_shared>>
        tpu.wait_dma2 semaphore(%run_scoped3A : memref<!tpu.dma_semaphore, #tpu.memory_space<semaphore_mem>>) src(%dma_wait3A_39 : memref<8x128xf32, #tpu.memory_space<vmem_shared>>) dst(%dma_wait3A_37 : memref<8x128xf32, #tpu.memory_space<hbm>>)
        tpu.yield
      }) : () -> ()
    } else {
    }
    return
  }
}

#map = affine_map<(d0, d1) -> (0, 0)>
#map1 = affine_map<(d0, d1) -> (0, 0, 0, 0)>
#map2 = affine_map<(d0, d1) -> (0, 0, 0)>
module attributes {stable_mosaic.version = 14 : i64} {
  func.func @body(%arg0: i32, %arg1: i32, %arg2: memref<10000x128xf32, #tpu.memory_space<hbm>>, %arg3: memref<32x2x40x125xi32, #tpu.memory_space<hbm>>, %arg4: memref<32x2x40x125xi32, #tpu.memory_space<hbm>>, %arg5: memref<640x128xf32, #tpu.memory_space<hbm>>, %arg6: memref<2x10240x128xf32, #tpu.memory_space<hbm>>, %arg7: memref<40x125xi32, #tpu.memory_space<vmem>>, %arg8: memref<40x125xi32, #tpu.memory_space<vmem>>, %arg9: memref<125x128xf32, #tpu.memory_space<vmem>>, %arg10: memref<125x128xf32, #tpu.memory_space<vmem>>, %arg11: memref<!tpu.dma_semaphore, #tpu.memory_space<semaphore_mem>>, %arg12: memref<!tpu.dma_semaphore, #tpu.memory_space<semaphore_mem>>, %arg13: memref<10240x128xf32, #tpu.memory_space<vmem_shared>>) attributes {dimension_semantics = [#tpu.dimension_semantics<core_parallel>, #tpu.dimension_semantics<subcore_parallel>], iteration_bounds = array<i64: 2, 16>, scalar_prefetch = 0 : i64, scratch_operands = 7 : i64, tpu.core_type = #tpu.core_type<sc_vector_subcore>, window_params = [{transform_indices = #map}, {transform_indices = #map1}, {transform_indices = #map1}, {transform_indices = #map}, {transform_indices = #map2}]} {
    %mul3A = arith.constant 2 : i32
    %mul3A_0 = arith.muli %arg1, %mul3A : i32
    %add3A = arith.addi %mul3A_0, %arg0 : i32
    %mul3A_1 = arith.constant 640 : i32
    %mul3A_2 = arith.muli %arg1, %mul3A_1 : i32
    "tpu.region"() ({
      %run_scoped3A = tpu.sem_alloc : memref<!tpu.dma_semaphore, #tpu.memory_space<semaphore_mem>>
      %dma_start3A = arith.constant 0 : i32
      %dma_start3A_12 = tpu.memref_slice %arg13[%mul3A_2, %dma_start3A] : memref<10240x128xf32, #tpu.memory_space<vmem_shared>> -> memref<640x128xf32, #tpu.memory_space<vmem_shared>>
      tpu.enqueue_dma source(%arg5 : memref<640x128xf32, #tpu.memory_space<hbm>>) target(%dma_start3A_12 : memref<640x128xf32, #tpu.memory_space<vmem_shared>>) target_semaphore(%run_scoped3A : memref<!tpu.dma_semaphore, #tpu.memory_space<semaphore_mem>>)
      %dma_wait3A = arith.constant 0 : i32
      %dma_wait3A_13 = tpu.memref_slice %arg13[%mul3A_2, %dma_wait3A] : memref<10240x128xf32, #tpu.memory_space<vmem_shared>> -> memref<640x128xf32, #tpu.memory_space<vmem_shared>>
      tpu.wait_dma2 semaphore(%run_scoped3A : memref<!tpu.dma_semaphore, #tpu.memory_space<semaphore_mem>>) src(%arg5 : memref<640x128xf32, #tpu.memory_space<hbm>>) dst(%dma_wait3A_13 : memref<640x128xf32, #tpu.memory_space<vmem_shared>>)
      tpu.yield
    }) : () -> ()
    %barrier3A = arith.constant 0 : index
    tpu.barrier barrier_id(%barrier3A)
    %scan3A = arith.constant 0 : i32
    %scan3A_3 = arith.constant 2 : i32
    %scan3A_4 = arith.addi %scan3A, %scan3A_3 : i32
    %scan3A_5 = arith.constant 1 : i32
    scf.for %scan3A_12 = %scan3A to %scan3A_4 step %scan3A_5  : i32 {
      %mul3A_13 = arith.constant 1 : i32
      %mul3A_14 = arith.muli %scan3A_12, %mul3A_13 : i32
      %add3A_15 = arith.constant 0 : i32
      %add3A_16 = arith.addi %add3A_15, %mul3A_14 : i32
      "tpu.region"() ({
        %run_scoped3A = tpu.sem_alloc : memref<!tpu.dma_semaphore, #tpu.memory_space<semaphore_mem>>
        %dma_start3A_28 = arith.constant 0 : i32
        %dma_start3A_29 = arith.constant 0 : i32
        %dma_start3A_30 = arith.constant 0 : i32
        %dma_start3A_31 = tpu.memref_slice %arg3[%add3A, %dma_start3A_28, %dma_start3A_29, %dma_start3A_30] : memref<32x2x40x125xi32, #tpu.memory_space<hbm>> -> memref<1x2x40x125xi32, #tpu.memory_space<hbm>>
        %dma_start3A_32 = tpu.memref_squeeze %dma_start3A_31 : memref<1x2x40x125xi32, #tpu.memory_space<hbm>> -> memref<2x40x125xi32, #tpu.memory_space<hbm>>
        %dma_start3A_33 = arith.constant 0 : i32
        %dma_start3A_34 = arith.constant 0 : i32
        %dma_start3A_35 = tpu.memref_slice %dma_start3A_32[%add3A_16, %dma_start3A_33, %dma_start3A_34] : memref<2x40x125xi32, #tpu.memory_space<hbm>> -> memref<1x40x125xi32, #tpu.memory_space<hbm>>
        %dma_start3A_36 = tpu.memref_squeeze %dma_start3A_35 : memref<1x40x125xi32, #tpu.memory_space<hbm>> -> memref<40x125xi32, #tpu.memory_space<hbm>>
        %dma_start3A_37 = arith.constant 0 : i32
        %dma_start3A_38 = arith.constant 0 : i32
        %dma_start3A_39 = arith.constant 0 : i32
        %dma_start3A_40 = tpu.memref_slice %arg3[%add3A, %dma_start3A_37, %dma_start3A_38, %dma_start3A_39] : memref<32x2x40x125xi32, #tpu.memory_space<hbm>> -> memref<1x2x40x125xi32, #tpu.memory_space<hbm>>
        %dma_start3A_41 = tpu.memref_squeeze %dma_start3A_40 : memref<1x2x40x125xi32, #tpu.memory_space<hbm>> -> memref<2x40x125xi32, #tpu.memory_space<hbm>>
        %dma_start3A_42 = arith.constant 0 : i32
        %dma_start3A_43 = arith.constant 0 : i32
        %dma_start3A_44 = tpu.memref_slice %dma_start3A_41[%add3A_16, %dma_start3A_42, %dma_start3A_43] : memref<2x40x125xi32, #tpu.memory_space<hbm>> -> memref<1x40x125xi32, #tpu.memory_space<hbm>>
        %dma_start3A_45 = tpu.memref_squeeze %dma_start3A_44 : memref<1x40x125xi32, #tpu.memory_space<hbm>> -> memref<40x125xi32, #tpu.memory_space<hbm>>
        tpu.enqueue_dma source(%dma_start3A_45 : memref<40x125xi32, #tpu.memory_space<hbm>>) target(%arg7 : memref<40x125xi32, #tpu.memory_space<vmem>>) target_semaphore(%run_scoped3A : memref<!tpu.dma_semaphore, #tpu.memory_space<semaphore_mem>>)
        %dma_wait3A = arith.constant 0 : i32
        %dma_wait3A_46 = arith.constant 0 : i32
        %dma_wait3A_47 = arith.constant 0 : i32
        %dma_wait3A_48 = tpu.memref_slice %arg3[%add3A, %dma_wait3A, %dma_wait3A_46, %dma_wait3A_47] : memref<32x2x40x125xi32, #tpu.memory_space<hbm>> -> memref<1x2x40x125xi32, #tpu.memory_space<hbm>>
        %dma_wait3A_49 = tpu.memref_squeeze %dma_wait3A_48 : memref<1x2x40x125xi32, #tpu.memory_space<hbm>> -> memref<2x40x125xi32, #tpu.memory_space<hbm>>
        %dma_wait3A_50 = arith.constant 0 : i32
        %dma_wait3A_51 = arith.constant 0 : i32
        %dma_wait3A_52 = tpu.memref_slice %dma_wait3A_49[%add3A_16, %dma_wait3A_50, %dma_wait3A_51] : memref<2x40x125xi32, #tpu.memory_space<hbm>> -> memref<1x40x125xi32, #tpu.memory_space<hbm>>
        %dma_wait3A_53 = tpu.memref_squeeze %dma_wait3A_52 : memref<1x40x125xi32, #tpu.memory_space<hbm>> -> memref<40x125xi32, #tpu.memory_space<hbm>>
        %dma_wait3A_54 = arith.constant 0 : i32
        %dma_wait3A_55 = arith.constant 0 : i32
        %dma_wait3A_56 = arith.constant 0 : i32
        %dma_wait3A_57 = tpu.memref_slice %arg3[%add3A, %dma_wait3A_54, %dma_wait3A_55, %dma_wait3A_56] : memref<32x2x40x125xi32, #tpu.memory_space<hbm>> -> memref<1x2x40x125xi32, #tpu.memory_space<hbm>>
        %dma_wait3A_58 = tpu.memref_squeeze %dma_wait3A_57 : memref<1x2x40x125xi32, #tpu.memory_space<hbm>> -> memref<2x40x125xi32, #tpu.memory_space<hbm>>
        %dma_wait3A_59 = arith.constant 0 : i32
        %dma_wait3A_60 = arith.constant 0 : i32
        %dma_wait3A_61 = tpu.memref_slice %dma_wait3A_58[%add3A_16, %dma_wait3A_59, %dma_wait3A_60] : memref<2x40x125xi32, #tpu.memory_space<hbm>> -> memref<1x40x125xi32, #tpu.memory_space<hbm>>
        %dma_wait3A_62 = tpu.memref_squeeze %dma_wait3A_61 : memref<1x40x125xi32, #tpu.memory_space<hbm>> -> memref<40x125xi32, #tpu.memory_space<hbm>>
        tpu.wait_dma2 semaphore(%run_scoped3A : memref<!tpu.dma_semaphore, #tpu.memory_space<semaphore_mem>>) src(%dma_wait3A_62 : memref<40x125xi32, #tpu.memory_space<hbm>>) dst(%arg7 : memref<40x125xi32, #tpu.memory_space<vmem>>)
        tpu.yield
      }) : () -> ()
      "tpu.region"() ({
        %run_scoped3A = tpu.sem_alloc : memref<!tpu.dma_semaphore, #tpu.memory_space<semaphore_mem>>
        %dma_start3A_28 = arith.constant 0 : i32
        %dma_start3A_29 = arith.constant 0 : i32
        %dma_start3A_30 = arith.constant 0 : i32
        %dma_start3A_31 = tpu.memref_slice %arg4[%add3A, %dma_start3A_28, %dma_start3A_29, %dma_start3A_30] : memref<32x2x40x125xi32, #tpu.memory_space<hbm>> -> memref<1x2x40x125xi32, #tpu.memory_space<hbm>>
        %dma_start3A_32 = tpu.memref_squeeze %dma_start3A_31 : memref<1x2x40x125xi32, #tpu.memory_space<hbm>> -> memref<2x40x125xi32, #tpu.memory_space<hbm>>
        %dma_start3A_33 = arith.constant 0 : i32
        %dma_start3A_34 = arith.constant 0 : i32
        %dma_start3A_35 = tpu.memref_slice %dma_start3A_32[%add3A_16, %dma_start3A_33, %dma_start3A_34] : memref<2x40x125xi32, #tpu.memory_space<hbm>> -> memref<1x40x125xi32, #tpu.memory_space<hbm>>
        %dma_start3A_36 = tpu.memref_squeeze %dma_start3A_35 : memref<1x40x125xi32, #tpu.memory_space<hbm>> -> memref<40x125xi32, #tpu.memory_space<hbm>>
        %dma_start3A_37 = arith.constant 0 : i32
        %dma_start3A_38 = arith.constant 0 : i32
        %dma_start3A_39 = arith.constant 0 : i32
        %dma_start3A_40 = tpu.memref_slice %arg4[%add3A, %dma_start3A_37, %dma_start3A_38, %dma_start3A_39] : memref<32x2x40x125xi32, #tpu.memory_space<hbm>> -> memref<1x2x40x125xi32, #tpu.memory_space<hbm>>
        %dma_start3A_41 = tpu.memref_squeeze %dma_start3A_40 : memref<1x2x40x125xi32, #tpu.memory_space<hbm>> -> memref<2x40x125xi32, #tpu.memory_space<hbm>>
        %dma_start3A_42 = arith.constant 0 : i32
        %dma_start3A_43 = arith.constant 0 : i32
        %dma_start3A_44 = tpu.memref_slice %dma_start3A_41[%add3A_16, %dma_start3A_42, %dma_start3A_43] : memref<2x40x125xi32, #tpu.memory_space<hbm>> -> memref<1x40x125xi32, #tpu.memory_space<hbm>>
        %dma_start3A_45 = tpu.memref_squeeze %dma_start3A_44 : memref<1x40x125xi32, #tpu.memory_space<hbm>> -> memref<40x125xi32, #tpu.memory_space<hbm>>
        tpu.enqueue_dma source(%dma_start3A_45 : memref<40x125xi32, #tpu.memory_space<hbm>>) target(%arg8 : memref<40x125xi32, #tpu.memory_space<vmem>>) target_semaphore(%run_scoped3A : memref<!tpu.dma_semaphore, #tpu.memory_space<semaphore_mem>>)
        %dma_wait3A = arith.constant 0 : i32
        %dma_wait3A_46 = arith.constant 0 : i32
        %dma_wait3A_47 = arith.constant 0 : i32
        %dma_wait3A_48 = tpu.memref_slice %arg4[%add3A, %dma_wait3A, %dma_wait3A_46, %dma_wait3A_47] : memref<32x2x40x125xi32, #tpu.memory_space<hbm>> -> memref<1x2x40x125xi32, #tpu.memory_space<hbm>>
        %dma_wait3A_49 = tpu.memref_squeeze %dma_wait3A_48 : memref<1x2x40x125xi32, #tpu.memory_space<hbm>> -> memref<2x40x125xi32, #tpu.memory_space<hbm>>
        %dma_wait3A_50 = arith.constant 0 : i32
        %dma_wait3A_51 = arith.constant 0 : i32
        %dma_wait3A_52 = tpu.memref_slice %dma_wait3A_49[%add3A_16, %dma_wait3A_50, %dma_wait3A_51] : memref<2x40x125xi32, #tpu.memory_space<hbm>> -> memref<1x40x125xi32, #tpu.memory_space<hbm>>
        %dma_wait3A_53 = tpu.memref_squeeze %dma_wait3A_52 : memref<1x40x125xi32, #tpu.memory_space<hbm>> -> memref<40x125xi32, #tpu.memory_space<hbm>>
        %dma_wait3A_54 = arith.constant 0 : i32
        %dma_wait3A_55 = arith.constant 0 : i32
        %dma_wait3A_56 = arith.constant 0 : i32
        %dma_wait3A_57 = tpu.memref_slice %arg4[%add3A, %dma_wait3A_54, %dma_wait3A_55, %dma_wait3A_56] : memref<32x2x40x125xi32, #tpu.memory_space<hbm>> -> memref<1x2x40x125xi32, #tpu.memory_space<hbm>>
        %dma_wait3A_58 = tpu.memref_squeeze %dma_wait3A_57 : memref<1x2x40x125xi32, #tpu.memory_space<hbm>> -> memref<2x40x125xi32, #tpu.memory_space<hbm>>
        %dma_wait3A_59 = arith.constant 0 : i32
        %dma_wait3A_60 = arith.constant 0 : i32
        %dma_wait3A_61 = tpu.memref_slice %dma_wait3A_58[%add3A_16, %dma_wait3A_59, %dma_wait3A_60] : memref<2x40x125xi32, #tpu.memory_space<hbm>> -> memref<1x40x125xi32, #tpu.memory_space<hbm>>
        %dma_wait3A_62 = tpu.memref_squeeze %dma_wait3A_61 : memref<1x40x125xi32, #tpu.memory_space<hbm>> -> memref<40x125xi32, #tpu.memory_space<hbm>>
        tpu.wait_dma2 semaphore(%run_scoped3A : memref<!tpu.dma_semaphore, #tpu.memory_space<semaphore_mem>>) src(%dma_wait3A_62 : memref<40x125xi32, #tpu.memory_space<hbm>>) dst(%arg8 : memref<40x125xi32, #tpu.memory_space<vmem>>)
        tpu.yield
      }) : () -> ()
      %dma_start3A = arith.constant 0 : i32
      %dma_start3A_17 = arith.constant 0 : i32
      %dma_start3A_18 = tpu.memref_slice %arg7[%dma_start3A, %dma_start3A_17] : memref<40x125xi32, #tpu.memory_space<vmem>> -> memref<1x125xi32, #tpu.memory_space<vmem>>
      %dma_start3A_19 = tpu.memref_squeeze %dma_start3A_18 : memref<1x125xi32, #tpu.memory_space<vmem>> -> memref<125xi32, #tpu.memory_space<vmem>>
      %dma_start3A_20 = arith.constant 0 : i32
      %dma_start3A_21 = arith.constant 0 : i32
      %dma_start3A_22 = tpu.memref_slice %arg2[%dma_start3A_20, %dma_start3A_21] : memref<10000x128xf32, #tpu.memory_space<hbm>> -> memref<10000x128xf32, #tpu.memory_space<hbm>>
      tpu.enqueue_indirect_dma source(%dma_start3A_22 : memref<10000x128xf32, #tpu.memory_space<hbm>>) target(%arg9 : memref<125x128xf32, #tpu.memory_space<vmem>>) offsets(%dma_start3A_19 : memref<125xi32, #tpu.memory_space<vmem>>) semaphore(%arg11 : memref<!tpu.dma_semaphore, #tpu.memory_space<semaphore_mem>>)
      %scan3A_23 = arith.constant 0 : i32
      %scan3A_24 = arith.constant 20 : i32
      %scan3A_25 = arith.addi %scan3A_23, %scan3A_24 : i32
      %scan3A_26 = arith.constant 1 : i32
      scf.for %scan3A_28 = %scan3A_23 to %scan3A_25 step %scan3A_26  : i32 {
        %mul3A_29 = arith.constant 1 : i32
        %mul3A_30 = arith.muli %scan3A_28, %mul3A_29 : i32
        %add3A_31 = arith.constant 0 : i32
        %add3A_32 = arith.addi %add3A_31, %mul3A_30 : i32
        %mul3A_33 = arith.constant 2 : i32
        %mul3A_34 = arith.muli %add3A_32, %mul3A_33 : i32
        %add3A_35 = arith.constant 1 : i32
        %add3A_36 = arith.addi %mul3A_34, %add3A_35 : i32
        %dma_start3A_37 = arith.constant 0 : i32
        %dma_start3A_38 = tpu.memref_slice %arg7[%add3A_36, %dma_start3A_37] : memref<40x125xi32, #tpu.memory_space<vmem>> -> memref<1x125xi32, #tpu.memory_space<vmem>>
        %dma_start3A_39 = tpu.memref_squeeze %dma_start3A_38 : memref<1x125xi32, #tpu.memory_space<vmem>> -> memref<125xi32, #tpu.memory_space<vmem>>
        %dma_start3A_40 = arith.constant 0 : i32
        %dma_start3A_41 = arith.constant 0 : i32
        %dma_start3A_42 = tpu.memref_slice %arg2[%dma_start3A_40, %dma_start3A_41] : memref<10000x128xf32, #tpu.memory_space<hbm>> -> memref<10000x128xf32, #tpu.memory_space<hbm>>
        tpu.enqueue_indirect_dma source(%dma_start3A_42 : memref<10000x128xf32, #tpu.memory_space<hbm>>) target(%arg10 : memref<125x128xf32, #tpu.memory_space<vmem>>) offsets(%dma_start3A_39 : memref<125xi32, #tpu.memory_space<vmem>>) semaphore(%arg12 : memref<!tpu.dma_semaphore, #tpu.memory_space<semaphore_mem>>)
        %dma_wait3A = arith.constant 0 : i32
        %dma_wait3A_43 = tpu.memref_slice %arg7[%mul3A_34, %dma_wait3A] : memref<40x125xi32, #tpu.memory_space<vmem>> -> memref<1x125xi32, #tpu.memory_space<vmem>>
        %dma_wait3A_44 = tpu.memref_squeeze %dma_wait3A_43 : memref<1x125xi32, #tpu.memory_space<vmem>> -> memref<125xi32, #tpu.memory_space<vmem>>
        %dma_wait3A_45 = arith.constant 0 : i32
        %dma_wait3A_46 = arith.constant 0 : i32
        %dma_wait3A_47 = tpu.memref_slice %arg2[%dma_wait3A_45, %dma_wait3A_46] : memref<10000x128xf32, #tpu.memory_space<hbm>> -> memref<10000x128xf32, #tpu.memory_space<hbm>>
        tpu.wait_indirect_dma semaphore(%arg11 : memref<!tpu.dma_semaphore, #tpu.memory_space<semaphore_mem>>) src(%dma_wait3A_47 : memref<10000x128xf32, #tpu.memory_space<hbm>>) dst(%arg9 : memref<125x128xf32, #tpu.memory_space<vmem>>)
        "tpu.region"() ({
          %run_scoped3A = tpu.sem_alloc : memref<!tpu.dma_semaphore, #tpu.memory_space<semaphore_mem>>
          %dma_start3A_60 = arith.constant 0 : i32
          %dma_start3A_61 = tpu.memref_slice %arg8[%mul3A_34, %dma_start3A_60] : memref<40x125xi32, #tpu.memory_space<vmem>> -> memref<1x125xi32, #tpu.memory_space<vmem>>
          %dma_start3A_62 = tpu.memref_squeeze %dma_start3A_61 : memref<1x125xi32, #tpu.memory_space<vmem>> -> memref<125xi32, #tpu.memory_space<vmem>>
          %dma_start3A_63 = arith.constant 0 : i32
          %dma_start3A_64 = arith.constant 0 : i32
          %dma_start3A_65 = tpu.memref_slice %arg13[%dma_start3A_63, %dma_start3A_64] : memref<10240x128xf32, #tpu.memory_space<vmem_shared>> -> memref<10240x128xf32, #tpu.memory_space<vmem_shared>>
          tpu.enqueue_indirect_dma source(%arg9 : memref<125x128xf32, #tpu.memory_space<vmem>>) target(%dma_start3A_65 : memref<10240x128xf32, #tpu.memory_space<vmem_shared>>) offsets(%dma_start3A_62 : memref<125xi32, #tpu.memory_space<vmem>>) semaphore(%run_scoped3A : memref<!tpu.dma_semaphore, #tpu.memory_space<semaphore_mem>>) {add = true}
          %dma_wait3A_66 = arith.constant 0 : i32
          %dma_wait3A_67 = tpu.memref_slice %arg8[%mul3A_34, %dma_wait3A_66] : memref<40x125xi32, #tpu.memory_space<vmem>> -> memref<1x125xi32, #tpu.memory_space<vmem>>
          %dma_wait3A_68 = tpu.memref_squeeze %dma_wait3A_67 : memref<1x125xi32, #tpu.memory_space<vmem>> -> memref<125xi32, #tpu.memory_space<vmem>>
          %dma_wait3A_69 = arith.constant 0 : i32
          %dma_wait3A_70 = arith.constant 0 : i32
          %dma_wait3A_71 = tpu.memref_slice %arg13[%dma_wait3A_69, %dma_wait3A_70] : memref<10240x128xf32, #tpu.memory_space<vmem_shared>> -> memref<10240x128xf32, #tpu.memory_space<vmem_shared>>
          tpu.wait_indirect_dma semaphore(%run_scoped3A : memref<!tpu.dma_semaphore, #tpu.memory_space<semaphore_mem>>) src(%arg9 : memref<125x128xf32, #tpu.memory_space<vmem>>) dst(%dma_wait3A_71 : memref<10240x128xf32, #tpu.memory_space<vmem_shared>>)
          tpu.yield
        }) : () -> ()
        %lt3A = arith.constant 19 : i32
        %lt3A_48 = arith.cmpi slt, %add3A_32, %lt3A : i32
        %convert_element_type3A = arith.extui %lt3A_48 : i1 to i32
        %cond3A = arith.constant 0 : i32
        %cond3A_49 = arith.cmpi ne, %convert_element_type3A, %cond3A : i32
        scf.if %cond3A_49 {
          %add3A_60 = arith.constant 2 : i32
          %add3A_61 = arith.addi %mul3A_34, %add3A_60 : i32
          %dma_start3A_62 = arith.constant 0 : i32
          %dma_start3A_63 = tpu.memref_slice %arg7[%add3A_61, %dma_start3A_62] : memref<40x125xi32, #tpu.memory_space<vmem>> -> memref<1x125xi32, #tpu.memory_space<vmem>>
          %dma_start3A_64 = tpu.memref_squeeze %dma_start3A_63 : memref<1x125xi32, #tpu.memory_space<vmem>> -> memref<125xi32, #tpu.memory_space<vmem>>
          %dma_start3A_65 = arith.constant 0 : i32
          %dma_start3A_66 = arith.constant 0 : i32
          %dma_start3A_67 = tpu.memref_slice %arg2[%dma_start3A_65, %dma_start3A_66] : memref<10000x128xf32, #tpu.memory_space<hbm>> -> memref<10000x128xf32, #tpu.memory_space<hbm>>
          tpu.enqueue_indirect_dma source(%dma_start3A_67 : memref<10000x128xf32, #tpu.memory_space<hbm>>) target(%arg9 : memref<125x128xf32, #tpu.memory_space<vmem>>) offsets(%dma_start3A_64 : memref<125xi32, #tpu.memory_space<vmem>>) semaphore(%arg11 : memref<!tpu.dma_semaphore, #tpu.memory_space<semaphore_mem>>)
        } else {
        }
        %add3A_50 = arith.constant 1 : i32
        %add3A_51 = arith.addi %mul3A_34, %add3A_50 : i32
        %dma_wait3A_52 = arith.constant 0 : i32
        %dma_wait3A_53 = tpu.memref_slice %arg7[%add3A_51, %dma_wait3A_52] : memref<40x125xi32, #tpu.memory_space<vmem>> -> memref<1x125xi32, #tpu.memory_space<vmem>>
        %dma_wait3A_54 = tpu.memref_squeeze %dma_wait3A_53 : memref<1x125xi32, #tpu.memory_space<vmem>> -> memref<125xi32, #tpu.memory_space<vmem>>
        %dma_wait3A_55 = arith.constant 0 : i32
        %dma_wait3A_56 = arith.constant 0 : i32
        %dma_wait3A_57 = tpu.memref_slice %arg2[%dma_wait3A_55, %dma_wait3A_56] : memref<10000x128xf32, #tpu.memory_space<hbm>> -> memref<10000x128xf32, #tpu.memory_space<hbm>>
        tpu.wait_indirect_dma semaphore(%arg12 : memref<!tpu.dma_semaphore, #tpu.memory_space<semaphore_mem>>) src(%dma_wait3A_57 : memref<10000x128xf32, #tpu.memory_space<hbm>>) dst(%arg10 : memref<125x128xf32, #tpu.memory_space<vmem>>)
        %add3A_58 = arith.constant 1 : i32
        %add3A_59 = arith.addi %mul3A_34, %add3A_58 : i32
        "tpu.region"() ({
          %run_scoped3A = tpu.sem_alloc : memref<!tpu.dma_semaphore, #tpu.memory_space<semaphore_mem>>
          %dma_start3A_60 = arith.constant 0 : i32
          %dma_start3A_61 = tpu.memref_slice %arg8[%add3A_59, %dma_start3A_60] : memref<40x125xi32, #tpu.memory_space<vmem>> -> memref<1x125xi32, #tpu.memory_space<vmem>>
          %dma_start3A_62 = tpu.memref_squeeze %dma_start3A_61 : memref<1x125xi32, #tpu.memory_space<vmem>> -> memref<125xi32, #tpu.memory_space<vmem>>
          %dma_start3A_63 = arith.constant 0 : i32
          %dma_start3A_64 = arith.constant 0 : i32
          %dma_start3A_65 = tpu.memref_slice %arg13[%dma_start3A_63, %dma_start3A_64] : memref<10240x128xf32, #tpu.memory_space<vmem_shared>> -> memref<10240x128xf32, #tpu.memory_space<vmem_shared>>
          tpu.enqueue_indirect_dma source(%arg10 : memref<125x128xf32, #tpu.memory_space<vmem>>) target(%dma_start3A_65 : memref<10240x128xf32, #tpu.memory_space<vmem_shared>>) offsets(%dma_start3A_62 : memref<125xi32, #tpu.memory_space<vmem>>) semaphore(%run_scoped3A : memref<!tpu.dma_semaphore, #tpu.memory_space<semaphore_mem>>) {add = true}
          %dma_wait3A_66 = arith.constant 0 : i32
          %dma_wait3A_67 = tpu.memref_slice %arg8[%add3A_59, %dma_wait3A_66] : memref<40x125xi32, #tpu.memory_space<vmem>> -> memref<1x125xi32, #tpu.memory_space<vmem>>
          %dma_wait3A_68 = tpu.memref_squeeze %dma_wait3A_67 : memref<1x125xi32, #tpu.memory_space<vmem>> -> memref<125xi32, #tpu.memory_space<vmem>>
          %dma_wait3A_69 = arith.constant 0 : i32
          %dma_wait3A_70 = arith.constant 0 : i32
          %dma_wait3A_71 = tpu.memref_slice %arg13[%dma_wait3A_69, %dma_wait3A_70] : memref<10240x128xf32, #tpu.memory_space<vmem_shared>> -> memref<10240x128xf32, #tpu.memory_space<vmem_shared>>
          tpu.wait_indirect_dma semaphore(%run_scoped3A : memref<!tpu.dma_semaphore, #tpu.memory_space<semaphore_mem>>) src(%arg10 : memref<125x128xf32, #tpu.memory_space<vmem>>) dst(%dma_wait3A_71 : memref<10240x128xf32, #tpu.memory_space<vmem_shared>>)
          tpu.yield
        }) : () -> ()
      }
      %scan3A_27 = arith.constant 20 : i32
    }
    %scan3A_6 = arith.constant 2 : i32
    %barrier3A_7 = arith.constant 0 : index
    tpu.barrier barrier_id(%barrier3A_7)
    %mul3A_8 = arith.constant 640 : i32
    %mul3A_9 = arith.muli %arg1, %mul3A_8 : i32
    %mul3A_10 = arith.constant 640 : i32
    %mul3A_11 = arith.muli %arg1, %mul3A_10 : i32
    "tpu.region"() ({
      %run_scoped3A = tpu.sem_alloc : memref<!tpu.dma_semaphore, #tpu.memory_space<semaphore_mem>>
      %dma_start3A = arith.constant 0 : i32
      %dma_start3A_12 = arith.constant 0 : i32
      %dma_start3A_13 = tpu.memref_slice %arg6[%arg0, %dma_start3A, %dma_start3A_12] : memref<2x10240x128xf32, #tpu.memory_space<hbm>> -> memref<1x10240x128xf32, #tpu.memory_space<hbm>>
      %dma_start3A_14 = tpu.memref_squeeze %dma_start3A_13 : memref<1x10240x128xf32, #tpu.memory_space<hbm>> -> memref<10240x128xf32, #tpu.memory_space<hbm>>
      %dma_start3A_15 = arith.constant 0 : i32
      %dma_start3A_16 = tpu.memref_slice %dma_start3A_14[%mul3A_11, %dma_start3A_15] : memref<10240x128xf32, #tpu.memory_space<hbm>> -> memref<640x128xf32, #tpu.memory_space<hbm>>
      %dma_start3A_17 = arith.constant 0 : i32
      %dma_start3A_18 = tpu.memref_slice %arg13[%mul3A_9, %dma_start3A_17] : memref<10240x128xf32, #tpu.memory_space<vmem_shared>> -> memref<640x128xf32, #tpu.memory_space<vmem_shared>>
      tpu.enqueue_dma source(%dma_start3A_18 : memref<640x128xf32, #tpu.memory_space<vmem_shared>>) target(%dma_start3A_16 : memref<640x128xf32, #tpu.memory_space<hbm>>) target_semaphore(%run_scoped3A : memref<!tpu.dma_semaphore, #tpu.memory_space<semaphore_mem>>)
      %dma_wait3A = arith.constant 0 : i32
      %dma_wait3A_19 = arith.constant 0 : i32
      %dma_wait3A_20 = tpu.memref_slice %arg6[%arg0, %dma_wait3A, %dma_wait3A_19] : memref<2x10240x128xf32, #tpu.memory_space<hbm>> -> memref<1x10240x128xf32, #tpu.memory_space<hbm>>
      %dma_wait3A_21 = tpu.memref_squeeze %dma_wait3A_20 : memref<1x10240x128xf32, #tpu.memory_space<hbm>> -> memref<10240x128xf32, #tpu.memory_space<hbm>>
      %dma_wait3A_22 = arith.constant 0 : i32
      %dma_wait3A_23 = tpu.memref_slice %dma_wait3A_21[%mul3A_11, %dma_wait3A_22] : memref<10240x128xf32, #tpu.memory_space<hbm>> -> memref<640x128xf32, #tpu.memory_space<hbm>>
      %dma_wait3A_24 = arith.constant 0 : i32
      %dma_wait3A_25 = tpu.memref_slice %arg13[%mul3A_9, %dma_wait3A_24] : memref<10240x128xf32, #tpu.memory_space<vmem_shared>> -> memref<640x128xf32, #tpu.memory_space<vmem_shared>>
      tpu.wait_dma2 semaphore(%run_scoped3A : memref<!tpu.dma_semaphore, #tpu.memory_space<semaphore_mem>>) src(%dma_wait3A_25 : memref<640x128xf32, #tpu.memory_space<vmem_shared>>) dst(%dma_wait3A_23 : memref<640x128xf32, #tpu.memory_space<hbm>>)
      tpu.yield
    }) : () -> ()
    return
  }
}

#map = affine_map<(d0, d1) -> (0, 0)>
#map1 = affine_map<(d0, d1) -> (0, 0, 0, 0)>
#map2 = affine_map<(d0, d1) -> (0, 0, 0)>
module attributes {stable_mosaic.version = 14 : i64} {
  func.func @body(%arg0: i32, %arg1: i32, %arg2: memref<10000x128xf32, #tpu.memory_space<hbm>>, %arg3: memref<32x2x40x125xi32, #tpu.memory_space<hbm>>, %arg4: memref<32x2x40x125xi32, #tpu.memory_space<hbm>>, %arg5: memref<640x128xf32, #tpu.memory_space<hbm>>, %arg6: memref<2x10240x128xf32, #tpu.memory_space<hbm>>, %arg7: memref<40x125xi32, #tpu.memory_space<vmem>>, %arg8: memref<40x125xi32, #tpu.memory_space<vmem>>, %arg9: memref<125x128xf32, #tpu.memory_space<vmem>>, %arg10: memref<125x128xf32, #tpu.memory_space<vmem>>, %arg11: memref<!tpu.dma_semaphore, #tpu.memory_space<semaphore_mem>>, %arg12: memref<!tpu.dma_semaphore, #tpu.memory_space<semaphore_mem>>, %arg13: memref<10240x128xf32, #tpu.memory_space<vmem_shared>>) attributes {dimension_semantics = [#tpu.dimension_semantics<core_parallel>, #tpu.dimension_semantics<subcore_parallel>], iteration_bounds = array<i64: 2, 16>, scalar_prefetch = 0 : i64, scratch_operands = 7 : i64, tpu.core_type = #tpu.core_type<sc_vector_subcore>, window_params = [{transform_indices = #map}, {transform_indices = #map1}, {transform_indices = #map1}, {transform_indices = #map}, {transform_indices = #map2}]} {
    %mul3A = arith.constant 2 : i32
    %mul3A_0 = arith.muli %arg1, %mul3A : i32
    %add3A = arith.addi %mul3A_0, %arg0 : i32
    %mul3A_1 = arith.constant 640 : i32
    %mul3A_2 = arith.muli %arg1, %mul3A_1 : i32
    "tpu.region"() ({
      %run_scoped3A = tpu.sem_alloc : memref<!tpu.dma_semaphore, #tpu.memory_space<semaphore_mem>>
      %dma_start3A = arith.constant 0 : i32
      %dma_start3A_12 = tpu.memref_slice %arg13[%mul3A_2, %dma_start3A] : memref<10240x128xf32, #tpu.memory_space<vmem_shared>> -> memref<640x128xf32, #tpu.memory_space<vmem_shared>>
      tpu.enqueue_dma source(%arg5 : memref<640x128xf32, #tpu.memory_space<hbm>>) target(%dma_start3A_12 : memref<640x128xf32, #tpu.memory_space<vmem_shared>>) target_semaphore(%run_scoped3A : memref<!tpu.dma_semaphore, #tpu.memory_space<semaphore_mem>>)
      %dma_wait3A = arith.constant 0 : i32
      %dma_wait3A_13 = tpu.memref_slice %arg13[%mul3A_2, %dma_wait3A] : memref<10240x128xf32, #tpu.memory_space<vmem_shared>> -> memref<640x128xf32, #tpu.memory_space<vmem_shared>>
      tpu.wait_dma2 semaphore(%run_scoped3A : memref<!tpu.dma_semaphore, #tpu.memory_space<semaphore_mem>>) src(%arg5 : memref<640x128xf32, #tpu.memory_space<hbm>>) dst(%dma_wait3A_13 : memref<640x128xf32, #tpu.memory_space<vmem_shared>>)
      tpu.yield
    }) : () -> ()
    %barrier3A = arith.constant 0 : index
    tpu.barrier barrier_id(%barrier3A)
    %scan3A = arith.constant 0 : i32
    %scan3A_3 = arith.constant 2 : i32
    %scan3A_4 = arith.addi %scan3A, %scan3A_3 : i32
    %scan3A_5 = arith.constant 1 : i32
    scf.for %scan3A_12 = %scan3A to %scan3A_4 step %scan3A_5  : i32 {
      %mul3A_13 = arith.constant 1 : i32
      %mul3A_14 = arith.muli %scan3A_12, %mul3A_13 : i32
      %add3A_15 = arith.constant 0 : i32
      %add3A_16 = arith.addi %add3A_15, %mul3A_14 : i32
      "tpu.region"() ({
        %run_scoped3A = tpu.sem_alloc : memref<!tpu.dma_semaphore, #tpu.memory_space<semaphore_mem>>
        %dma_start3A_28 = arith.constant 0 : i32
        %dma_start3A_29 = arith.constant 0 : i32
        %dma_start3A_30 = arith.constant 0 : i32
        %dma_start3A_31 = tpu.memref_slice %arg3[%add3A, %dma_start3A_28, %dma_start3A_29, %dma_start3A_30] : memref<32x2x40x125xi32, #tpu.memory_space<hbm>> -> memref<1x2x40x125xi32, #tpu.memory_space<hbm>>
        %dma_start3A_32 = tpu.memref_squeeze %dma_start3A_31 : memref<1x2x40x125xi32, #tpu.memory_space<hbm>> -> memref<2x40x125xi32, #tpu.memory_space<hbm>>
        %dma_start3A_33 = arith.constant 0 : i32
        %dma_start3A_34 = arith.constant 0 : i32
        %dma_start3A_35 = tpu.memref_slice %dma_start3A_32[%add3A_16, %dma_start3A_33, %dma_start3A_34] : memref<2x40x125xi32, #tpu.memory_space<hbm>> -> memref<1x40x125xi32, #tpu.memory_space<hbm>>
        %dma_start3A_36 = tpu.memref_squeeze %dma_start3A_35 : memref<1x40x125xi32, #tpu.memory_space<hbm>> -> memref<40x125xi32, #tpu.memory_space<hbm>>
        %dma_start3A_37 = arith.constant 0 : i32
        %dma_start3A_38 = arith.constant 0 : i32
        %dma_start3A_39 = arith.constant 0 : i32
        %dma_start3A_40 = tpu.memref_slice %arg3[%add3A, %dma_start3A_37, %dma_start3A_38, %dma_start3A_39] : memref<32x2x40x125xi32, #tpu.memory_space<hbm>> -> memref<1x2x40x125xi32, #tpu.memory_space<hbm>>
        %dma_start3A_41 = tpu.memref_squeeze %dma_start3A_40 : memref<1x2x40x125xi32, #tpu.memory_space<hbm>> -> memref<2x40x125xi32, #tpu.memory_space<hbm>>
        %dma_start3A_42 = arith.constant 0 : i32
        %dma_start3A_43 = arith.constant 0 : i32
        %dma_start3A_44 = tpu.memref_slice %dma_start3A_41[%add3A_16, %dma_start3A_42, %dma_start3A_43] : memref<2x40x125xi32, #tpu.memory_space<hbm>> -> memref<1x40x125xi32, #tpu.memory_space<hbm>>
        %dma_start3A_45 = tpu.memref_squeeze %dma_start3A_44 : memref<1x40x125xi32, #tpu.memory_space<hbm>> -> memref<40x125xi32, #tpu.memory_space<hbm>>
        tpu.enqueue_dma source(%dma_start3A_45 : memref<40x125xi32, #tpu.memory_space<hbm>>) target(%arg7 : memref<40x125xi32, #tpu.memory_space<vmem>>) target_semaphore(%run_scoped3A : memref<!tpu.dma_semaphore, #tpu.memory_space<semaphore_mem>>)
        %dma_wait3A = arith.constant 0 : i32
        %dma_wait3A_46 = arith.constant 0 : i32
        %dma_wait3A_47 = arith.constant 0 : i32
        %dma_wait3A_48 = tpu.memref_slice %arg3[%add3A, %dma_wait3A, %dma_wait3A_46, %dma_wait3A_47] : memref<32x2x40x125xi32, #tpu.memory_space<hbm>> -> memref<1x2x40x125xi32, #tpu.memory_space<hbm>>
        %dma_wait3A_49 = tpu.memref_squeeze %dma_wait3A_48 : memref<1x2x40x125xi32, #tpu.memory_space<hbm>> -> memref<2x40x125xi32, #tpu.memory_space<hbm>>
        %dma_wait3A_50 = arith.constant 0 : i32
        %dma_wait3A_51 = arith.constant 0 : i32
        %dma_wait3A_52 = tpu.memref_slice %dma_wait3A_49[%add3A_16, %dma_wait3A_50, %dma_wait3A_51] : memref<2x40x125xi32, #tpu.memory_space<hbm>> -> memref<1x40x125xi32, #tpu.memory_space<hbm>>
        %dma_wait3A_53 = tpu.memref_squeeze %dma_wait3A_52 : memref<1x40x125xi32, #tpu.memory_space<hbm>> -> memref<40x125xi32, #tpu.memory_space<hbm>>
        %dma_wait3A_54 = arith.constant 0 : i32
        %dma_wait3A_55 = arith.constant 0 : i32
        %dma_wait3A_56 = arith.constant 0 : i32
        %dma_wait3A_57 = tpu.memref_slice %arg3[%add3A, %dma_wait3A_54, %dma_wait3A_55, %dma_wait3A_56] : memref<32x2x40x125xi32, #tpu.memory_space<hbm>> -> memref<1x2x40x125xi32, #tpu.memory_space<hbm>>
        %dma_wait3A_58 = tpu.memref_squeeze %dma_wait3A_57 : memref<1x2x40x125xi32, #tpu.memory_space<hbm>> -> memref<2x40x125xi32, #tpu.memory_space<hbm>>
        %dma_wait3A_59 = arith.constant 0 : i32
        %dma_wait3A_60 = arith.constant 0 : i32
        %dma_wait3A_61 = tpu.memref_slice %dma_wait3A_58[%add3A_16, %dma_wait3A_59, %dma_wait3A_60] : memref<2x40x125xi32, #tpu.memory_space<hbm>> -> memref<1x40x125xi32, #tpu.memory_space<hbm>>
        %dma_wait3A_62 = tpu.memref_squeeze %dma_wait3A_61 : memref<1x40x125xi32, #tpu.memory_space<hbm>> -> memref<40x125xi32, #tpu.memory_space<hbm>>
        tpu.wait_dma2 semaphore(%run_scoped3A : memref<!tpu.dma_semaphore, #tpu.memory_space<semaphore_mem>>) src(%dma_wait3A_62 : memref<40x125xi32, #tpu.memory_space<hbm>>) dst(%arg7 : memref<40x125xi32, #tpu.memory_space<vmem>>)
        tpu.yield
      }) : () -> ()
      "tpu.region"() ({
        %run_scoped3A = tpu.sem_alloc : memref<!tpu.dma_semaphore, #tpu.memory_space<semaphore_mem>>
        %dma_start3A_28 = arith.constant 0 : i32
        %dma_start3A_29 = arith.constant 0 : i32
        %dma_start3A_30 = arith.constant 0 : i32
        %dma_start3A_31 = tpu.memref_slice %arg4[%add3A, %dma_start3A_28, %dma_start3A_29, %dma_start3A_30] : memref<32x2x40x125xi32, #tpu.memory_space<hbm>> -> memref<1x2x40x125xi32, #tpu.memory_space<hbm>>
        %dma_start3A_32 = tpu.memref_squeeze %dma_start3A_31 : memref<1x2x40x125xi32, #tpu.memory_space<hbm>> -> memref<2x40x125xi32, #tpu.memory_space<hbm>>
        %dma_start3A_33 = arith.constant 0 : i32
        %dma_start3A_34 = arith.constant 0 : i32
        %dma_start3A_35 = tpu.memref_slice %dma_start3A_32[%add3A_16, %dma_start3A_33, %dma_start3A_34] : memref<2x40x125xi32, #tpu.memory_space<hbm>> -> memref<1x40x125xi32, #tpu.memory_space<hbm>>
        %dma_start3A_36 = tpu.memref_squeeze %dma_start3A_35 : memref<1x40x125xi32, #tpu.memory_space<hbm>> -> memref<40x125xi32, #tpu.memory_space<hbm>>
        %dma_start3A_37 = arith.constant 0 : i32
        %dma_start3A_38 = arith.constant 0 : i32
        %dma_start3A_39 = arith.constant 0 : i32
        %dma_start3A_40 = tpu.memref_slice %arg4[%add3A, %dma_start3A_37, %dma_start3A_38, %dma_start3A_39] : memref<32x2x40x125xi32, #tpu.memory_space<hbm>> -> memref<1x2x40x125xi32, #tpu.memory_space<hbm>>
        %dma_start3A_41 = tpu.memref_squeeze %dma_start3A_40 : memref<1x2x40x125xi32, #tpu.memory_space<hbm>> -> memref<2x40x125xi32, #tpu.memory_space<hbm>>
        %dma_start3A_42 = arith.constant 0 : i32
        %dma_start3A_43 = arith.constant 0 : i32
        %dma_start3A_44 = tpu.memref_slice %dma_start3A_41[%add3A_16, %dma_start3A_42, %dma_start3A_43] : memref<2x40x125xi32, #tpu.memory_space<hbm>> -> memref<1x40x125xi32, #tpu.memory_space<hbm>>
        %dma_start3A_45 = tpu.memref_squeeze %dma_start3A_44 : memref<1x40x125xi32, #tpu.memory_space<hbm>> -> memref<40x125xi32, #tpu.memory_space<hbm>>
        tpu.enqueue_dma source(%dma_start3A_45 : memref<40x125xi32, #tpu.memory_space<hbm>>) target(%arg8 : memref<40x125xi32, #tpu.memory_space<vmem>>) target_semaphore(%run_scoped3A : memref<!tpu.dma_semaphore, #tpu.memory_space<semaphore_mem>>)
        %dma_wait3A = arith.constant 0 : i32
        %dma_wait3A_46 = arith.constant 0 : i32
        %dma_wait3A_47 = arith.constant 0 : i32
        %dma_wait3A_48 = tpu.memref_slice %arg4[%add3A, %dma_wait3A, %dma_wait3A_46, %dma_wait3A_47] : memref<32x2x40x125xi32, #tpu.memory_space<hbm>> -> memref<1x2x40x125xi32, #tpu.memory_space<hbm>>
        %dma_wait3A_49 = tpu.memref_squeeze %dma_wait3A_48 : memref<1x2x40x125xi32, #tpu.memory_space<hbm>> -> memref<2x40x125xi32, #tpu.memory_space<hbm>>
        %dma_wait3A_50 = arith.constant 0 : i32
        %dma_wait3A_51 = arith.constant 0 : i32
        %dma_wait3A_52 = tpu.memref_slice %dma_wait3A_49[%add3A_16, %dma_wait3A_50, %dma_wait3A_51] : memref<2x40x125xi32, #tpu.memory_space<hbm>> -> memref<1x40x125xi32, #tpu.memory_space<hbm>>
        %dma_wait3A_53 = tpu.memref_squeeze %dma_wait3A_52 : memref<1x40x125xi32, #tpu.memory_space<hbm>> -> memref<40x125xi32, #tpu.memory_space<hbm>>
        %dma_wait3A_54 = arith.constant 0 : i32
        %dma_wait3A_55 = arith.constant 0 : i32
        %dma_wait3A_56 = arith.constant 0 : i32
        %dma_wait3A_57 = tpu.memref_slice %arg4[%add3A, %dma_wait3A_54, %dma_wait3A_55, %dma_wait3A_56] : memref<32x2x40x125xi32, #tpu.memory_space<hbm>> -> memref<1x2x40x125xi32, #tpu.memory_space<hbm>>
        %dma_wait3A_58 = tpu.memref_squeeze %dma_wait3A_57 : memref<1x2x40x125xi32, #tpu.memory_space<hbm>> -> memref<2x40x125xi32, #tpu.memory_space<hbm>>
        %dma_wait3A_59 = arith.constant 0 : i32
        %dma_wait3A_60 = arith.constant 0 : i32
        %dma_wait3A_61 = tpu.memref_slice %dma_wait3A_58[%add3A_16, %dma_wait3A_59, %dma_wait3A_60] : memref<2x40x125xi32, #tpu.memory_space<hbm>> -> memref<1x40x125xi32, #tpu.memory_space<hbm>>
        %dma_wait3A_62 = tpu.memref_squeeze %dma_wait3A_61 : memref<1x40x125xi32, #tpu.memory_space<hbm>> -> memref<40x125xi32, #tpu.memory_space<hbm>>
        tpu.wait_dma2 semaphore(%run_scoped3A : memref<!tpu.dma_semaphore, #tpu.memory_space<semaphore_mem>>) src(%dma_wait3A_62 : memref<40x125xi32, #tpu.memory_space<hbm>>) dst(%arg8 : memref<40x125xi32, #tpu.memory_space<vmem>>)
        tpu.yield
      }) : () -> ()
      %dma_start3A = arith.constant 0 : i32
      %dma_start3A_17 = arith.constant 0 : i32
      %dma_start3A_18 = tpu.memref_slice %arg7[%dma_start3A, %dma_start3A_17] : memref<40x125xi32, #tpu.memory_space<vmem>> -> memref<1x125xi32, #tpu.memory_space<vmem>>
      %dma_start3A_19 = tpu.memref_squeeze %dma_start3A_18 : memref<1x125xi32, #tpu.memory_space<vmem>> -> memref<125xi32, #tpu.memory_space<vmem>>
      %dma_start3A_20 = arith.constant 0 : i32
      %dma_start3A_21 = arith.constant 0 : i32
      %dma_start3A_22 = tpu.memref_slice %arg2[%dma_start3A_20, %dma_start3A_21] : memref<10000x128xf32, #tpu.memory_space<hbm>> -> memref<10000x128xf32, #tpu.memory_space<hbm>>
      tpu.enqueue_indirect_dma source(%dma_start3A_22 : memref<10000x128xf32, #tpu.memory_space<hbm>>) target(%arg9 : memref<125x128xf32, #tpu.memory_space<vmem>>) offsets(%dma_start3A_19 : memref<125xi32, #tpu.memory_space<vmem>>) semaphore(%arg11 : memref<!tpu.dma_semaphore, #tpu.memory_space<semaphore_mem>>)
      %scan3A_23 = arith.constant 0 : i32
      %scan3A_24 = arith.constant 20 : i32
      %scan3A_25 = arith.addi %scan3A_23, %scan3A_24 : i32
      %scan3A_26 = arith.constant 1 : i32
      scf.for %scan3A_28 = %scan3A_23 to %scan3A_25 step %scan3A_26  : i32 {
        %mul3A_29 = arith.constant 1 : i32
        %mul3A_30 = arith.muli %scan3A_28, %mul3A_29 : i32
        %add3A_31 = arith.constant 0 : i32
        %add3A_32 = arith.addi %add3A_31, %mul3A_30 : i32
        %mul3A_33 = arith.constant 2 : i32
        %mul3A_34 = arith.muli %add3A_32, %mul3A_33 : i32
        %add3A_35 = arith.constant 1 : i32
        %add3A_36 = arith.addi %mul3A_34, %add3A_35 : i32
        %dma_start3A_37 = arith.constant 0 : i32
        %dma_start3A_38 = tpu.memref_slice %arg7[%add3A_36, %dma_start3A_37] : memref<40x125xi32, #tpu.memory_space<vmem>> -> memref<1x125xi32, #tpu.memory_space<vmem>>
        %dma_start3A_39 = tpu.memref_squeeze %dma_start3A_38 : memref<1x125xi32, #tpu.memory_space<vmem>> -> memref<125xi32, #tpu.memory_space<vmem>>
        %dma_start3A_40 = arith.constant 0 : i32
        %dma_start3A_41 = arith.constant 0 : i32
        %dma_start3A_42 = tpu.memref_slice %arg2[%dma_start3A_40, %dma_start3A_41] : memref<10000x128xf32, #tpu.memory_space<hbm>> -> memref<10000x128xf32, #tpu.memory_space<hbm>>
        tpu.enqueue_indirect_dma source(%dma_start3A_42 : memref<10000x128xf32, #tpu.memory_space<hbm>>) target(%arg10 : memref<125x128xf32, #tpu.memory_space<vmem>>) offsets(%dma_start3A_39 : memref<125xi32, #tpu.memory_space<vmem>>) semaphore(%arg12 : memref<!tpu.dma_semaphore, #tpu.memory_space<semaphore_mem>>)
        %dma_wait3A = arith.constant 0 : i32
        %dma_wait3A_43 = tpu.memref_slice %arg7[%mul3A_34, %dma_wait3A] : memref<40x125xi32, #tpu.memory_space<vmem>> -> memref<1x125xi32, #tpu.memory_space<vmem>>
        %dma_wait3A_44 = tpu.memref_squeeze %dma_wait3A_43 : memref<1x125xi32, #tpu.memory_space<vmem>> -> memref<125xi32, #tpu.memory_space<vmem>>
        %dma_wait3A_45 = arith.constant 0 : i32
        %dma_wait3A_46 = arith.constant 0 : i32
        %dma_wait3A_47 = tpu.memref_slice %arg2[%dma_wait3A_45, %dma_wait3A_46] : memref<10000x128xf32, #tpu.memory_space<hbm>> -> memref<10000x128xf32, #tpu.memory_space<hbm>>
        tpu.wait_indirect_dma semaphore(%arg11 : memref<!tpu.dma_semaphore, #tpu.memory_space<semaphore_mem>>) src(%dma_wait3A_47 : memref<10000x128xf32, #tpu.memory_space<hbm>>) dst(%arg9 : memref<125x128xf32, #tpu.memory_space<vmem>>)
        "tpu.region"() ({
          %run_scoped3A = tpu.sem_alloc : memref<!tpu.dma_semaphore, #tpu.memory_space<semaphore_mem>>
          %dma_start3A_60 = arith.constant 0 : i32
          %dma_start3A_61 = tpu.memref_slice %arg8[%mul3A_34, %dma_start3A_60] : memref<40x125xi32, #tpu.memory_space<vmem>> -> memref<1x125xi32, #tpu.memory_space<vmem>>
          %dma_start3A_62 = tpu.memref_squeeze %dma_start3A_61 : memref<1x125xi32, #tpu.memory_space<vmem>> -> memref<125xi32, #tpu.memory_space<vmem>>
          %dma_start3A_63 = arith.constant 0 : i32
          %dma_start3A_64 = arith.constant 0 : i32
          %dma_start3A_65 = tpu.memref_slice %arg13[%dma_start3A_63, %dma_start3A_64] : memref<10240x128xf32, #tpu.memory_space<vmem_shared>> -> memref<10240x128xf32, #tpu.memory_space<vmem_shared>>
          tpu.enqueue_indirect_dma source(%arg9 : memref<125x128xf32, #tpu.memory_space<vmem>>) target(%dma_start3A_65 : memref<10240x128xf32, #tpu.memory_space<vmem_shared>>) offsets(%dma_start3A_62 : memref<125xi32, #tpu.memory_space<vmem>>) semaphore(%run_scoped3A : memref<!tpu.dma_semaphore, #tpu.memory_space<semaphore_mem>>) {add = true}
          %dma_wait3A_66 = arith.constant 0 : i32
          %dma_wait3A_67 = tpu.memref_slice %arg8[%mul3A_34, %dma_wait3A_66] : memref<40x125xi32, #tpu.memory_space<vmem>> -> memref<1x125xi32, #tpu.memory_space<vmem>>
          %dma_wait3A_68 = tpu.memref_squeeze %dma_wait3A_67 : memref<1x125xi32, #tpu.memory_space<vmem>> -> memref<125xi32, #tpu.memory_space<vmem>>
          %dma_wait3A_69 = arith.constant 0 : i32
          %dma_wait3A_70 = arith.constant 0 : i32
          %dma_wait3A_71 = tpu.memref_slice %arg13[%dma_wait3A_69, %dma_wait3A_70] : memref<10240x128xf32, #tpu.memory_space<vmem_shared>> -> memref<10240x128xf32, #tpu.memory_space<vmem_shared>>
          tpu.wait_indirect_dma semaphore(%run_scoped3A : memref<!tpu.dma_semaphore, #tpu.memory_space<semaphore_mem>>) src(%arg9 : memref<125x128xf32, #tpu.memory_space<vmem>>) dst(%dma_wait3A_71 : memref<10240x128xf32, #tpu.memory_space<vmem_shared>>)
          tpu.yield
        }) : () -> ()
        %lt3A = arith.constant 19 : i32
        %lt3A_48 = arith.cmpi slt, %add3A_32, %lt3A : i32
        %convert_element_type3A = arith.extui %lt3A_48 : i1 to i32
        %cond3A = arith.constant 0 : i32
        %cond3A_49 = arith.cmpi ne, %convert_element_type3A, %cond3A : i32
        scf.if %cond3A_49 {
          %add3A_60 = arith.constant 2 : i32
          %add3A_61 = arith.addi %mul3A_34, %add3A_60 : i32
          %dma_start3A_62 = arith.constant 0 : i32
          %dma_start3A_63 = tpu.memref_slice %arg7[%add3A_61, %dma_start3A_62] : memref<40x125xi32, #tpu.memory_space<vmem>> -> memref<1x125xi32, #tpu.memory_space<vmem>>
          %dma_start3A_64 = tpu.memref_squeeze %dma_start3A_63 : memref<1x125xi32, #tpu.memory_space<vmem>> -> memref<125xi32, #tpu.memory_space<vmem>>
          %dma_start3A_65 = arith.constant 0 : i32
          %dma_start3A_66 = arith.constant 0 : i32
          %dma_start3A_67 = tpu.memref_slice %arg2[%dma_start3A_65, %dma_start3A_66] : memref<10000x128xf32, #tpu.memory_space<hbm>> -> memref<10000x128xf32, #tpu.memory_space<hbm>>
          tpu.enqueue_indirect_dma source(%dma_start3A_67 : memref<10000x128xf32, #tpu.memory_space<hbm>>) target(%arg9 : memref<125x128xf32, #tpu.memory_space<vmem>>) offsets(%dma_start3A_64 : memref<125xi32, #tpu.memory_space<vmem>>) semaphore(%arg11 : memref<!tpu.dma_semaphore, #tpu.memory_space<semaphore_mem>>)
        } else {
        }
        %add3A_50 = arith.constant 1 : i32
        %add3A_51 = arith.addi %mul3A_34, %add3A_50 : i32
        %dma_wait3A_52 = arith.constant 0 : i32
        %dma_wait3A_53 = tpu.memref_slice %arg7[%add3A_51, %dma_wait3A_52] : memref<40x125xi32, #tpu.memory_space<vmem>> -> memref<1x125xi32, #tpu.memory_space<vmem>>
        %dma_wait3A_54 = tpu.memref_squeeze %dma_wait3A_53 : memref<1x125xi32, #tpu.memory_space<vmem>> -> memref<125xi32, #tpu.memory_space<vmem>>
        %dma_wait3A_55 = arith.constant 0 : i32
        %dma_wait3A_56 = arith.constant 0 : i32
        %dma_wait3A_57 = tpu.memref_slice %arg2[%dma_wait3A_55, %dma_wait3A_56] : memref<10000x128xf32, #tpu.memory_space<hbm>> -> memref<10000x128xf32, #tpu.memory_space<hbm>>
        tpu.wait_indirect_dma semaphore(%arg12 : memref<!tpu.dma_semaphore, #tpu.memory_space<semaphore_mem>>) src(%dma_wait3A_57 : memref<10000x128xf32, #tpu.memory_space<hbm>>) dst(%arg10 : memref<125x128xf32, #tpu.memory_space<vmem>>)
        %add3A_58 = arith.constant 1 : i32
        %add3A_59 = arith.addi %mul3A_34, %add3A_58 : i32
        "tpu.region"() ({
          %run_scoped3A = tpu.sem_alloc : memref<!tpu.dma_semaphore, #tpu.memory_space<semaphore_mem>>
          %dma_start3A_60 = arith.constant 0 : i32
          %dma_start3A_61 = tpu.memref_slice %arg8[%add3A_59, %dma_start3A_60] : memref<40x125xi32, #tpu.memory_space<vmem>> -> memref<1x125xi32, #tpu.memory_space<vmem>>
          %dma_start3A_62 = tpu.memref_squeeze %dma_start3A_61 : memref<1x125xi32, #tpu.memory_space<vmem>> -> memref<125xi32, #tpu.memory_space<vmem>>
          %dma_start3A_63 = arith.constant 0 : i32
          %dma_start3A_64 = arith.constant 0 : i32
          %dma_start3A_65 = tpu.memref_slice %arg13[%dma_start3A_63, %dma_start3A_64] : memref<10240x128xf32, #tpu.memory_space<vmem_shared>> -> memref<10240x128xf32, #tpu.memory_space<vmem_shared>>
          tpu.enqueue_indirect_dma source(%arg10 : memref<125x128xf32, #tpu.memory_space<vmem>>) target(%dma_start3A_65 : memref<10240x128xf32, #tpu.memory_space<vmem_shared>>) offsets(%dma_start3A_62 : memref<125xi32, #tpu.memory_space<vmem>>) semaphore(%run_scoped3A : memref<!tpu.dma_semaphore, #tpu.memory_space<semaphore_mem>>) {add = true}
          %dma_wait3A_66 = arith.constant 0 : i32
          %dma_wait3A_67 = tpu.memref_slice %arg8[%add3A_59, %dma_wait3A_66] : memref<40x125xi32, #tpu.memory_space<vmem>> -> memref<1x125xi32, #tpu.memory_space<vmem>>
          %dma_wait3A_68 = tpu.memref_squeeze %dma_wait3A_67 : memref<1x125xi32, #tpu.memory_space<vmem>> -> memref<125xi32, #tpu.memory_space<vmem>>
          %dma_wait3A_69 = arith.constant 0 : i32
          %dma_wait3A_70 = arith.constant 0 : i32
          %dma_wait3A_71 = tpu.memref_slice %arg13[%dma_wait3A_69, %dma_wait3A_70] : memref<10240x128xf32, #tpu.memory_space<vmem_shared>> -> memref<10240x128xf32, #tpu.memory_space<vmem_shared>>
          tpu.wait_indirect_dma semaphore(%run_scoped3A : memref<!tpu.dma_semaphore, #tpu.memory_space<semaphore_mem>>) src(%arg10 : memref<125x128xf32, #tpu.memory_space<vmem>>) dst(%dma_wait3A_71 : memref<10240x128xf32, #tpu.memory_space<vmem_shared>>)
          tpu.yield
        }) : () -> ()
      }
      %scan3A_27 = arith.constant 20 : i32
    }
    %scan3A_6 = arith.constant 2 : i32
    %barrier3A_7 = arith.constant 0 : index
    tpu.barrier barrier_id(%barrier3A_7)
    %mul3A_8 = arith.constant 640 : i32
    %mul3A_9 = arith.muli %arg1, %mul3A_8 : i32
    %mul3A_10 = arith.constant 640 : i32
    %mul3A_11 = arith.muli %arg1, %mul3A_10 : i32
    "tpu.region"() ({
      %run_scoped3A = tpu.sem_alloc : memref<!tpu.dma_semaphore, #tpu.memory_space<semaphore_mem>>
      %dma_start3A = arith.constant 0 : i32
      %dma_start3A_12 = arith.constant 0 : i32
      %dma_start3A_13 = tpu.memref_slice %arg6[%arg0, %dma_start3A, %dma_start3A_12] : memref<2x10240x128xf32, #tpu.memory_space<hbm>> -> memref<1x10240x128xf32, #tpu.memory_space<hbm>>
      %dma_start3A_14 = tpu.memref_squeeze %dma_start3A_13 : memref<1x10240x128xf32, #tpu.memory_space<hbm>> -> memref<10240x128xf32, #tpu.memory_space<hbm>>
      %dma_start3A_15 = arith.constant 0 : i32
      %dma_start3A_16 = tpu.memref_slice %dma_start3A_14[%mul3A_11, %dma_start3A_15] : memref<10240x128xf32, #tpu.memory_space<hbm>> -> memref<640x128xf32, #tpu.memory_space<hbm>>
      %dma_start3A_17 = arith.constant 0 : i32
      %dma_start3A_18 = tpu.memref_slice %arg13[%mul3A_9, %dma_start3A_17] : memref<10240x128xf32, #tpu.memory_space<vmem_shared>> -> memref<640x128xf32, #tpu.memory_space<vmem_shared>>
      tpu.enqueue_dma source(%dma_start3A_18 : memref<640x128xf32, #tpu.memory_space<vmem_shared>>) target(%dma_start3A_16 : memref<640x128xf32, #tpu.memory_space<hbm>>) target_semaphore(%run_scoped3A : memref<!tpu.dma_semaphore, #tpu.memory_space<semaphore_mem>>)
      %dma_wait3A = arith.constant 0 : i32
      %dma_wait3A_19 = arith.constant 0 : i32
      %dma_wait3A_20 = tpu.memref_slice %arg6[%arg0, %dma_wait3A, %dma_wait3A_19] : memref<2x10240x128xf32, #tpu.memory_space<hbm>> -> memref<1x10240x128xf32, #tpu.memory_space<hbm>>
      %dma_wait3A_21 = tpu.memref_squeeze %dma_wait3A_20 : memref<1x10240x128xf32, #tpu.memory_space<hbm>> -> memref<10240x128xf32, #tpu.memory_space<hbm>>
      %dma_wait3A_22 = arith.constant 0 : i32
      %dma_wait3A_23 = tpu.memref_slice %dma_wait3A_21[%mul3A_11, %dma_wait3A_22] : memref<10240x128xf32, #tpu.memory_space<hbm>> -> memref<640x128xf32, #tpu.memory_space<hbm>>
      %dma_wait3A_24 = arith.constant 0 : i32
      %dma_wait3A_25 = tpu.memref_slice %arg13[%mul3A_9, %dma_wait3A_24] : memref<10240x128xf32, #tpu.memory_space<vmem_shared>> -> memref<640x128xf32, #tpu.memory_space<vmem_shared>>
      tpu.wait_dma2 semaphore(%run_scoped3A : memref<!tpu.dma_semaphore, #tpu.memory_space<semaphore_mem>>) src(%dma_wait3A_25 : memref<640x128xf32, #tpu.memory_space<vmem_shared>>) dst(%dma_wait3A_23 : memref<640x128xf32, #tpu.memory_space<hbm>>)
      tpu.yield
    }) : () -> ()
    return
  }
}

module attributes {stable_mosaic.version = 14 : i64} {
  func.func @_y1_body(%arg0: memref<10000x128xf32, #tpu.memory_space<vmem>>, %arg1: memref<128x128xf32, #tpu.memory_space<vmem>>, %arg2: memref<2x80x128xf32, #tpu.memory_space<vmem>>, %arg3: memref<10000x128xf32, #tpu.memory_space<vmem>>) attributes {dimension_semantics = [], scalar_prefetch = 0 : i64, scratch_operands = 0 : i64, tpu.core_type = #tpu.core_type<tc>} {
    %get3A = arith.constant 0 : index
    %get3A_0 = arith.constant 0 : index
    %get3A_1 = vector.load %arg0[%get3A, %get3A_0] : memref<10000x128xf32, #tpu.memory_space<vmem>>, vector<10000x128xf32>
    %get3A_2 = arith.constant 0 : index
    %get3A_3 = arith.constant 0 : index
    %get3A_4 = vector.load %arg1[%get3A_2, %get3A_3] : memref<128x128xf32, #tpu.memory_space<vmem>>, vector<128x128xf32>
    %dot_general3A = arith.constant dense<0.000000e+00> : vector<10000x128xf32>
    %dot_general3A_5 = tpu.matmul %get3A_1, %get3A_4, %dot_general3A {dimension_numbers = #tpu.dot_dimension_numbers<[1], [0], [0], [1], [0, 0, 1, 1], [], []>, transpose_lhs_hint = false} : vector<10000x128xf32>, vector<128x128xf32>, vector<10000x128xf32> -> vector<10000x128xf32>
    %get3A_6 = arith.constant 0 : index
    %get3A_7 = arith.constant 0 : index
    %get3A_8 = arith.constant 0 : index
    %get3A_9 = vector.load %arg2[%get3A_6, %get3A_7, %get3A_8] : memref<2x80x128xf32, #tpu.memory_space<vmem>>, vector<1x80x128xf32>
    %get3A_10 = vector.shape_cast %get3A_9 : vector<1x80x128xf32> to vector<80x128xf32>
    %get3A_11 = arith.constant 1 : index
    %get3A_12 = arith.constant 0 : index
    %get3A_13 = arith.constant 0 : index
    %get3A_14 = vector.load %arg2[%get3A_11, %get3A_12, %get3A_13] : memref<2x80x128xf32, #tpu.memory_space<vmem>>, vector<1x80x128xf32>
    %get3A_15 = vector.shape_cast %get3A_14 : vector<1x80x128xf32> to vector<80x128xf32>
    %add3A = arith.addf %get3A_10, %get3A_15 : vector<80x128xf32>
    %broadcast_in_dim3A = vector.shape_cast %add3A : vector<80x128xf32> to vector<80x1x128xf32>
    %transpose3A = tpu.transpose %broadcast_in_dim3A, [0, 2, 1] : vector<80x1x128xf32> -> vector<80x128x1xf32>
    %reshape3A = vector.shape_cast %transpose3A : vector<80x128x1xf32> to vector<10240x1xf32>
    %slice3A = vector.extract_strided_slice %reshape3A {offsets = [0, 0], sizes = [10000, 1], strides = [1, 1]} : vector<10240x1xf32> to vector<10000x1xf32>
    %gt3A = arith.constant 0.000000e+00 : f32
    %gt3A_16 = vector.broadcast %gt3A : f32 to vector<10000x1xf32>
    %gt3A_17 = arith.cmpf ogt, %slice3A, %gt3A_16 : vector<10000x1xf32>
    %max3A = arith.constant 1.000000e+00 : f32
    %max3A_18 = vector.broadcast %max3A : f32 to vector<10000x1xf32>
    %max3A_19 = arith.maximumf %slice3A, %max3A_18 : vector<10000x1xf32>
    %rsqrt3A = math.rsqrt %max3A_19 : vector<10000x1xf32>
    %jit3A = arith.constant 0.000000e+00 : f32
    %broadcast_in_dim3A_20 = vector.broadcast %jit3A : f32 to vector<10000x1xf32>
    %select_n3A = arith.select %gt3A_17, %rsqrt3A, %broadcast_in_dim3A_20 : vector<10000x1xi1>, vector<10000x1xf32>
    %mul3A = vector.broadcast %select_n3A : vector<10000x1xf32> to vector<10000x128xf32>
    %mul3A_21 = arith.mulf %dot_general3A_5, %mul3A : vector<10000x128xf32>
    %swap3A = arith.constant 0 : index
    %swap3A_22 = arith.constant 0 : index
    %swap3A_23 = vector.load %arg3[%swap3A, %swap3A_22] : memref<10000x128xf32, #tpu.memory_space<vmem>>, vector<10000x128xf32>
    tpu.vector_store %arg3[%swap3A, %swap3A_22], %mul3A_21 {strides = array<i32>} : memref<10000x128xf32, #tpu.memory_space<vmem>>, vector<10000x128xf32>,
    return
  }
}

module attributes {stable_mosaic.version = 14 : i64} {
  func.func @_pre_body(%arg0: memref<2x10240x128xf32, #tpu.memory_space<vmem>>, %arg1: memref<2x80x128xf32, #tpu.memory_space<vmem>>, %arg2: memref<2x80x128xf32, #tpu.memory_space<vmem>>, %arg3: memref<128xf32, #tpu.memory_space<vmem>>, %arg4: memref<128x128xf32, #tpu.memory_space<vmem>>, %arg5: memref<10000x128xf32, #tpu.memory_space<vmem>>) attributes {dimension_semantics = [], scalar_prefetch = 0 : i64, scratch_operands = 0 : i64, tpu.core_type = #tpu.core_type<tc>} {
    %get3A = arith.constant 0 : index
    %get3A_0 = arith.constant 0 : index
    %get3A_1 = arith.constant 0 : index
    %get3A_2 = vector.load %arg0[%get3A, %get3A_0, %get3A_1] : memref<2x10240x128xf32, #tpu.memory_space<vmem>>, vector<1x10000x128xf32>
    %get3A_3 = vector.shape_cast %get3A_2 : vector<1x10000x128xf32> to vector<10000x128xf32>
    %get3A_4 = arith.constant 1 : index
    %get3A_5 = arith.constant 0 : index
    %get3A_6 = arith.constant 0 : index
    %get3A_7 = vector.load %arg0[%get3A_4, %get3A_5, %get3A_6] : memref<2x10240x128xf32, #tpu.memory_space<vmem>>, vector<1x10000x128xf32>
    %get3A_8 = vector.shape_cast %get3A_7 : vector<1x10000x128xf32> to vector<10000x128xf32>
    %add3A = arith.addf %get3A_3, %get3A_8 : vector<10000x128xf32>
    %get3A_9 = arith.constant 0 : index
    %get3A_10 = arith.constant 0 : index
    %get3A_11 = arith.constant 0 : index
    %get3A_12 = vector.load %arg2[%get3A_9, %get3A_10, %get3A_11] : memref<2x80x128xf32, #tpu.memory_space<vmem>>, vector<1x80x128xf32>
    %get3A_13 = vector.shape_cast %get3A_12 : vector<1x80x128xf32> to vector<80x128xf32>
    %get3A_14 = arith.constant 1 : index
    %get3A_15 = arith.constant 0 : index
    %get3A_16 = arith.constant 0 : index
    %get3A_17 = vector.load %arg2[%get3A_14, %get3A_15, %get3A_16] : memref<2x80x128xf32, #tpu.memory_space<vmem>>, vector<1x80x128xf32>
    %get3A_18 = vector.shape_cast %get3A_17 : vector<1x80x128xf32> to vector<80x128xf32>
    %add3A_19 = arith.addf %get3A_13, %get3A_18 : vector<80x128xf32>
    %broadcast_in_dim3A = vector.shape_cast %add3A_19 : vector<80x128xf32> to vector<80x1x128xf32>
    %transpose3A = tpu.transpose %broadcast_in_dim3A, [0, 2, 1] : vector<80x1x128xf32> -> vector<80x128x1xf32>
    %reshape3A = vector.shape_cast %transpose3A : vector<80x128x1xf32> to vector<10240x1xf32>
    %slice3A = vector.extract_strided_slice %reshape3A {offsets = [0, 0], sizes = [10000, 1], strides = [1, 1]} : vector<10240x1xf32> to vector<10000x1xf32>
    %gt3A = arith.constant 0.000000e+00 : f32
    %gt3A_20 = vector.broadcast %gt3A : f32 to vector<10000x1xf32>
    %gt3A_21 = arith.cmpf ogt, %slice3A, %gt3A_20 : vector<10000x1xf32>
    %max3A = arith.constant 1.000000e+00 : f32
    %max3A_22 = vector.broadcast %max3A : f32 to vector<10000x1xf32>
    %max3A_23 = arith.maximumf %slice3A, %max3A_22 : vector<10000x1xf32>
    %rsqrt3A = math.rsqrt %max3A_23 : vector<10000x1xf32>
    %jit3A = arith.constant 0.000000e+00 : f32
    %broadcast_in_dim3A_24 = vector.broadcast %jit3A : f32 to vector<10000x1xf32>
    %select_n3A = arith.select %gt3A_21, %rsqrt3A, %broadcast_in_dim3A_24 : vector<10000x1xi1>, vector<10000x1xf32>
    %mul3A = vector.broadcast %select_n3A : vector<10000x1xf32> to vector<10000x128xf32>
    %mul3A_25 = arith.mulf %add3A, %mul3A : vector<10000x128xf32>
    %get3A_26 = arith.constant 0 : index
    %get3A_27 = vector.load %arg3[%get3A_26] : memref<128xf32, #tpu.memory_space<vmem>>, vector<128xf32>
    %broadcast_in_dim3A_28 = vector.shape_cast %get3A_27 : vector<128xf32> to vector<1x128xf32>
    %add3A_29 = vector.broadcast %broadcast_in_dim3A_28 : vector<1x128xf32> to vector<10000x128xf32>
    %add3A_30 = arith.addf %mul3A_25, %add3A_29 : vector<10000x128xf32>
    %max3A_31 = arith.constant 0.000000e+00 : f32
    %max3A_32 = vector.broadcast %max3A_31 : f32 to vector<10000x128xf32>
    %max3A_33 = arith.maximumf %add3A_30, %max3A_32 : vector<10000x128xf32>
    %get3A_34 = arith.constant 0 : index
    %get3A_35 = arith.constant 0 : index
    %get3A_36 = vector.load %arg4[%get3A_34, %get3A_35] : memref<128x128xf32, #tpu.memory_space<vmem>>, vector<128x128xf32>
    %dot_general3A = arith.constant dense<0.000000e+00> : vector<10000x128xf32>
    %dot_general3A_37 = tpu.matmul %max3A_33, %get3A_36, %dot_general3A {dimension_numbers = #tpu.dot_dimension_numbers<[1], [0], [0], [1], [0, 0, 1, 1], [], []>, transpose_lhs_hint = false} : vector<10000x128xf32>, vector<128x128xf32>, vector<10000x128xf32> -> vector<10000x128xf32>
    %get3A_38 = arith.constant 0 : index
    %get3A_39 = arith.constant 0 : index
    %get3A_40 = arith.constant 0 : index
    %get3A_41 = vector.load %arg1[%get3A_38, %get3A_39, %get3A_40] : memref<2x80x128xf32, #tpu.memory_space<vmem>>, vector<1x80x128xf32>
    %get3A_42 = vector.shape_cast %get3A_41 : vector<1x80x128xf32> to vector<80x128xf32>
    %get3A_43 = arith.constant 1 : index
    %get3A_44 = arith.constant 0 : index
    %get3A_45 = arith.constant 0 : index
    %get3A_46 = vector.load %arg1[%get3A_43, %get3A_44, %get3A_45] : memref<2x80x128xf32, #tpu.memory_space<vmem>>, vector<1x80x128xf32>
    %get3A_47 = vector.shape_cast %get3A_46 : vector<1x80x128xf32> to vector<80x128xf32>
    %add3A_48 = arith.addf %get3A_42, %get3A_47 : vector<80x128xf32>
    %broadcast_in_dim3A_49 = vector.shape_cast %add3A_48 : vector<80x128xf32> to vector<80x1x128xf32>
    %transpose3A_50 = tpu.transpose %broadcast_in_dim3A_49, [0, 2, 1] : vector<80x1x128xf32> -> vector<80x128x1xf32>
    %reshape3A_51 = vector.shape_cast %transpose3A_50 : vector<80x128x1xf32> to vector<10240x1xf32>
    %slice3A_52 = vector.extract_strided_slice %reshape3A_51 {offsets = [0, 0], sizes = [10000, 1], strides = [1, 1]} : vector<10240x1xf32> to vector<10000x1xf32>
    %gt3A_53 = arith.constant 0.000000e+00 : f32
    %gt3A_54 = vector.broadcast %gt3A_53 : f32 to vector<10000x1xf32>
    %gt3A_55 = arith.cmpf ogt, %slice3A_52, %gt3A_54 : vector<10000x1xf32>
    %max3A_56 = arith.constant 1.000000e+00 : f32
    %max3A_57 = vector.broadcast %max3A_56 : f32 to vector<10000x1xf32>
    %max3A_58 = arith.maximumf %slice3A_52, %max3A_57 : vector<10000x1xf32>
    %rsqrt3A_59 = math.rsqrt %max3A_58 : vector<10000x1xf32>
    %jit3A_60 = arith.constant 0.000000e+00 : f32
    %broadcast_in_dim3A_61 = vector.broadcast %jit3A_60 : f32 to vector<10000x1xf32>
    %select_n3A_62 = arith.select %gt3A_55, %rsqrt3A_59, %broadcast_in_dim3A_61 : vector<10000x1xi1>, vector<10000x1xf32>
    %mul3A_63 = vector.broadcast %select_n3A_62 : vector<10000x1xf32> to vector<10000x128xf32>
    %mul3A_64 = arith.mulf %dot_general3A_37, %mul3A_63 : vector<10000x128xf32>
    %swap3A = arith.constant 0 : index
    %swap3A_65 = arith.constant 0 : index
    %swap3A_66 = vector.load %arg5[%swap3A, %swap3A_65] : memref<10000x128xf32, #tpu.memory_space<vmem>>, vector<10000x128xf32>
    tpu.vector_store %arg5[%swap3A, %swap3A_65], %mul3A_64 {strides = array<i32>} : memref<10000x128xf32, #tpu.memory_space<vmem>>, vector<10000x128xf32>,
    return
  }
}

module attributes {stable_mosaic.version = 14 : i64} {
  func.func @_mid_body(%arg0: memref<2x10240x128xf32, #tpu.memory_space<vmem>>, %arg1: memref<2x80x128xf32, #tpu.memory_space<vmem>>, %arg2: memref<2x80x128xf32, #tpu.memory_space<vmem>>, %arg3: memref<128xf32, #tpu.memory_space<vmem>>, %arg4: memref<10000x128xf32, #tpu.memory_space<vmem>>) attributes {dimension_semantics = [], scalar_prefetch = 0 : i64, scratch_operands = 0 : i64, tpu.core_type = #tpu.core_type<tc>} {
    %get3A = arith.constant 0 : index
    %get3A_0 = arith.constant 0 : index
    %get3A_1 = arith.constant 0 : index
    %get3A_2 = vector.load %arg0[%get3A, %get3A_0, %get3A_1] : memref<2x10240x128xf32, #tpu.memory_space<vmem>>, vector<1x10000x128xf32>
    %get3A_3 = vector.shape_cast %get3A_2 : vector<1x10000x128xf32> to vector<10000x128xf32>
    %get3A_4 = arith.constant 1 : index
    %get3A_5 = arith.constant 0 : index
    %get3A_6 = arith.constant 0 : index
    %get3A_7 = vector.load %arg0[%get3A_4, %get3A_5, %get3A_6] : memref<2x10240x128xf32, #tpu.memory_space<vmem>>, vector<1x10000x128xf32>
    %get3A_8 = vector.shape_cast %get3A_7 : vector<1x10000x128xf32> to vector<10000x128xf32>
    %add3A = arith.addf %get3A_3, %get3A_8 : vector<10000x128xf32>
    %get3A_9 = arith.constant 0 : index
    %get3A_10 = arith.constant 0 : index
    %get3A_11 = arith.constant 0 : index
    %get3A_12 = vector.load %arg2[%get3A_9, %get3A_10, %get3A_11] : memref<2x80x128xf32, #tpu.memory_space<vmem>>, vector<1x80x128xf32>
    %get3A_13 = vector.shape_cast %get3A_12 : vector<1x80x128xf32> to vector<80x128xf32>
    %get3A_14 = arith.constant 1 : index
    %get3A_15 = arith.constant 0 : index
    %get3A_16 = arith.constant 0 : index
    %get3A_17 = vector.load %arg2[%get3A_14, %get3A_15, %get3A_16] : memref<2x80x128xf32, #tpu.memory_space<vmem>>, vector<1x80x128xf32>
    %get3A_18 = vector.shape_cast %get3A_17 : vector<1x80x128xf32> to vector<80x128xf32>
    %add3A_19 = arith.addf %get3A_13, %get3A_18 : vector<80x128xf32>
    %broadcast_in_dim3A = vector.shape_cast %add3A_19 : vector<80x128xf32> to vector<80x1x128xf32>
    %transpose3A = tpu.transpose %broadcast_in_dim3A, [0, 2, 1] : vector<80x1x128xf32> -> vector<80x128x1xf32>
    %reshape3A = vector.shape_cast %transpose3A : vector<80x128x1xf32> to vector<10240x1xf32>
    %slice3A = vector.extract_strided_slice %reshape3A {offsets = [0, 0], sizes = [10000, 1], strides = [1, 1]} : vector<10240x1xf32> to vector<10000x1xf32>
    %gt3A = arith.constant 0.000000e+00 : f32
    %gt3A_20 = vector.broadcast %gt3A : f32 to vector<10000x1xf32>
    %gt3A_21 = arith.cmpf ogt, %slice3A, %gt3A_20 : vector<10000x1xf32>
    %max3A = arith.constant 1.000000e+00 : f32
    %max3A_22 = vector.broadcast %max3A : f32 to vector<10000x1xf32>
    %max3A_23 = arith.maximumf %slice3A, %max3A_22 : vector<10000x1xf32>
    %rsqrt3A = math.rsqrt %max3A_23 : vector<10000x1xf32>
    %jit3A = arith.constant 0.000000e+00 : f32
    %broadcast_in_dim3A_24 = vector.broadcast %jit3A : f32 to vector<10000x1xf32>
    %select_n3A = arith.select %gt3A_21, %rsqrt3A, %broadcast_in_dim3A_24 : vector<10000x1xi1>, vector<10000x1xf32>
    %mul3A = vector.broadcast %select_n3A : vector<10000x1xf32> to vector<10000x128xf32>
    %mul3A_25 = arith.mulf %add3A, %mul3A : vector<10000x128xf32>
    %get3A_26 = arith.constant 0 : index
    %get3A_27 = vector.load %arg3[%get3A_26] : memref<128xf32, #tpu.memory_space<vmem>>, vector<128xf32>
    %broadcast_in_dim3A_28 = vector.shape_cast %get3A_27 : vector<128xf32> to vector<1x128xf32>
    %add3A_29 = vector.broadcast %broadcast_in_dim3A_28 : vector<1x128xf32> to vector<10000x128xf32>
    %add3A_30 = arith.addf %mul3A_25, %add3A_29 : vector<10000x128xf32>
    %max3A_31 = arith.constant 0.000000e+00 : f32
    %max3A_32 = vector.broadcast %max3A_31 : f32 to vector<10000x128xf32>
    %max3A_33 = arith.maximumf %add3A_30, %max3A_32 : vector<10000x128xf32>
    %get3A_34 = arith.constant 0 : index
    %get3A_35 = arith.constant 0 : index
    %get3A_36 = arith.constant 0 : index
    %get3A_37 = vector.load %arg1[%get3A_34, %get3A_35, %get3A_36] : memref<2x80x128xf32, #tpu.memory_space<vmem>>, vector<1x80x128xf32>
    %get3A_38 = vector.shape_cast %get3A_37 : vector<1x80x128xf32> to vector<80x128xf32>
    %get3A_39 = arith.constant 1 : index
    %get3A_40 = arith.constant 0 : index
    %get3A_41 = arith.constant 0 : index
    %get3A_42 = vector.load %arg1[%get3A_39, %get3A_40, %get3A_41] : memref<2x80x128xf32, #tpu.memory_space<vmem>>, vector<1x80x128xf32>
    %get3A_43 = vector.shape_cast %get3A_42 : vector<1x80x128xf32> to vector<80x128xf32>
    %add3A_44 = arith.addf %get3A_38, %get3A_43 : vector<80x128xf32>
    %broadcast_in_dim3A_45 = vector.shape_cast %add3A_44 : vector<80x128xf32> to vector<80x1x128xf32>
    %transpose3A_46 = tpu.transpose %broadcast_in_dim3A_45, [0, 2, 1] : vector<80x1x128xf32> -> vector<80x128x1xf32>
    %reshape3A_47 = vector.shape_cast %transpose3A_46 : vector<80x128x1xf32> to vector<10240x1xf32>
    %slice3A_48 = vector.extract_strided_slice %reshape3A_47 {offsets = [0, 0], sizes = [10000, 1], strides = [1, 1]} : vector<10240x1xf32> to vector<10000x1xf32>
    %gt3A_49 = arith.constant 0.000000e+00 : f32
    %gt3A_50 = vector.broadcast %gt3A_49 : f32 to vector<10000x1xf32>
    %gt3A_51 = arith.cmpf ogt, %slice3A_48, %gt3A_50 : vector<10000x1xf32>
    %max3A_52 = arith.constant 1.000000e+00 : f32
    %max3A_53 = vector.broadcast %max3A_52 : f32 to vector<10000x1xf32>
    %max3A_54 = arith.maximumf %slice3A_48, %max3A_53 : vector<10000x1xf32>
    %rsqrt3A_55 = math.rsqrt %max3A_54 : vector<10000x1xf32>
    %jit3A_56 = arith.constant 0.000000e+00 : f32
    %broadcast_in_dim3A_57 = vector.broadcast %jit3A_56 : f32 to vector<10000x1xf32>
    %select_n3A_58 = arith.select %gt3A_51, %rsqrt3A_55, %broadcast_in_dim3A_57 : vector<10000x1xi1>, vector<10000x1xf32>
    %mul3A_59 = vector.broadcast %select_n3A_58 : vector<10000x1xf32> to vector<10000x128xf32>
    %mul3A_60 = arith.mulf %max3A_33, %mul3A_59 : vector<10000x128xf32>
    %swap3A = arith.constant 0 : index
    %swap3A_61 = arith.constant 0 : index
    %swap3A_62 = vector.load %arg4[%swap3A, %swap3A_61] : memref<10000x128xf32, #tpu.memory_space<vmem>>, vector<10000x128xf32>
    tpu.vector_store %arg4[%swap3A, %swap3A_61], %mul3A_60 {strides = array<i32>} : memref<10000x128xf32, #tpu.memory_space<vmem>>, vector<10000x128xf32>,
    return
  }
}

module attributes {stable_mosaic.version = 14 : i64} {
  func.func @_post_body(%arg0: memref<2x10240x128xf32, #tpu.memory_space<vmem>>, %arg1: memref<2x80x128xf32, #tpu.memory_space<vmem>>, %arg2: memref<16xf32, #tpu.memory_space<vmem>>, %arg3: memref<128x16xf32, #tpu.memory_space<vmem>>, %arg4: memref<10000x16xf32, #tpu.memory_space<vmem>>) attributes {dimension_semantics = [], scalar_prefetch = 0 : i64, scratch_operands = 0 : i64, tpu.core_type = #tpu.core_type<tc>} {
    %get3A = arith.constant 0 : index
    %get3A_0 = arith.constant 0 : index
    %get3A_1 = arith.constant 0 : index
    %get3A_2 = vector.load %arg0[%get3A, %get3A_0, %get3A_1] : memref<2x10240x128xf32, #tpu.memory_space<vmem>>, vector<1x10000x128xf32>
    %get3A_3 = vector.shape_cast %get3A_2 : vector<1x10000x128xf32> to vector<10000x128xf32>
    %get3A_4 = arith.constant 1 : index
    %get3A_5 = arith.constant 0 : index
    %get3A_6 = arith.constant 0 : index
    %get3A_7 = vector.load %arg0[%get3A_4, %get3A_5, %get3A_6] : memref<2x10240x128xf32, #tpu.memory_space<vmem>>, vector<1x10000x128xf32>
    %get3A_8 = vector.shape_cast %get3A_7 : vector<1x10000x128xf32> to vector<10000x128xf32>
    %add3A = arith.addf %get3A_3, %get3A_8 : vector<10000x128xf32>
    %get3A_9 = arith.constant 0 : index
    %get3A_10 = arith.constant 0 : index
    %get3A_11 = vector.load %arg3[%get3A_9, %get3A_10] : memref<128x16xf32, #tpu.memory_space<vmem>>, vector<128x16xf32>
    %dot_general3A = arith.constant dense<0.000000e+00> : vector<10000x16xf32>
    %dot_general3A_12 = tpu.matmul %add3A, %get3A_11, %dot_general3A {dimension_numbers = #tpu.dot_dimension_numbers<[1], [0], [0], [1], [0, 0, 1, 1], [], []>, transpose_lhs_hint = false} : vector<10000x128xf32>, vector<128x16xf32>, vector<10000x16xf32> -> vector<10000x16xf32>
    %get3A_13 = arith.constant 0 : index
    %get3A_14 = arith.constant 0 : index
    %get3A_15 = arith.constant 0 : index
    %get3A_16 = vector.load %arg1[%get3A_13, %get3A_14, %get3A_15] : memref<2x80x128xf32, #tpu.memory_space<vmem>>, vector<1x80x128xf32>
    %get3A_17 = vector.shape_cast %get3A_16 : vector<1x80x128xf32> to vector<80x128xf32>
    %get3A_18 = arith.constant 1 : index
    %get3A_19 = arith.constant 0 : index
    %get3A_20 = arith.constant 0 : index
    %get3A_21 = vector.load %arg1[%get3A_18, %get3A_19, %get3A_20] : memref<2x80x128xf32, #tpu.memory_space<vmem>>, vector<1x80x128xf32>
    %get3A_22 = vector.shape_cast %get3A_21 : vector<1x80x128xf32> to vector<80x128xf32>
    %add3A_23 = arith.addf %get3A_17, %get3A_22 : vector<80x128xf32>
    %broadcast_in_dim3A = vector.shape_cast %add3A_23 : vector<80x128xf32> to vector<80x1x128xf32>
    %transpose3A = tpu.transpose %broadcast_in_dim3A, [0, 2, 1] : vector<80x1x128xf32> -> vector<80x128x1xf32>
    %reshape3A = vector.shape_cast %transpose3A : vector<80x128x1xf32> to vector<10240x1xf32>
    %slice3A = vector.extract_strided_slice %reshape3A {offsets = [0, 0], sizes = [10000, 1], strides = [1, 1]} : vector<10240x1xf32> to vector<10000x1xf32>
    %gt3A = arith.constant 0.000000e+00 : f32
    %gt3A_24 = vector.broadcast %gt3A : f32 to vector<10000x1xf32>
    %gt3A_25 = arith.cmpf ogt, %slice3A, %gt3A_24 : vector<10000x1xf32>
    %max3A = arith.constant 1.000000e+00 : f32
    %max3A_26 = vector.broadcast %max3A : f32 to vector<10000x1xf32>
    %max3A_27 = arith.maximumf %slice3A, %max3A_26 : vector<10000x1xf32>
    %rsqrt3A = math.rsqrt %max3A_27 : vector<10000x1xf32>
    %jit3A = arith.constant 0.000000e+00 : f32
    %broadcast_in_dim3A_28 = vector.broadcast %jit3A : f32 to vector<10000x1xf32>
    %select_n3A = arith.select %gt3A_25, %rsqrt3A, %broadcast_in_dim3A_28 : vector<10000x1xi1>, vector<10000x1xf32>
    %mul3A = vector.broadcast %select_n3A : vector<10000x1xf32> to vector<10000x16xf32>
    %mul3A_29 = arith.mulf %dot_general3A_12, %mul3A : vector<10000x16xf32>
    %get3A_30 = arith.constant 0 : index
    %get3A_31 = vector.load %arg2[%get3A_30] : memref<16xf32, #tpu.memory_space<vmem>>, vector<16xf32>
    %broadcast_in_dim3A_32 = vector.shape_cast %get3A_31 : vector<16xf32> to vector<1x16xf32>
    %add3A_33 = vector.broadcast %broadcast_in_dim3A_32 : vector<1x16xf32> to vector<10000x16xf32>
    %add3A_34 = arith.addf %mul3A_29, %add3A_33 : vector<10000x16xf32>
    %swap3A = arith.constant 0 : index
    %swap3A_35 = arith.constant 0 : index
    %swap3A_36 = vector.load %arg4[%swap3A, %swap3A_35] : memref<10000x16xf32, #tpu.memory_space<vmem>>, vector<10000x16xf32>
    tpu.vector_store %arg4[%swap3A, %swap3A_35], %add3A_34 {strides = array<i32>} : memref<10000x16xf32, #tpu.memory_space<vmem>>, vector<10000x16xf32>,
    return
  }
}

</mosaic_0001>

<sc_bundles>
// kernel: kernel.10.cloned.1.call-start
scs
__scs_entry_jumppad:
0x0: {  	(pc) =	sbr.rel $0x88, $3  }
0x1: {  	(tag) =	ssettag $0x0;
	lr =	simm.s32 $0x1  }
0x2: {  	[smem:$0x3F99] =	sst lr;
	_ =	strace $0xD0000000  }
0x3: {  	_ = 	snop  }
0x4: {  	_ = 	snop  }
0x5: {  	_ = 	snop  }
0x6: {  	_ = 	snop  }
0x7: {  	_ = 	snop  }
__scs_overlays_trampoline_lowered:
0x8: {  	[smem:$0x3FA8] =	sst s0  }
0x9: {  	[smem:$0x3FA9] =	sst s1  }
0xa: {  	[smem:$0x3FAA] =	sst s2  }
0xb: {  	[smem:$0x3FAB] =	sst s3  }
0xc: {  	[smem:$0x3FAC] =	sst s4  }
0xd: {  	[smem:$0x3FAD] =	sst s5  }
0xe: {  	[smem:$0x3FAE] =	sst s6  }
0xf: {  	[smem:$0x3FAF] =	sst s7  }
0x10: {  	[smem:$0x3FB0] =	sst s8  }
0x11: {  	[smem:$0x3FB1] =	sst s9;
	s0 =	simm.s32 @!p0 $0x0  }
0x12: {  	s1 =	sld [smem:$0x3F97];
	s0 =	simm.s32 @p0 $0x1  }
0x13: {  	[smem:$0x3FB2] =	sst s0;
	s0 =	simm.s32 @!p1 $0x0  }
0x14: {  	s2 =	sld [smem:$0x3F96];
	s0 =	simm.s32 @p1 $0x1  }
0x15: {  	[smem:$0x3FB3] =	sst s0;
	s0 =	simm.s32 @!p2 $0x0  }
0x16: {  	s3 =	sld [smem:$0x3FDB];
	s0 =	simm.s32 @p2 $0x1  }
0x17: {  	s4 =	simm.s32 $0x1BF5;
	[smem:$0x3FB5] =	sst s0  }
0x18: {  	s0 =	sld [smem:$0x3F98];
	_ =	swait.ge [sflag:s4], $0x0  }
0x19: {  	s7 =	sld [smem:$0x3F99]  }
0x1a: {  	s8 =	sadd.s32 $0xFFFFE003, lr  }
0x1b: {  	s9 =	sadd.s32 $0xFFFFFEF7, lr;
	s5 =	simm.s32 $0xFFFFFFFF;
	p2 =	slt.u32 s8, $0xFFFFF086  }
0x1c: {  	p1 =	slt.u32 s9, $0xF7A;
	s5 =	simm.s32 @!p2 $0x0  }
0x1d: {  	s5 =	simm.s32 @p1 $0x1;
	p0 =	seq.s32 s7, s2  }
0x1e: {  	s7 =	smul.u32 @!p0 $0xF7A, s2;
	p2 =	seq.s32 @!p0 s5, $0x0  }
0x1f: {  	s9 =	smul.u32 $0xF7A, s1;
	s8 =	simm.s32 @!p0 $0x1BF5;
	p2 =	por !p2, p0  }
0x20: {  	[sflag:s8] =	ssyncset.s32 @!p0 $0xFFFFF086;
	s6 =	sadd.s32 @!p0 s3, s7;
	s7 =	simm.s32 @!p0 $0x108  }
0x21: {  	s3 =	sadd.s32 s3, s9;
	s6 =	sadd.s32 @!p0 $0x88, s6;
	s7 =	simm.s32 @p2 $0x1082  }
0x22: {  	[simem:s7], [sflag:s8] =	dma.local @!p0 [hbm:s6], $0xF7A  }
0x23: {  	s9 =	sor.u32 $0xD0000000, s2;
	s6 =	simm.s32 $0x108;
	_ =	swait.ge @!p0 [sflag:s8], $0x0  }
0x24: {  	s3 =	sadd.s32 $0x88, s3;
	s6 =	simm.s32 @!p1 $0x1082;
	[sflag:s4] =	ssyncset.s32 $0xFFFFF086  }
0x25: {  	[simem:s6], [sflag:s4] =	dma.local [hbm:s3], $0xF7A  }
0x26: {  	[smem:$0x3F99] =	sst s1;
	(tag) =	ssettag s2;
	_ =	strace s9  }
0x27: {  	s1 =	sld [smem:$0x3FA9]  }
0x28: {  	s2 =	sld [smem:$0x3FAA]  }
0x29: {  	s4 =	sld [smem:$0x3FAC]  }
0x2a: {  	p0 =	seq.s32 s5, $0x0;
	s5 =	sld [smem:$0x3FAD]  }
0x2b: {  	s6 =	sld [smem:$0x3FAE]  }
0x2c: {  	s7 =	sld [smem:$0x3FAF]  }
0x2d: {  	s3 =	simm.s32 $0x108;
	s8 =	sld [smem:$0x3FB0]  }
0x2e: {  	s3 =	simm.s32 @!p0 $0x1082;
	s9 =	sld [smem:$0x3FB1]  }
0x2f: {  	lr =	sadd.s32 s0, s3;
	s0 =	sld [smem:$0x3FA8]  }
0x30: {  	s3 =	sld [smem:$0x3FAB]  }
0x31: {  	[smem:$0x3FB4] =	sst s10  }
0x32: {  	s10 =	sld [smem:$0x3FB2];
	_ =	sdelay $0x3  }
0x33: {  	p0 =	seq.s32 s10, $0x1;
	s10 =	sld [smem:$0x3FB4];
	_ =	sdelay $0x3  }
0x34: {  	[smem:$0x3FB4] =	sst s10  }
0x35: {  	s10 =	sld [smem:$0x3FB3];
	_ =	sdelay $0x3  }
0x36: {  	p1 =	seq.s32 s10, $0x1;
	s10 =	sld [smem:$0x3FB4];
	_ =	sdelay $0x3  }
0x37: {  	[smem:$0x3FB4] =	sst s10  }
0x38: {  	s10 =	sld [smem:$0x3FB5]  }
0x39: {  	_ = 	snop;
	(pc) =	sbr.ind lr, $3  }
0x3a: {  	_ = 	snop  }
0x3b: {  	_ = 	snop  }
0x3c: {  	p2 =	seq.s32 s10, $0x1;
	s10 =	sld [smem:$0x3FB4]  }
0x3d: {  	_ =	shalt  }
0x3e: {  	_ =	shalt  }
0x3f: {  	_ =	shalt  }
0x40: {  	_ =	shalt  }
0x41: {  	_ =	shalt  }
0x42: {  	_ =	shalt  }
0x43: {  	_ =	shalt  }
0x44: {  	_ =	shalt  }
0x45: {  	_ =	shalt  }
0x46: {  	_ =	shalt  }
0x47: {  	_ =	shalt  }
0x48: {  	_ =	shalt  }
0x49: {  	_ =	shalt  }
0x4a: {  	_ =	shalt  }
0x4b: {  	_ =	shalt  }
0x4c: {  	_ =	shalt  }
0x4d: {  	_ =	shalt  }
0x4e: {  	_ =	shalt  }
0x4f: {  	_ =	shalt  }
0x50: {  	_ =	shalt  }
0x51: {  	_ =	shalt  }
0x52: {  	_ =	shalt  }
0x53: {  	_ =	shalt  }
0x54: {  	_ =	shalt  }
0x55: {  	_ =	shalt  }
0x56: {  	_ =	shalt  }
0x57: {  	_ =	shalt  }
0x58: {  	_ =	shalt  }
0x59: {  	_ =	shalt  }
0x5a: {  	_ =	shalt  }
0x5b: {  	_ =	shalt  }
0x5c: {  	_ =	shalt  }
0x5d: {  	_ =	shalt  }
0x5e: {  	_ =	shalt  }
0x5f: {  	_ =	shalt  }
0x60: {  	_ =	shalt  }
0x61: {  	_ =	shalt  }
0x62: {  	_ =	shalt  }
0x63: {  	_ =	shalt  }
0x64: {  	_ =	shalt  }
0x65: {  	_ =	shalt  }
0x66: {  	_ =	shalt  }
0x67: {  	_ =	shalt  }
0x68: {  	_ =	shalt  }
0x69: {  	_ =	shalt  }
0x6a: {  	_ =	shalt  }
0x6b: {  	_ =	shalt  }
0x6c: {  	_ =	shalt  }
0x6d: {  	_ =	shalt  }
0x6e: {  	_ =	shalt  }
0x6f: {  	_ =	shalt  }
0x70: {  	_ =	shalt  }
0x71: {  	_ =	shalt  }
0x72: {  	_ =	shalt  }
0x73: {  	_ =	shalt  }
0x74: {  	_ =	shalt  }
0x75: {  	_ =	shalt  }
0x76: {  	_ =	shalt  }
0x77: {  	_ =	shalt  }
0x78: {  	_ =	shalt  }
0x79: {  	_ =	shalt  }
0x7a: {  	_ =	shalt  }
0x7b: {  	_ =	shalt  }
0x7c: {  	_ =	shalt  }
0x7d: {  	_ =	shalt  }
0x7e: {  	_ =	shalt  }
0x7f: {  	_ =	shalt  }
0x80: {  	_ =	shalt  }
0x81: {  	_ =	shalt  }
0x82: {  	_ =	shalt  }
0x83: {  	_ =	shalt  }
0x84: {  	_ =	shalt  }
0x85: {  	_ =	shalt  }
0x86: {  	_ =	shalt  }
0x87: {  	_ =	shalt  }
.Lfunc_end0:
.L_simem_size_0:
called_computation_lowered:
.L_overlay_start_0:
0x88: {  	s2 =	sld [smem:$0x3FD9]  }
0x89: {  	s3 =	sld [smem:$0x3FFE];
	_ =	sdelay $0x1  }
0x8a: {  	s1 =	srdreg.scid  }
0x8b: {  	s0 =	sand.u32 $0x1, s1  }
0x8c: {  	s17 =	sshll.u32 s0, $0xA;
	s2 =	sadd.s32 s3, s2  }
0x8d: {  	s2 =	sadd.s32 s2, s17  }
0x8e: {  	[smem:$0x3FC0] =	sst s2  }
0x8f: {  	_ = 	snop  }
0x90: {  	s2 =	sld [smem:$0x3FD0];
	(tm) =	ssettm $0x1  }
0x91: {  	s18 =	sld [smem:$0x3FFB];
	_ =	sdelay $0x3  }
0x92: {  	_ =	strace s18  }
0x93: {  	s3 =	sld [smem:$0x3FFC];
	_ =	sdelay $0x3  }
0x94: {  	_ =	strace s3  }
0x95: {  	s3 =	sld [smem:$0x3FFD];
	_ =	sdelay $0x3  }
0x96: {  	_ =	strace s3  }
0x97: {  	_ =	strace $0x8FFFFFFF  }
0x98: {  	s19 =	sld [smem:$0x3FDB];
	_ =	sdelay $0x1  }
0x99: {  	s4 =	simm.s32 $_scs_section_size  }
0x9a: {  	s5 =	simm.s32 $_size__tile_overlayer_lowered;
	s6 =	simm.s32 $_tile_overlayer_lowered  }
0x9b: {  	s22 =	simm.s32 $0x1BFF;
	s21 =	sshll.u32 s6, $0x1;
	s3 =	sadd.s32 s4, s19  }
0x9c: {  	s7 =	simm.s32 $0x0;
	s20 =	sshll.u32 s5, $0x1;
	s5 =	sadd.s32 s21, s3  }
0x9d: {  	[timem:s7], [sflag:s22] =	dma.local [hbm:s5], s20  }
0x9e: {  	_ =	swait.ge [sflag:s22], s20  }
0x9f: {  	s4 =	ssub.s32 $0x0, s20;
	[sflag:s22] =	ssyncset.done $0x0  }
0xa0: {  	[sflag:s22] =	ssyncadd.s32 s4;
	_ =	sdelay $0x1  }
0xa1: {  	s23 =	simm.s32 $0x1B8B  }
0xa2: {  	_ =	swait.ge [sflag:s23], $0x1  }
0xa3: {  	[sflag:s23] =	ssyncset.done $0x0  }
0xa4: {  	s25 =	simm.s32 $0x1B8E;
	s24 =	sld [smem:$0x3FFE];
	[sflag:s23] =	ssyncadd.s32 $0xFFFFFFFF  }
0xa5: {  	s26 =	simm.s32 $execute0_lowered;
	[smem:$0x3FD2] =	sst s25  }
0xa6: {  	s5 =	sshll.u32 s26, $0x1;
	_ =	strace $0x80000046;
	[dreg:$0x1] =	wrdreg $0xFFFFFFFF  }
0xa7: {  	s28 =	simm.s32 $_size_execute0_lowered;
	s3 =	sadd.s32 s3, s5;
	[dreg:$0x0] =	wrdreg $0x0  }
0xa8: {  	s5 =	sshll.u32 s28, $0x1;
	[dreg:$0x2] =	wrdreg s3  }
0xa9: {  	[dreg:$0x3] =	wrdreg s5  }
0xaa: {  	[dreg:$0x4] =	wrdreg $0xC0  }
0xab: {  	_ =	task [dreg:s7], $0x5FFFF  }
0xac: {  	[dreg:$0x1] =	wrdreg $0xFFFFFFFF  }
0xad: {  	[dreg:$0x0] =	wrdreg $0x60  }
0xae: {  	[dreg:$0x2] =	wrdreg s24  }
0xaf: {  	[dreg:$0x3] =	wrdreg s2  }
0xb0: {  	[dreg:$0x4] =	wrdreg $0x9F800  }
0xb1: {  	[dreg:$0x5] =	wrdreg $0xA2000  }
0xb2: {  	[dreg:$0x6] =	wrdreg $0x9  }
0xb3: {  	_ =	task.clear_ibuf [dreg:s7], $0x7FFFF;
	_ =	strace $0x90000046  }
0xb4: {  	s29 =	simm.s32 $0x9;
	_ =	strace $0x80000048  }
0xb5: {  	_ =	swait.ge [sflag:s29], $0x1  }
0xb6: {  	[sflag:s29] =	ssyncadd.s32 $0xFFFFFFFF  }
0xb7: {  	_ =	strace $0x90000048  }
0xb8: {  	_ =	sfence  }
0xb9: {  	s30 =	sld [smem:$0x0];
	_ =	sdelay $0x2  }
0xba: {  	s31 =	sshll.u32 s1, $0xD;
	s1 =	sshrl.u32 s1, $0x2  }
0xbb: {  	s3 =	sand.u32 $0x4000, s31;
	s1 =	sadd.s32 s1, s30  }
0xbc: {  	s0 =	sor.u32 s3, s0;
	s1 =	sshll.u32 s1, $0x11  }
0xbd: {  	s0 =	sor.u32 s1, s0  }
0xbe: {  	s0 =	sadd.s32 $0x8F2B, s0  }
0xbf: {  	[sflag:s0] =	ssyncadd.remote.s32 $0x1  }
0xc0: {  	_ =	sfence.sel $0xFFFF  }
0xc1: {  	[dreg:$0x0] =	wrdreg $0xFFFFFFFF;
	(pc) =	sbr.abs _section_cstart, $3  }
0xc2: {  	[dreg:$0x1] =	wrdreg $0xFFFFFFFF  }
0xc3: {  	_ =	task.clear_ibuf [dreg:s7], $0x2FFFF;
	_ =	strace $0x9FFFFFFF  }
0xc4: {  	(tm) =	ssettm $0x7FFFFFFF  }
0xc5: {  	_ =	shalt  }
tec
execute0_lowered:
.L_overlay_start_1:
0x0: {  	(tag) =	ssettag $0x1  }
0x1: {  	s6 =	rddreg [dreg:$0x0]  }
0x2: {  	s1 =	rddreg [dreg:$0x1]  }
0x3: {  	s2 =	rddreg [dreg:$0x2]  }
0x4: {  	s3 =	rddreg [dreg:$0x3];
	s4 =	srdreg.scid  }
0x5: {  	s0 =	stileid.u32;
	s12 =	simm.s32 $0x2780;
	s13 =	simm.s32 $0x4F00  }
0x6: {  	s14 =	simm.s32 $0x7700;
	s18 =	simm.s32 $0x50;
	s19 =	simm.s32 $0x9F00  }
0x7: {  	s7 =	sand.u32 $0x1, s4;
	s29 =	sshrl.u32 s0, $0x2;
	s5 =	sshll.u32 s0, $0x8  }
0x8: {  	s4 =	rddreg [dreg:$0x4];
	s11 =	sshll.u32 s0, $0xA;
	s21 =	sshll.u32 s0, $0x7  }
0x9: {  	p0 =	sgt.u32 s0, $0x9;
	s8 =	smul.u32 $0x13C00, s29;
	s9 =	sshll.u32 s7, $0x7  }
0xa: {  	s10 =	sand.u32 $0x300, s5;
	s5 =	simm.s32 $0x0;
	s30 =	smul.u32 $0x500, s7  }
0xb: {  	s7 =	ssub.s32 $0x2, s7;
	s16 =	sadd.s32 s11, s2;
	s17 =	sadd.s32 s11, s3  }
0xc: {  	s11 =	simm.s32 $0x1;
	s15 =	sshll.u32 @!p0 s0, $0x6;
	s9 =	sor.u32 s9, s10  }
0xd: {  	[smem:$0x7FF] =	sst s5;
	s31 =	sshrl.u32 s7, $0x1;
	s15 =	sor.u32 @!p0 $0x1C01, s15  }
0xe: {  	s16 =	sshrl.u32 @!p0 s16, $0x3;
	s17 =	sshrl.u32 @!p0 s17, $0x3;
	s8 =	sor.u32 s8, s9  }
0xf: {  	_ =	strace $0x80000047;
	s9 =	sadd.s32 s30, s6;
	s10 =	ssub.s32 s7, s31  }
0x10: {  	s8 =	sshrl.u32 s8, $0x3;
	s20 =	sadd.s32 $0x16C00, s9;
	s22 =	sadd.s32 $0x17600, s9  }
0x11: {  	v0 =	vlaneseq.u32;
	s9 =	simm.s32 $0x80;
	s8 =	sadd.s32 s8, s6;
	s20 =	sadd.s32 @!p0 s21, s20  }
0x12: {  	v1 =	vor.u32 $0x10, v0;
	s21 =	sadd.s32 @!p0 s21, s22;
	s22 =	simm.s32 $0x0;
	s6 =	sadd.s32 $0x3000, s8  }
0x13: {  	v2 =	vor.u32 $0x20, v0;
	v3 =	vor.u32 $0x30, v0;
	v4 =	vor.u32 $0x40, v0;
	s7 =	sadd.s32 $0xCE00, s8;
	s8 =	smax.u32 s10, $0x1;
	s10 =	simm.s32 $0x400  }
.LBB2_1:
0x14: {  	[tilespmem:s5], [sflag:$0x1] =	stream.strided.gather [hbm4b:s6+s9], $0x2780, s10, s9, $0x38;
	[tilespmem:$0xA480] =	vst v63  }
0x15: {  	_ =	swait.ge [sflag:s11], $0x2780  }
0x16: {  	[sflag:s11] =	ssyncset.done $0x0  }
0x17: {  	[sflag:s11] =	ssyncadd.s32 $0xFFFFD880  }
0x18: {  	[tilespmem:s12], [sflag:$0x1] =	stream.strided.gather [hbm4b:s7+s9], $0x2780, s10, s9, $0x38;
	[tilespmem:$0xA480] =	vst v63  }
0x19: {  	_ =	swait.ge [sflag:s11], $0x2780  }
0x1a: {  	[sflag:s11] =	ssyncset.done $0x0  }
0x1b: {  	[sflag:s11] =	ssyncadd.s32 $0xFFFFD880  }
0x1c: {  	[tilespmem:s13], [sflag:$0x1] =	stream.linear.gather [hbm4b:s1+s5], $0x2800, $0x38;
	[tilespmem:$0xA480] =	vst v63  }
0x1d: {  	_ =	swait.ge [sflag:s11], $0x2800  }
0x1e: {  	[sflag:s11] =	ssyncset.done $0x0  }
0x1f: {  	[sflag:s11] =	ssyncadd.s32 $0xFFFFD800  }
0x20: {  	[tilespmem:s14], [sflag:$0x1] =	stream.linear.gather [hbm4b:s1+s5], $0x2800, $0x38;
	[tilespmem:$0xA480] =	vst v63  }
0x21: {  	_ =	swait.ge [sflag:s11], $0x2800  }
0x22: {  	[sflag:s11] =	ssyncset.done $0x0  }
0x23: {  	s23 =	simm.s32 @!p0 $0x1;
	[sflag:s11] =	ssyncadd.s32 $0xFFFFD800  }
0x24: {  	[spmem:s16], [sflag:s15] =	dma.local @!p0 [hbm:s1], $0x80  }
0x25: {  	_ =	swait.ge @!p0 [sflag:s23], $0x80  }
0x26: {  	[sflag:s23] =	ssyncset.done @!p0 $0x0  }
0x27: {  	[sflag:s23] =	ssyncadd.s32 @!p0 $0xFFFFFF80  }
0x28: {  	[spmem:s17], [sflag:s15] =	dma.local @!p0 [hbm:s1], $0x80  }
0x29: {  	_ =	swait.ge @!p0 [sflag:s23], $0x80  }
0x2a: {  	[sflag:s23] =	ssyncset.done @!p0 $0x0  }
0x2b: {  	[sflag:s23] =	ssyncadd.s32 @!p0 $0xFFFFFF80  }
0x2c: {  	[tilespmem:$0x9F00] =	vst v0  }
0x2d: {  	[tilespmem:$0x9F10] =	vst v1  }
0x2e: {  	[tilespmem:$0x9F20] =	vst v2  }
0x2f: {  	[tilespmem:$0x9F30] =	vst v3  }
0x30: {  	s24 =	simm.s32 $0x0;
	s23 =	simm.s32 $0x40;
	[tilespmem:$0x9F40] =	vst v4  }
.LBB2_2:
0x31: {  	p1 =	sne.s32 s23, $0x9C00;
	v5 =	vld [tilespmem:s24+$0x0];
	_ =	sdelay $0x4  }
0x32: {  	(xrf1) =	vunique.msk.u32 $0xffff, v5;
	_ =	sdelay $0xd  }
0x33: {  	_, v6, vm0 =	vpop (xrf1);
	_ =	sdelay $0x3  }
0x34: {  	v6 =	vcvt.s32.f32 v6;
	_ =	sdelay $0x1  }
0x35: {  	[tilespmem:v5+s13+$0x0] =	vst.idx.add.f32.msk vm0, v6  }
0x36: {  	v5 =	vld [tilespmem:s24+$0x2780];
	_ =	sdelay $0x4  }
0x37: {  	(xrf1) =	vunique.msk.u32 $0xffff, v5;
	_ =	sdelay $0xd  }
0x38: {  	_, v6, vm0 =	vpop (xrf1);
	_ =	sdelay $0x1  }
.Ltmp0:
0x39: {  	(pc) =	sbr.rel @p1 .LBB2_2-.Ltmp0, $3  }
0x3a: {  	_ = 	snop  }
0x3b: {  	v6 =	vcvt.s32.f32 v6;
	_ =	sdelay $0x1  }
0x3c: {  	s24 =	sshra.s32 s23, $0x2;
	s23 =	sadd.s32 $0x40, s23;
	[tilespmem:v5+s14+$0x0] =	vst.idx.add.f32.msk vm0, v6  }
0x3d: {  	v5 =	vld [tilespmem:s24+$0x0];
	_ =	sdelay $0x4  }
0x3e: {  	(xrf1) =	vunique.msk.u32 $0xffff, v5;
	_ =	sdelay $0xd  }
0x3f: {  	_, v6, vm0 =	vpop (xrf1);
	_ =	sdelay $0x3  }
0x40: {  	v6 =	vcvt.s32.f32 v6;
	_ =	sdelay $0x1  }
0x41: {  	[tilespmem:v5+s13+$0x0] =	vst.idx.add.f32.msk vm0, v6  }
0x42: {  	v5 =	vld [tilespmem:s24+$0x2780];
	_ =	sdelay $0x4  }
0x43: {  	(xrf1) =	vunique.msk.u32 $0xffff, v5;
	_ =	sdelay $0xd  }
0x44: {  	_, v6, vm0 =	vpop (xrf1);
	_ =	sdelay $0x3  }
0x45: {  	v6 =	vcvt.s32.f32 v6;
	_ =	sdelay $0x1  }
0x46: {  	[tilespmem:v5+s14+$0x0] =	vst.idx.add.f32.msk vm0, v6  }
0x47: {  	[bflag:$0x0] =	sbarrier.arrive $0xFFFF  }
0x48: {  	[spmem:s2] =	stream.indirect.scatter.add.f32 [tilespmem:s13], [sflag:$0x1], $0x80, s19, s18, $0xb8;
	[tilespmem:$0xA480] =	vst v63  }
0x49: {  	_ =	swait.ge [sflag:s11], $0x2800  }
0x4a: {  	[sflag:s11] =	ssyncset.done $0x0  }
0x4b: {  	[sflag:s11] =	ssyncadd.s32 $0xFFFFD800  }
0x4c: {  	[spmem:s3] =	stream.indirect.scatter.add.f32 [tilespmem:s14], [sflag:$0x1], $0x80, s19, s18, $0xb8;
	[tilespmem:$0xA480] =	vst v63  }
0x4d: {  	_ =	swait.ge [sflag:s11], $0x2800  }
0x4e: {  	[sflag:s11] =	ssyncset.done $0x0  }
0x4f: {  	[sflag:s11] =	ssyncadd.s32 $0xFFFFD800  }
0x50: {  	s23 =	simm.s32 @!p0 $0x1;
	[bflag:$0x0] =	sbarrier.arrive $0xFFFF  }
0x51: {  	[hbm:s20], [sflag:s15] =	dma.local @!p0 [spmem:s16], $0x80  }
0x52: {  	s22 =	sadd.s32 $0x1, s22;
	_ =	swait.ge @!p0 [sflag:s23], $0x80  }
0x53: {  	p1 =	sne.s32 s22, s8;
	[sflag:s23] =	ssyncset.done @!p0 $0x0  }
.Ltmp1:
0x54: {  	[sflag:s23] =	ssyncadd.s32 @!p0 $0xFFFFFF80;
	(pc) =	sbr.rel @p1 .LBB2_1-.Ltmp1, $4  }
0x55: {  	[hbm:s21], [sflag:s15] =	dma.local @!p0 [spmem:s17], $0x80  }
0x56: {  	_ =	swait.ge @!p0 [sflag:s23], $0x80  }
0x57: {  	[sflag:s23] =	ssyncset.done @!p0 $0x0  }
0x58: {  	[sflag:s23] =	ssyncadd.s32 @!p0 $0xFFFFFF80  }
0x59: {  	_ =	sfence.sel $0x180000  }
0x5a: {  	[bflag:$0x0] =	sbarrier.arrive $0xFFFF  }
0x5b: {  	p0 =	sne.s32 s0, $0x0;
	_ =	strace $0x90000047  }
0x5c: {  	s0 =	sadd.s32 @!p0 $0x100000, s4;
	[bflag:$0x2] =	sbarrier.arrive $0xFFFF  }
0x5d: {  	[sflag:s0] =	ssyncadd.tile.s32 @!p0 $0x1;
	_ =	shalt  }
.Lfunc_end2:
_tile_overlayer_lowered:
.L_overlay_start_2:
0x5e: {  	(tag) =	ssettag $0x2  }
0x5f: {  	s0 =	rddreg [dreg:$0x0];
	s2 =	stileid.u32  }
0x60: {  	s1 =	rddreg [dreg:$0x1];
	p0 =	sne.s32 s2, $0x0  }
0x61: {  	s3 =	rddreg [dreg:$0x2];
	[bflag:$0x3] =	sbarrier.arrive $0xFFFF;
	s2 =	simm.s32 @!p0 $0x1C01  }
0x62: {  	[timem:s3], [sflag:s2] =	dma.local @!p0 [hbm:s0], s1  }
0x63: {  	s0 =	simm.s32 @!p0 $0x1  }
0x64: {  	_ =	swait.ge @!p0 [sflag:s0], s1  }
0x65: {  	s1 =	ssub.s32 @!p0 $0x0, s1;
	[sflag:s0] =	ssyncset.done @!p0 $0x0  }
0x66: {  	[sflag:s0] =	ssyncadd.s32 @!p0 s1  }
0x67: {  	[bflag:$0x3] =	sbarrier.arrive $0xFFFF  }
0x68: {  	_ =	shalt  }

// kernel: kernel.13.cloned.1.call-start
scs
__scs_entry_jumppad:
0x0: {  	(pc) =	sbr.rel $0x88, $3  }
0x1: {  	(tag) =	ssettag $0x0;
	lr =	simm.s32 $0x1  }
0x2: {  	[smem:$0x3F99] =	sst lr;
	_ =	strace $0xD0000000  }
0x3: {  	_ = 	snop  }
0x4: {  	_ = 	snop  }
0x5: {  	_ = 	snop  }
0x6: {  	_ = 	snop  }
0x7: {  	_ = 	snop  }
__scs_overlays_trampoline_lowered:
0x8: {  	[smem:$0x3FA8] =	sst s0  }
0x9: {  	[smem:$0x3FA9] =	sst s1  }
0xa: {  	[smem:$0x3FAA] =	sst s2  }
0xb: {  	[smem:$0x3FAB] =	sst s3  }
0xc: {  	[smem:$0x3FAC] =	sst s4  }
0xd: {  	[smem:$0x3FAD] =	sst s5  }
0xe: {  	[smem:$0x3FAE] =	sst s6  }
0xf: {  	[smem:$0x3FAF] =	sst s7  }
0x10: {  	[smem:$0x3FB0] =	sst s8  }
0x11: {  	[smem:$0x3FB1] =	sst s9;
	s0 =	simm.s32 @!p0 $0x0  }
0x12: {  	s1 =	sld [smem:$0x3F97];
	s0 =	simm.s32 @p0 $0x1  }
0x13: {  	[smem:$0x3FB2] =	sst s0;
	s0 =	simm.s32 @!p1 $0x0  }
0x14: {  	s2 =	sld [smem:$0x3F96];
	s0 =	simm.s32 @p1 $0x1  }
0x15: {  	[smem:$0x3FB3] =	sst s0;
	s0 =	simm.s32 @!p2 $0x0  }
0x16: {  	s3 =	sld [smem:$0x3FDB];
	s0 =	simm.s32 @p2 $0x1  }
0x17: {  	s4 =	simm.s32 $0x1BF5;
	[smem:$0x3FB5] =	sst s0  }
0x18: {  	s0 =	sld [smem:$0x3F98];
	_ =	swait.ge [sflag:s4], $0x0  }
0x19: {  	s7 =	sld [smem:$0x3F99]  }
0x1a: {  	s8 =	sadd.s32 $0xFFFFE003, lr  }
0x1b: {  	s9 =	sadd.s32 $0xFFFFFEF7, lr;
	s5 =	simm.s32 $0xFFFFFFFF;
	p2 =	slt.u32 s8, $0xFFFFF086  }
0x1c: {  	p1 =	slt.u32 s9, $0xF7A;
	s5 =	simm.s32 @!p2 $0x0  }
0x1d: {  	s5 =	simm.s32 @p1 $0x1;
	p0 =	seq.s32 s7, s2  }
0x1e: {  	s7 =	smul.u32 @!p0 $0xF7A, s2;
	p2 =	seq.s32 @!p0 s5, $0x0  }
0x1f: {  	s9 =	smul.u32 $0xF7A, s1;
	s8 =	simm.s32 @!p0 $0x1BF5;
	p2 =	por !p2, p0  }
0x20: {  	[sflag:s8] =	ssyncset.s32 @!p0 $0xFFFFF086;
	s6 =	sadd.s32 @!p0 s3, s7;
	s7 =	simm.s32 @!p0 $0x108  }
0x21: {  	s3 =	sadd.s32 s3, s9;
	s6 =	sadd.s32 @!p0 $0x88, s6;
	s7 =	simm.s32 @p2 $0x1082  }
0x22: {  	[simem:s7], [sflag:s8] =	dma.local @!p0 [hbm:s6], $0xF7A  }
0x23: {  	s9 =	sor.u32 $0xD0000000, s2;
	s6 =	simm.s32 $0x108;
	_ =	swait.ge @!p0 [sflag:s8], $0x0  }
0x24: {  	s3 =	sadd.s32 $0x88, s3;
	s6 =	simm.s32 @!p1 $0x1082;
	[sflag:s4] =	ssyncset.s32 $0xFFFFF086  }
0x25: {  	[simem:s6], [sflag:s4] =	dma.local [hbm:s3], $0xF7A  }
0x26: {  	[smem:$0x3F99] =	sst s1;
	(tag) =	ssettag s2;
	_ =	strace s9  }
0x27: {  	s1 =	sld [smem:$0x3FA9]  }
0x28: {  	s2 =	sld [smem:$0x3FAA]  }
0x29: {  	s4 =	sld [smem:$0x3FAC]  }
0x2a: {  	p0 =	seq.s32 s5, $0x0;
	s5 =	sld [smem:$0x3FAD]  }
0x2b: {  	s6 =	sld [smem:$0x3FAE]  }
0x2c: {  	s7 =	sld [smem:$0x3FAF]  }
0x2d: {  	s3 =	simm.s32 $0x108;
	s8 =	sld [smem:$0x3FB0]  }
0x2e: {  	s3 =	simm.s32 @!p0 $0x1082;
	s9 =	sld [smem:$0x3FB1]  }
0x2f: {  	lr =	sadd.s32 s0, s3;
	s0 =	sld [smem:$0x3FA8]  }
0x30: {  	s3 =	sld [smem:$0x3FAB]  }
0x31: {  	[smem:$0x3FB4] =	sst s10  }
0x32: {  	s10 =	sld [smem:$0x3FB2];
	_ =	sdelay $0x3  }
0x33: {  	p0 =	seq.s32 s10, $0x1;
	s10 =	sld [smem:$0x3FB4];
	_ =	sdelay $0x3  }
0x34: {  	[smem:$0x3FB4] =	sst s10  }
0x35: {  	s10 =	sld [smem:$0x3FB3];
	_ =	sdelay $0x3  }
0x36: {  	p1 =	seq.s32 s10, $0x1;
	s10 =	sld [smem:$0x3FB4];
	_ =	sdelay $0x3  }
0x37: {  	[smem:$0x3FB4] =	sst s10  }
0x38: {  	s10 =	sld [smem:$0x3FB5]  }
0x39: {  	_ = 	snop;
	(pc) =	sbr.ind lr, $3  }
0x3a: {  	_ = 	snop  }
0x3b: {  	_ = 	snop  }
0x3c: {  	p2 =	seq.s32 s10, $0x1;
	s10 =	sld [smem:$0x3FB4]  }
0x3d: {  	_ =	shalt  }
0x3e: {  	_ =	shalt  }
0x3f: {  	_ =	shalt  }
0x40: {  	_ =	shalt  }
0x41: {  	_ =	shalt  }
0x42: {  	_ =	shalt  }
0x43: {  	_ =	shalt  }
0x44: {  	_ =	shalt  }
0x45: {  	_ =	shalt  }
0x46: {  	_ =	shalt  }
0x47: {  	_ =	shalt  }
0x48: {  	_ =	shalt  }
0x49: {  	_ =	shalt  }
0x4a: {  	_ =	shalt  }
0x4b: {  	_ =	shalt  }
0x4c: {  	_ =	shalt  }
0x4d: {  	_ =	shalt  }
0x4e: {  	_ =	shalt  }
0x4f: {  	_ =	shalt  }
0x50: {  	_ =	shalt  }
0x51: {  	_ =	shalt  }
0x52: {  	_ =	shalt  }
0x53: {  	_ =	shalt  }
0x54: {  	_ =	shalt  }
0x55: {  	_ =	shalt  }
0x56: {  	_ =	shalt  }
0x57: {  	_ =	shalt  }
0x58: {  	_ =	shalt  }
0x59: {  	_ =	shalt  }
0x5a: {  	_ =	shalt  }
0x5b: {  	_ =	shalt  }
0x5c: {  	_ =	shalt  }
0x5d: {  	_ =	shalt  }
0x5e: {  	_ =	shalt  }
0x5f: {  	_ =	shalt  }
0x60: {  	_ =	shalt  }
0x61: {  	_ =	shalt  }
0x62: {  	_ =	shalt  }
0x63: {  	_ =	shalt  }
0x64: {  	_ =	shalt  }
0x65: {  	_ =	shalt  }
0x66: {  	_ =	shalt  }
0x67: {  	_ =	shalt  }
0x68: {  	_ =	shalt  }
0x69: {  	_ =	shalt  }
0x6a: {  	_ =	shalt  }
0x6b: {  	_ =	shalt  }
0x6c: {  	_ =	shalt  }
0x6d: {  	_ =	shalt  }
0x6e: {  	_ =	shalt  }
0x6f: {  	_ =	shalt  }
0x70: {  	_ =	shalt  }
0x71: {  	_ =	shalt  }
0x72: {  	_ =	shalt  }
0x73: {  	_ =	shalt  }
0x74: {  	_ =	shalt  }
0x75: {  	_ =	shalt  }
0x76: {  	_ =	shalt  }
0x77: {  	_ =	shalt  }
0x78: {  	_ =	shalt  }
0x79: {  	_ =	shalt  }
0x7a: {  	_ =	shalt  }
0x7b: {  	_ =	shalt  }
0x7c: {  	_ =	shalt  }
0x7d: {  	_ =	shalt  }
0x7e: {  	_ =	shalt  }
0x7f: {  	_ =	shalt  }
0x80: {  	_ =	shalt  }
0x81: {  	_ =	shalt  }
0x82: {  	_ =	shalt  }
0x83: {  	_ =	shalt  }
0x84: {  	_ =	shalt  }
0x85: {  	_ =	shalt  }
0x86: {  	_ =	shalt  }
0x87: {  	_ =	shalt  }
.Lfunc_end0:
.L_simem_size_0:
called_computation.1_lowered:
.L_overlay_start_0:
0x88: {  	s2 =	sld [smem:$0x3FD9]  }
0x89: {  	s3 =	sld [smem:$0x3FFE];
	_ =	sdelay $0x1  }
0x8a: {  	s1 =	srdreg.scid  }
0x8b: {  	s0 =	sand.u32 $0x1, s1  }
0x8c: {  	s17 =	sshll.u32 s0, $0xA;
	s2 =	sadd.s32 s3, s2  }
0x8d: {  	s2 =	sadd.s32 s2, s17  }
0x8e: {  	[smem:$0x3FC0] =	sst s2  }
0x8f: {  	_ = 	snop  }
0x90: {  	s2 =	sld [smem:$0x3FD0];
	(tm) =	ssettm $0x1  }
0x91: {  	s18 =	sld [smem:$0x3FFB];
	_ =	sdelay $0x3  }
0x92: {  	_ =	strace s18  }
0x93: {  	s3 =	sld [smem:$0x3FFC];
	_ =	sdelay $0x3  }
0x94: {  	_ =	strace s3  }
0x95: {  	s3 =	sld [smem:$0x3FFD];
	_ =	sdelay $0x3  }
0x96: {  	_ =	strace s3  }
0x97: {  	_ =	strace $0x8FFFFFFF  }
0x98: {  	s19 =	sld [smem:$0x3FDB];
	_ =	sdelay $0x1  }
0x99: {  	s4 =	simm.s32 $_scs_section_size  }
0x9a: {  	s5 =	simm.s32 $_size__tile_overlayer_lowered;
	s6 =	simm.s32 $_tile_overlayer_lowered  }
0x9b: {  	s22 =	simm.s32 $0x1BFF;
	s21 =	sshll.u32 s6, $0x1;
	s3 =	sadd.s32 s4, s19  }
0x9c: {  	s7 =	simm.s32 $0x0;
	s20 =	sshll.u32 s5, $0x1;
	s5 =	sadd.s32 s21, s3  }
0x9d: {  	[timem:s7], [sflag:s22] =	dma.local [hbm:s5], s20  }
0x9e: {  	_ =	swait.ge [sflag:s22], s20  }
0x9f: {  	s4 =	ssub.s32 $0x0, s20;
	[sflag:s22] =	ssyncset.done $0x0  }
0xa0: {  	[sflag:s22] =	ssyncadd.s32 s4;
	_ =	sdelay $0x1  }
0xa1: {  	s23 =	simm.s32 $0x1B8B  }
0xa2: {  	_ =	swait.ge [sflag:s23], $0x1  }
0xa3: {  	[sflag:s23] =	ssyncset.done $0x0  }
0xa4: {  	s25 =	simm.s32 $0x1B8E;
	s24 =	sld [smem:$0x3FFE];
	[sflag:s23] =	ssyncadd.s32 $0xFFFFFFFF  }
0xa5: {  	s26 =	simm.s32 $execute0_lowered;
	[smem:$0x3FD2] =	sst s25  }
0xa6: {  	s5 =	sshll.u32 s26, $0x1;
	_ =	strace $0x80000049;
	[dreg:$0x1] =	wrdreg $0xFFFFFFFF  }
0xa7: {  	s28 =	simm.s32 $_size_execute0_lowered;
	s3 =	sadd.s32 s3, s5;
	[dreg:$0x0] =	wrdreg $0x0  }
0xa8: {  	s5 =	sshll.u32 s28, $0x1;
	[dreg:$0x2] =	wrdreg s3  }
0xa9: {  	[dreg:$0x3] =	wrdreg s5  }
0xaa: {  	[dreg:$0x4] =	wrdreg $0xC0  }
0xab: {  	_ =	task [dreg:s7], $0x5FFFF  }
0xac: {  	[dreg:$0x1] =	wrdreg $0xFFFFFFFF  }
0xad: {  	[dreg:$0x0] =	wrdreg $0x60  }
0xae: {  	[dreg:$0x2] =	wrdreg s24  }
0xaf: {  	[dreg:$0x3] =	wrdreg s2  }
0xb0: {  	[dreg:$0x4] =	wrdreg $0xA8000  }
0xb1: {  	[dreg:$0x5] =	wrdreg $0x9  }
0xb2: {  	_ =	task.clear_ibuf [dreg:s7], $0x6FFFF;
	_ =	strace $0x90000049  }
0xb3: {  	s29 =	simm.s32 $0x9;
	_ =	strace $0x8000004B  }
0xb4: {  	_ =	swait.ge [sflag:s29], $0x1  }
0xb5: {  	[sflag:s29] =	ssyncadd.s32 $0xFFFFFFFF  }
0xb6: {  	_ =	strace $0x9000004B  }
0xb7: {  	_ =	sfence  }
0xb8: {  	s30 =	sld [smem:$0x0];
	_ =	sdelay $0x2  }
0xb9: {  	s31 =	sshll.u32 s1, $0xD;
	s1 =	sshrl.u32 s1, $0x2  }
0xba: {  	s3 =	sand.u32 $0x4000, s31;
	s1 =	sadd.s32 s1, s30  }
0xbb: {  	s0 =	sor.u32 s3, s0;
	s1 =	sshll.u32 s1, $0x11  }
0xbc: {  	s0 =	sor.u32 s1, s0  }
0xbd: {  	s0 =	sadd.s32 $0x8F2B, s0  }
0xbe: {  	[sflag:s0] =	ssyncadd.remote.s32 $0x1  }
0xbf: {  	_ =	sfence.sel $0xFFFF  }
0xc0: {  	[dreg:$0x0] =	wrdreg $0xFFFFFFFF;
	(pc) =	sbr.abs _section_cstart, $3  }
0xc1: {  	[dreg:$0x1] =	wrdreg $0xFFFFFFFF  }
0xc2: {  	_ =	task.clear_ibuf [dreg:s7], $0x2FFFF;
	_ =	strace $0x9FFFFFFF  }
0xc3: {  	(tm) =	ssettm $0x7FFFFFFF  }
tec
execute0_lowered:
.L_overlay_start_1:
0x0: {  	(tag) =	ssettag $0x1  }
0x1: {  	s6 =	rddreg [dreg:$0x0]  }
0x2: {  	s1 =	srdreg.scid;
	s2 =	rddreg [dreg:$0x1]  }
0x3: {  	s0 =	stileid.u32;
	s3 =	rddreg [dreg:$0x2];
	s4 =	simm.s32 $0x0  }
0x4: {  	s12 =	simm.s32 $0x1400;
	s13 =	simm.s32 $0x7D;
	s14 =	simm.s32 $0x2800  }
0x5: {  	s15 =	simm.s32 $0x6800;
	s16 =	simm.s32 $0x1;
	s17 =	simm.s32 $0x2  }
0x6: {  	s18 =	simm.s32 $0x1380;
	s19 =	simm.s32 $0x2700;
	s20 =	simm.s32 $0x2780  }
0x7: {  	s7 =	sand.u32 $0x1, s1;
	s1 =	rddreg [dreg:$0x3];
	s10 =	smul.u32 $0x50000, s0  }
0x8: {  	s29 =	sshll.u32 s0, $0x1;
	[smem:$0x7FF] =	sst s4;
	s24 =	smul.u32 $0x2800, s0  }
0x9: {  	s31 =	sshll.u32 s0, $0x6;
	s5 =	sor.u32 s7, s29;
	s9 =	smul.u32 $0x28000, s7  }
0xa: {  	_ =	strace $0x8000004A;
	s7 =	ssub.s32 $0x2, s7;
	s8 =	smul.u32 $0x500, s5  }
0xb: {  	s5 =	sadd.s32 $0x2C000, s6;
	s30 =	sshrl.u32 s7, $0x1;
	s10 =	sshrl.u32 s10, $0x2  }
0xc: {  	s9 =	sadd.s32 s9, s6;
	s11 =	ssub.s32 s7, s30;
	s10 =	sadd.s32 s10, s3  }
0xd: {  	s8 =	sadd.s32 s8, s6;
	s6 =	sor.u32 $0x1C03, s31;
	s23 =	sadd.s32 $0x53200, s9  }
0xe: {  	s9 =	smax.u32 s11, $0x1;
	s10 =	sshrl.u32 s10, $0x3;
	s11 =	simm.s32 $0x3  }
0xf: {  	s7 =	sadd.s32 $0x18000, s8;
	s8 =	sadd.s32 $0x22000, s8;
	s23 =	sadd.s32 s24, s23  }
0x10: {  	s24 =	simm.s32 $0x0;
	s21 =	sadd.s32 $0x280, s7;
	s22 =	sadd.s32 $0x280, s8  }
.LBB2_1:
0x11: {  	[spmem:s10], [sflag:s6] =	dma.local [hbm:s2], $0x2800  }
0x12: {  	_ =	swait.ge [sflag:s11], $0x2800  }
0x13: {  	[sflag:s11] =	ssyncset.done $0x0  }
0x14: {  	[sflag:s11] =	ssyncadd.s32 $0xFFFFD800  }
0x15: {  	[bflag:$0x0] =	sbarrier.arrive $0xFFFF  }
0x16: {  	[tilespmem:s4], [sflag:$0x3] =	stream.linear.gather [hbm4b:s7+s4], $0x1400, $0x38;
	[tilespmem:$0x1E800] =	vst v63  }
0x17: {  	_ =	swait.ge [sflag:s11], $0x1400  }
0x18: {  	[sflag:s11] =	ssyncset.done $0x0  }
0x19: {  	[sflag:s11] =	ssyncadd.s32 $0xFFFFEC00  }
0x1a: {  	[tilespmem:s12], [sflag:$0x3] =	stream.linear.gather [hbm4b:s8+s4], $0x1400, $0x38;
	[tilespmem:$0x1E800] =	vst v63  }
0x1b: {  	_ =	swait.ge [sflag:s11], $0x1400  }
0x1c: {  	[sflag:s11] =	ssyncset.done $0x0  }
0x1d: {  	[sflag:s11] =	ssyncadd.s32 $0xFFFFEC00  }
0x1e: {  	[tilespmem:s14], [sflag:$0x1] =	stream.indirect.gather [hbm4b:s5+s13], $0x80, s4, s13, $0xb8;
	[tilespmem:$0x1E800] =	vst v63  }
0x1f: {  	s25 =	simm.s32 $0x80  }
0x20: {  	[tilespmem:s15], [sflag:$0x2] =	stream.indirect.gather [hbm4b:s5+s13], $0x80, s25, s13, $0xb8;
	[tilespmem:$0x1E800] =	vst v63  }
0x21: {  	_ =	swait.ge [sflag:s16], $0x3E80  }
0x22: {  	[sflag:s16] =	ssyncset.done $0x0  }
0x23: {  	s29 =	simm.s32 $0x1400;
	[sflag:s16] =	ssyncadd.s32 $0xFFFFC180  }
0x24: {  	[spmem:s3] =	stream.indirect.scatter.add.f32 [tilespmem:s14], [sflag:$0x3], $0x80, s29, s13, $0xb8;
	[tilespmem:$0x1E800] =	vst v63  }
0x25: {  	_ =	swait.ge [sflag:s11], $0x3E80  }
0x26: {  	[sflag:s11] =	ssyncset.done $0x0  }
0x27: {  	s30 =	simm.s32 $0x100;
	[sflag:s11] =	ssyncadd.s32 $0xFFFFC180  }
0x28: {  	[tilespmem:s14], [sflag:$0x1] =	stream.indirect.gather [hbm4b:s5+s13], $0x80, s30, s13, $0xb8;
	[tilespmem:$0x1E800] =	vst v63  }
0x29: {  	_ =	swait.ge [sflag:s17], $0x3E80  }
0x2a: {  	[sflag:s17] =	ssyncset.done $0x0  }
0x2b: {  	s31 =	simm.s32 $0x1480;
	[sflag:s17] =	ssyncadd.s32 $0xFFFFC180  }
0x2c: {  	[spmem:s3] =	stream.indirect.scatter.add.f32 [tilespmem:s15], [sflag:$0x3], $0x80, s31, s13, $0xb8;
	[tilespmem:$0x1E800] =	vst v63  }
0x2d: {  	_ =	swait.ge [sflag:s11], $0x3E80  }
0x2e: {  	s26 =	simm.s32 $0x800;
	s25 =	simm.s32 $0x100;
	[sflag:s11] =	ssyncset.done $0x0  }
.LBB2_2:
0x2f: {  	s28 =	sadd.s32 $0x80, s25  }
0x30: {  	[sflag:s11] =	ssyncadd.s32 $0xFFFFC180;
	s29 =	smov.u32 s26;
	s30 =	sadd.s32 $0x400, s26  }
0x31: {  	[tilespmem:s15], [sflag:$0x2] =	stream.indirect.gather [hbm4b:s5+s13], $0x80, s28, s13, $0xb8;
	[tilespmem:$0x1E800] =	vst v63  }
0x32: {  	p0 =	sne.s32 s26, $0x4800;
	_ =	swait.ge [sflag:s16], $0x3E80  }
0x33: {  	[sflag:s16] =	ssyncset.done $0x0  }
0x34: {  	s26 =	sadd.s32 $0x1400, s25;
	[sflag:s16] =	ssyncadd.s32 $0xFFFFC180  }
0x35: {  	[spmem:s3] =	stream.indirect.scatter.add.f32 [tilespmem:s14], [sflag:$0x3], $0x80, s26, s13, $0xb8;
	[tilespmem:$0x1E800] =	vst v63  }
0x36: {  	_ =	swait.ge [sflag:s11], $0x3E80  }
0x37: {  	[sflag:s11] =	ssyncset.done $0x0  }
0x38: {  	s26 =	sadd.s32 $0x100, s25;
	[sflag:s11] =	ssyncadd.s32 $0xFFFFC180  }
0x39: {  	[tilespmem:s14], [sflag:$0x1] =	stream.indirect.gather [hbm4b:s5+s13], $0x80, s26, s13, $0xb8;
	[tilespmem:$0x1E800] =	vst v63  }
0x3a: {  	_ =	swait.ge [sflag:s17], $0x3E80  }
.Ltmp0:
0x3b: {  	[sflag:s17] =	ssyncset.done $0x0;
	(pc) =	sbr.rel @p0 .LBB2_2-.Ltmp0, $4  }
0x3c: {  	s25 =	sadd.s32 $0x1480, s25;
	[sflag:s17] =	ssyncadd.s32 $0xFFFFC180  }
0x3d: {  	[spmem:s3] =	stream.indirect.scatter.add.f32 [tilespmem:s15], [sflag:$0x3], $0x80, s25, s13, $0xb8;
	[tilespmem:$0x1E800] =	vst v63  }
0x3e: {  	_ =	swait.ge [sflag:s11], $0x3E80  }
0x3f: {  	s26 =	smov.u32 s30;
	s25 =	sshra.s32 s29, $0x2;
	[sflag:s11] =	ssyncset.done $0x0  }
0x40: {  	s26 =	sadd.s32 $0x80, s25;
	[sflag:s11] =	ssyncadd.s32 $0xFFFFC180  }
0x41: {  	[tilespmem:s15], [sflag:$0x2] =	stream.indirect.gather [hbm4b:s5+s13], $0x80, s26, s13, $0xb8;
	[tilespmem:$0x1E800] =	vst v63  }
0x42: {  	_ =	swait.ge [sflag:s16], $0x3E80  }
0x43: {  	[sflag:s16] =	ssyncset.done $0x0  }
0x44: {  	s29 =	sadd.s32 $0x1400, s25;
	[sflag:s16] =	ssyncadd.s32 $0xFFFFC180  }
0x45: {  	[spmem:s3] =	stream.indirect.scatter.add.f32 [tilespmem:s14], [sflag:$0x3], $0x80, s29, s13, $0xb8;
	[tilespmem:$0x1E800] =	vst v63  }
0x46: {  	_ =	swait.ge [sflag:s11], $0x3E80  }
0x47: {  	[sflag:s11] =	ssyncset.done $0x0  }
0x48: {  	s30 =	sadd.s32 $0x100, s25;
	[sflag:s11] =	ssyncadd.s32 $0xFFFFC180  }
0x49: {  	[tilespmem:s14], [sflag:$0x1] =	stream.indirect.gather [hbm4b:s5+s13], $0x80, s30, s13, $0xb8;
	[tilespmem:$0x1E800] =	vst v63  }
0x4a: {  	_ =	swait.ge [sflag:s17], $0x3E80  }
0x4b: {  	[sflag:s17] =	ssyncset.done $0x0  }
0x4c: {  	s31 =	sadd.s32 $0x1480, s25;
	[sflag:s17] =	ssyncadd.s32 $0xFFFFC180  }
0x4d: {  	[spmem:s3] =	stream.indirect.scatter.add.f32 [tilespmem:s15], [sflag:$0x3], $0x80, s31, s13, $0xb8;
	[tilespmem:$0x1E800] =	vst v63  }
0x4e: {  	_ =	swait.ge [sflag:s11], $0x3E80  }
0x4f: {  	[sflag:s11] =	ssyncset.done $0x0  }
0x50: {  	[sflag:s11] =	ssyncadd.s32 $0xFFFFC180  }
0x51: {  	[tilespmem:s15], [sflag:$0x2] =	stream.indirect.gather [hbm4b:s5+s13], $0x80, s18, s13, $0xb8;
	[tilespmem:$0x1E800] =	vst v63  }
0x52: {  	_ =	swait.ge [sflag:s16], $0x3E80  }
0x53: {  	[sflag:s16] =	ssyncset.done $0x0  }
0x54: {  	[sflag:s16] =	ssyncadd.s32 $0xFFFFC180  }
0x55: {  	[spmem:s3] =	stream.indirect.scatter.add.f32 [tilespmem:s14], [sflag:$0x3], $0x80, s19, s13, $0xb8;
	[tilespmem:$0x1E800] =	vst v63  }
0x56: {  	_ =	swait.ge [sflag:s11], $0x3E80  }
0x57: {  	[sflag:s11] =	ssyncset.done $0x0  }
0x58: {  	[sflag:s11] =	ssyncadd.s32 $0xFFFFC180  }
0x59: {  	_ =	swait.ge [sflag:s17], $0x3E80  }
0x5a: {  	[sflag:s17] =	ssyncset.done $0x0  }
0x5b: {  	[sflag:s17] =	ssyncadd.s32 $0xFFFFC180  }
0x5c: {  	[spmem:s3] =	stream.indirect.scatter.add.f32 [tilespmem:s15], [sflag:$0x3], $0x80, s20, s13, $0xb8;
	[tilespmem:$0x1E800] =	vst v63  }
0x5d: {  	_ =	swait.ge [sflag:s11], $0x3E80  }
0x5e: {  	[sflag:s11] =	ssyncset.done $0x0  }
0x5f: {  	s26 =	simm.s32 $0x0;
	[sflag:s11] =	ssyncadd.s32 $0xFFFFC180  }
0x60: {  	[tilespmem:s26], [sflag:$0x3] =	stream.linear.gather [hbm4b:s21+s26], $0x1400, $0x38;
	[tilespmem:$0x1E800] =	vst v63  }
0x61: {  	_ =	swait.ge [sflag:s11], $0x1400  }
0x62: {  	[sflag:s11] =	ssyncset.done $0x0  }
0x63: {  	[sflag:s11] =	ssyncadd.s32 $0xFFFFEC00  }
0x64: {  	[tilespmem:s12], [sflag:$0x3] =	stream.linear.gather [hbm4b:s22+s26], $0x1400, $0x38;
	[tilespmem:$0x1E800] =	vst v63  }
0x65: {  	_ =	swait.ge [sflag:s11], $0x1400  }
0x66: {  	[sflag:s11] =	ssyncset.done $0x0  }
0x67: {  	[sflag:s11] =	ssyncadd.s32 $0xFFFFEC00  }
0x68: {  	[tilespmem:s14], [sflag:$0x1] =	stream.indirect.gather [hbm4b:s5+s13], $0x80, s26, s13, $0xb8;
	[tilespmem:$0x1E800] =	vst v63  }
0x69: {  	s28 =	simm.s32 $0x80  }
0x6a: {  	[tilespmem:s15], [sflag:$0x2] =	stream.indirect.gather [hbm4b:s5+s13], $0x80, s28, s13, $0xb8;
	[tilespmem:$0x1E800] =	vst v63  }
0x6b: {  	_ =	swait.ge [sflag:s16], $0x3E80  }
0x6c: {  	[sflag:s16] =	ssyncset.done $0x0  }
0x6d: {  	s29 =	simm.s32 $0x1400;
	[sflag:s16] =	ssyncadd.s32 $0xFFFFC180  }
0x6e: {  	[spmem:s3] =	stream.indirect.scatter.add.f32 [tilespmem:s14], [sflag:$0x3], $0x80, s29, s13, $0xb8;
	[tilespmem:$0x1E800] =	vst v63  }
0x6f: {  	_ =	swait.ge [sflag:s11], $0x3E80  }
0x70: {  	[sflag:s11] =	ssyncset.done $0x0  }
0x71: {  	s30 =	simm.s32 $0x100;
	[sflag:s11] =	ssyncadd.s32 $0xFFFFC180  }
0x72: {  	[tilespmem:s14], [sflag:$0x1] =	stream.indirect.gather [hbm4b:s5+s13], $0x80, s30, s13, $0xb8;
	[tilespmem:$0x1E800] =	vst v63  }
0x73: {  	_ =	swait.ge [sflag:s17], $0x3E80  }
0x74: {  	[sflag:s17] =	ssyncset.done $0x0  }
0x75: {  	s31 =	simm.s32 $0x1480;
	[sflag:s17] =	ssyncadd.s32 $0xFFFFC180  }
0x76: {  	[spmem:s3] =	stream.indirect.scatter.add.f32 [tilespmem:s15], [sflag:$0x3], $0x80, s31, s13, $0xb8;
	[tilespmem:$0x1E800] =	vst v63  }
0x77: {  	_ =	swait.ge [sflag:s11], $0x3E80  }
0x78: {  	s25 =	simm.s32 $0x100;
	s26 =	simm.s32 $0x800;
	[sflag:s11] =	ssyncset.done $0x0  }
.LBB2_4:
0x79: {  	s28 =	sadd.s32 $0x80, s25  }
0x7a: {  	[sflag:s11] =	ssyncadd.s32 $0xFFFFC180;
	s29 =	smov.u32 s26;
	s30 =	sadd.s32 $0x400, s26  }
0x7b: {  	[tilespmem:s15], [sflag:$0x2] =	stream.indirect.gather [hbm4b:s5+s13], $0x80, s28, s13, $0xb8;
	[tilespmem:$0x1E800] =	vst v63  }
0x7c: {  	p0 =	sne.s32 s26, $0x4800;
	_ =	swait.ge [sflag:s16], $0x3E80  }
0x7d: {  	[sflag:s16] =	ssyncset.done $0x0  }
0x7e: {  	s26 =	sadd.s32 $0x1400, s25;
	[sflag:s16] =	ssyncadd.s32 $0xFFFFC180  }
0x7f: {  	[spmem:s3] =	stream.indirect.scatter.add.f32 [tilespmem:s14], [sflag:$0x3], $0x80, s26, s13, $0xb8;
	[tilespmem:$0x1E800] =	vst v63  }
0x80: {  	_ =	swait.ge [sflag:s11], $0x3E80  }
0x81: {  	[sflag:s11] =	ssyncset.done $0x0  }
0x82: {  	s26 =	sadd.s32 $0x100, s25;
	[sflag:s11] =	ssyncadd.s32 $0xFFFFC180  }
0x83: {  	[tilespmem:s14], [sflag:$0x1] =	stream.indirect.gather [hbm4b:s5+s13], $0x80, s26, s13, $0xb8;
	[tilespmem:$0x1E800] =	vst v63  }
0x84: {  	_ =	swait.ge [sflag:s17], $0x3E80  }
.Ltmp1:
0x85: {  	[sflag:s17] =	ssyncset.done $0x0;
	(pc) =	sbr.rel @p0 .LBB2_4-.Ltmp1, $4  }
0x86: {  	s25 =	sadd.s32 $0x1480, s25;
	[sflag:s17] =	ssyncadd.s32 $0xFFFFC180  }
0x87: {  	[spmem:s3] =	stream.indirect.scatter.add.f32 [tilespmem:s15], [sflag:$0x3], $0x80, s25, s13, $0xb8;
	[tilespmem:$0x1E800] =	vst v63  }
0x88: {  	_ =	swait.ge [sflag:s11], $0x3E80  }
0x89: {  	s26 =	smov.u32 s30;
	s25 =	sshra.s32 s29, $0x2;
	[sflag:s11] =	ssyncset.done $0x0  }
0x8a: {  	s26 =	sadd.s32 $0x80, s25;
	[sflag:s11] =	ssyncadd.s32 $0xFFFFC180  }
0x8b: {  	[tilespmem:s15], [sflag:$0x2] =	stream.indirect.gather [hbm4b:s5+s13], $0x80, s26, s13, $0xb8;
	[tilespmem:$0x1E800] =	vst v63  }
0x8c: {  	_ =	swait.ge [sflag:s16], $0x3E80  }
0x8d: {  	[sflag:s16] =	ssyncset.done $0x0  }
0x8e: {  	s29 =	sadd.s32 $0x1400, s25;
	[sflag:s16] =	ssyncadd.s32 $0xFFFFC180  }
0x8f: {  	[spmem:s3] =	stream.indirect.scatter.add.f32 [tilespmem:s14], [sflag:$0x3], $0x80, s29, s13, $0xb8;
	[tilespmem:$0x1E800] =	vst v63  }
0x90: {  	_ =	swait.ge [sflag:s11], $0x3E80  }
0x91: {  	[sflag:s11] =	ssyncset.done $0x0  }
0x92: {  	s30 =	sadd.s32 $0x100, s25;
	[sflag:s11] =	ssyncadd.s32 $0xFFFFC180  }
0x93: {  	[tilespmem:s14], [sflag:$0x1] =	stream.indirect.gather [hbm4b:s5+s13], $0x80, s30, s13, $0xb8;
	[tilespmem:$0x1E800] =	vst v63  }
0x94: {  	_ =	swait.ge [sflag:s17], $0x3E80  }
0x95: {  	[sflag:s17] =	ssyncset.done $0x0  }
0x96: {  	s31 =	sadd.s32 $0x1480, s25;
	[sflag:s17] =	ssyncadd.s32 $0xFFFFC180  }
0x97: {  	[spmem:s3] =	stream.indirect.scatter.add.f32 [tilespmem:s15], [sflag:$0x3], $0x80, s31, s13, $0xb8;
	[tilespmem:$0x1E800] =	vst v63  }
0x98: {  	_ =	swait.ge [sflag:s11], $0x3E80  }
0x99: {  	[sflag:s11] =	ssyncset.done $0x0  }
0x9a: {  	[sflag:s11] =	ssyncadd.s32 $0xFFFFC180  }
0x9b: {  	[tilespmem:s15], [sflag:$0x2] =	stream.indirect.gather [hbm4b:s5+s13], $0x80, s18, s13, $0xb8;
	[tilespmem:$0x1E800] =	vst v63  }
0x9c: {  	_ =	swait.ge [sflag:s16], $0x3E80  }
0x9d: {  	[sflag:s16] =	ssyncset.done $0x0  }
0x9e: {  	[sflag:s16] =	ssyncadd.s32 $0xFFFFC180  }
0x9f: {  	[spmem:s3] =	stream.indirect.scatter.add.f32 [tilespmem:s14], [sflag:$0x3], $0x80, s19, s13, $0xb8;
	[tilespmem:$0x1E800] =	vst v63  }
0xa0: {  	_ =	swait.ge [sflag:s11], $0x3E80  }
0xa1: {  	[sflag:s11] =	ssyncset.done $0x0  }
0xa2: {  	[sflag:s11] =	ssyncadd.s32 $0xFFFFC180  }
0xa3: {  	_ =	swait.ge [sflag:s17], $0x3E80  }
0xa4: {  	[sflag:s17] =	ssyncset.done $0x0  }
0xa5: {  	[sflag:s17] =	ssyncadd.s32 $0xFFFFC180  }
0xa6: {  	[spmem:s3] =	stream.indirect.scatter.add.f32 [tilespmem:s15], [sflag:$0x3], $0x80, s20, s13, $0xb8;
	[tilespmem:$0x1E800] =	vst v63  }
0xa7: {  	_ =	swait.ge [sflag:s11], $0x3E80  }
0xa8: {  	s24 =	sadd.s32 $0x1, s24;
	[sflag:s11] =	ssyncset.done $0x0  }
0xa9: {  	p0 =	sne.s32 s24, s9;
	[sflag:s11] =	ssyncadd.s32 $0xFFFFC180  }
.Ltmp2:
0xaa: {  	[bflag:$0x0] =	sbarrier.arrive $0xFFFF;
	(pc) =	sbr.rel @p0 .LBB2_1-.Ltmp2, $4  }
0xab: {  	[hbm:s23], [sflag:s6] =	dma.local [spmem:s10], $0x2800  }
0xac: {  	_ =	swait.ge [sflag:s11], $0x2800  }
0xad: {  	[sflag:s11] =	ssyncset.done $0x0  }
0xae: {  	[sflag:s11] =	ssyncadd.s32 $0xFFFFD800  }
0xaf: {  	_ =	sfence.sel $0x180000  }
0xb0: {  	[bflag:$0x0] =	sbarrier.arrive $0xFFFF  }
0xb1: {  	p0 =	sne.s32 s0, $0x0;
	_ =	strace $0x9000004A  }
0xb2: {  	s0 =	sadd.s32 @!p0 $0x100000, s1;
	[bflag:$0x2] =	sbarrier.arrive $0xFFFF  }
0xb3: {  	[sflag:s0] =	ssyncadd.tile.s32 @!p0 $0x1;
	_ =	shalt  }
.Lfunc_end2:
_tile_overlayer_lowered:
.L_overlay_start_2:
0xb4: {  	(tag) =	ssettag $0x2  }
0xb5: {  	s0 =	rddreg [dreg:$0x0];
	s2 =	stileid.u32  }
0xb6: {  	s1 =	rddreg [dreg:$0x1];
	p0 =	sne.s32 s2, $0x0  }
0xb7: {  	s3 =	rddreg [dreg:$0x2];
	[bflag:$0x3] =	sbarrier.arrive $0xFFFF;
	s2 =	simm.s32 @!p0 $0x1C03  }
0xb8: {  	[timem:s3], [sflag:s2] =	dma.local @!p0 [hbm:s0], s1  }
0xb9: {  	s0 =	simm.s32 @!p0 $0x3  }
0xba: {  	_ =	swait.ge @!p0 [sflag:s0], s1  }
0xbb: {  	s1 =	ssub.s32 @!p0 $0x0, s1;
	[sflag:s0] =	ssyncset.done @!p0 $0x0  }
0xbc: {  	[sflag:s0] =	ssyncadd.s32 @!p0 s1  }
0xbd: {  	[bflag:$0x3] =	sbarrier.arrive $0xFFFF  }
0xbe: {  	_ =	shalt  }

// kernel: kernel.16.cloned.1.call-start
scs
__scs_entry_jumppad:
0x0: {  	(pc) =	sbr.rel $0x88, $3  }
0x1: {  	(tag) =	ssettag $0x0;
	lr =	simm.s32 $0x1  }
0x2: {  	[smem:$0x3F99] =	sst lr;
	_ =	strace $0xD0000000  }
0x3: {  	_ = 	snop  }
0x4: {  	_ = 	snop  }
0x5: {  	_ = 	snop  }
0x6: {  	_ = 	snop  }
0x7: {  	_ = 	snop  }
__scs_overlays_trampoline_lowered:
0x8: {  	[smem:$0x3FA8] =	sst s0  }
0x9: {  	[smem:$0x3FA9] =	sst s1  }
0xa: {  	[smem:$0x3FAA] =	sst s2  }
0xb: {  	[smem:$0x3FAB] =	sst s3  }
0xc: {  	[smem:$0x3FAC] =	sst s4  }
0xd: {  	[smem:$0x3FAD] =	sst s5  }
0xe: {  	[smem:$0x3FAE] =	sst s6  }
0xf: {  	[smem:$0x3FAF] =	sst s7  }
0x10: {  	[smem:$0x3FB0] =	sst s8  }
0x11: {  	[smem:$0x3FB1] =	sst s9;
	s0 =	simm.s32 @!p0 $0x0  }
0x12: {  	s1 =	sld [smem:$0x3F97];
	s0 =	simm.s32 @p0 $0x1  }
0x13: {  	[smem:$0x3FB2] =	sst s0;
	s0 =	simm.s32 @!p1 $0x0  }
0x14: {  	s2 =	sld [smem:$0x3F96];
	s0 =	simm.s32 @p1 $0x1  }
0x15: {  	[smem:$0x3FB3] =	sst s0;
	s0 =	simm.s32 @!p2 $0x0  }
0x16: {  	s3 =	sld [smem:$0x3FDB];
	s0 =	simm.s32 @p2 $0x1  }
0x17: {  	s4 =	simm.s32 $0x1BF5;
	[smem:$0x3FB5] =	sst s0  }
0x18: {  	s0 =	sld [smem:$0x3F98];
	_ =	swait.ge [sflag:s4], $0x0  }
0x19: {  	s7 =	sld [smem:$0x3F99]  }
0x1a: {  	s8 =	sadd.s32 $0xFFFFE003, lr  }
0x1b: {  	s9 =	sadd.s32 $0xFFFFFEF7, lr;
	s5 =	simm.s32 $0xFFFFFFFF;
	p2 =	slt.u32 s8, $0xFFFFF086  }
0x1c: {  	p1 =	slt.u32 s9, $0xF7A;
	s5 =	simm.s32 @!p2 $0x0  }
0x1d: {  	s5 =	simm.s32 @p1 $0x1;
	p0 =	seq.s32 s7, s2  }
0x1e: {  	s7 =	smul.u32 @!p0 $0xF7A, s2;
	p2 =	seq.s32 @!p0 s5, $0x0  }
0x1f: {  	s9 =	smul.u32 $0xF7A, s1;
	s8 =	simm.s32 @!p0 $0x1BF5;
	p2 =	por !p2, p0  }
0x20: {  	[sflag:s8] =	ssyncset.s32 @!p0 $0xFFFFF086;
	s6 =	sadd.s32 @!p0 s3, s7;
	s7 =	simm.s32 @!p0 $0x108  }
0x21: {  	s3 =	sadd.s32 s3, s9;
	s6 =	sadd.s32 @!p0 $0x88, s6;
	s7 =	simm.s32 @p2 $0x1082  }
0x22: {  	[simem:s7], [sflag:s8] =	dma.local @!p0 [hbm:s6], $0xF7A  }
0x23: {  	s9 =	sor.u32 $0xD0000000, s2;
	s6 =	simm.s32 $0x108;
	_ =	swait.ge @!p0 [sflag:s8], $0x0  }
0x24: {  	s3 =	sadd.s32 $0x88, s3;
	s6 =	simm.s32 @!p1 $0x1082;
	[sflag:s4] =	ssyncset.s32 $0xFFFFF086  }
0x25: {  	[simem:s6], [sflag:s4] =	dma.local [hbm:s3], $0xF7A  }
0x26: {  	[smem:$0x3F99] =	sst s1;
	(tag) =	ssettag s2;
	_ =	strace s9  }
0x27: {  	s1 =	sld [smem:$0x3FA9]  }
0x28: {  	s2 =	sld [smem:$0x3FAA]  }
0x29: {  	s4 =	sld [smem:$0x3FAC]  }
0x2a: {  	p0 =	seq.s32 s5, $0x0;
	s5 =	sld [smem:$0x3FAD]  }
0x2b: {  	s6 =	sld [smem:$0x3FAE]  }
0x2c: {  	s7 =	sld [smem:$0x3FAF]  }
0x2d: {  	s3 =	simm.s32 $0x108;
	s8 =	sld [smem:$0x3FB0]  }
0x2e: {  	s3 =	simm.s32 @!p0 $0x1082;
	s9 =	sld [smem:$0x3FB1]  }
0x2f: {  	lr =	sadd.s32 s0, s3;
	s0 =	sld [smem:$0x3FA8]  }
0x30: {  	s3 =	sld [smem:$0x3FAB]  }
0x31: {  	[smem:$0x3FB4] =	sst s10  }
0x32: {  	s10 =	sld [smem:$0x3FB2];
	_ =	sdelay $0x3  }
0x33: {  	p0 =	seq.s32 s10, $0x1;
	s10 =	sld [smem:$0x3FB4];
	_ =	sdelay $0x3  }
0x34: {  	[smem:$0x3FB4] =	sst s10  }
0x35: {  	s10 =	sld [smem:$0x3FB3];
	_ =	sdelay $0x3  }
0x36: {  	p1 =	seq.s32 s10, $0x1;
	s10 =	sld [smem:$0x3FB4];
	_ =	sdelay $0x3  }
0x37: {  	[smem:$0x3FB4] =	sst s10  }
0x38: {  	s10 =	sld [smem:$0x3FB5]  }
0x39: {  	_ = 	snop;
	(pc) =	sbr.ind lr, $3  }
0x3a: {  	_ = 	snop  }
0x3b: {  	_ = 	snop  }
0x3c: {  	p2 =	seq.s32 s10, $0x1;
	s10 =	sld [smem:$0x3FB4]  }
0x3d: {  	_ =	shalt  }
0x3e: {  	_ =	shalt  }
0x3f: {  	_ =	shalt  }
0x40: {  	_ =	shalt  }
0x41: {  	_ =	shalt  }
0x42: {  	_ =	shalt  }
0x43: {  	_ =	shalt  }
0x44: {  	_ =	shalt  }
0x45: {  	_ =	shalt  }
0x46: {  	_ =	shalt  }
0x47: {  	_ =	shalt  }
0x48: {  	_ =	shalt  }
0x49: {  	_ =	shalt  }
0x4a: {  	_ =	shalt  }
0x4b: {  	_ =	shalt  }
0x4c: {  	_ =	shalt  }
0x4d: {  	_ =	shalt  }
0x4e: {  	_ =	shalt  }
0x4f: {  	_ =	shalt  }
0x50: {  	_ =	shalt  }
0x51: {  	_ =	shalt  }
0x52: {  	_ =	shalt  }
0x53: {  	_ =	shalt  }
0x54: {  	_ =	shalt  }
0x55: {  	_ =	shalt  }
0x56: {  	_ =	shalt  }
0x57: {  	_ =	shalt  }
0x58: {  	_ =	shalt  }
0x59: {  	_ =	shalt  }
0x5a: {  	_ =	shalt  }
0x5b: {  	_ =	shalt  }
0x5c: {  	_ =	shalt  }
0x5d: {  	_ =	shalt  }
0x5e: {  	_ =	shalt  }
0x5f: {  	_ =	shalt  }
0x60: {  	_ =	shalt  }
0x61: {  	_ =	shalt  }
0x62: {  	_ =	shalt  }
0x63: {  	_ =	shalt  }
0x64: {  	_ =	shalt  }
0x65: {  	_ =	shalt  }
0x66: {  	_ =	shalt  }
0x67: {  	_ =	shalt  }
0x68: {  	_ =	shalt  }
0x69: {  	_ =	shalt  }
0x6a: {  	_ =	shalt  }
0x6b: {  	_ =	shalt  }
0x6c: {  	_ =	shalt  }
0x6d: {  	_ =	shalt  }
0x6e: {  	_ =	shalt  }
0x6f: {  	_ =	shalt  }
0x70: {  	_ =	shalt  }
0x71: {  	_ =	shalt  }
0x72: {  	_ =	shalt  }
0x73: {  	_ =	shalt  }
0x74: {  	_ =	shalt  }
0x75: {  	_ =	shalt  }
0x76: {  	_ =	shalt  }
0x77: {  	_ =	shalt  }
0x78: {  	_ =	shalt  }
0x79: {  	_ =	shalt  }
0x7a: {  	_ =	shalt  }
0x7b: {  	_ =	shalt  }
0x7c: {  	_ =	shalt  }
0x7d: {  	_ =	shalt  }
0x7e: {  	_ =	shalt  }
0x7f: {  	_ =	shalt  }
0x80: {  	_ =	shalt  }
0x81: {  	_ =	shalt  }
0x82: {  	_ =	shalt  }
0x83: {  	_ =	shalt  }
0x84: {  	_ =	shalt  }
0x85: {  	_ =	shalt  }
0x86: {  	_ =	shalt  }
0x87: {  	_ =	shalt  }
.Lfunc_end0:
.L_simem_size_0:
called_computation.2_lowered:
.L_overlay_start_0:
0x88: {  	s2 =	sld [smem:$0x3FD9]  }
0x89: {  	s3 =	sld [smem:$0x3FFE];
	_ =	sdelay $0x1  }
0x8a: {  	s1 =	srdreg.scid  }
0x8b: {  	s0 =	sand.u32 $0x1, s1  }
0x8c: {  	s17 =	sshll.u32 s0, $0xA;
	s2 =	sadd.s32 s3, s2  }
0x8d: {  	s2 =	sadd.s32 s2, s17  }
0x8e: {  	[smem:$0x3FC0] =	sst s2  }
0x8f: {  	_ = 	snop  }
0x90: {  	s2 =	sld [smem:$0x3FD0];
	(tm) =	ssettm $0x1  }
0x91: {  	s18 =	sld [smem:$0x3FFB];
	_ =	sdelay $0x3  }
0x92: {  	_ =	strace s18  }
0x93: {  	s3 =	sld [smem:$0x3FFC];
	_ =	sdelay $0x3  }
0x94: {  	_ =	strace s3  }
0x95: {  	s3 =	sld [smem:$0x3FFD];
	_ =	sdelay $0x3  }
0x96: {  	_ =	strace s3  }
0x97: {  	_ =	strace $0x8FFFFFFF  }
0x98: {  	s19 =	sld [smem:$0x3FDB];
	_ =	sdelay $0x1  }
0x99: {  	s4 =	simm.s32 $_scs_section_size  }
0x9a: {  	s5 =	simm.s32 $_size__tile_overlayer_lowered;
	s6 =	simm.s32 $_tile_overlayer_lowered  }
0x9b: {  	s22 =	simm.s32 $0x1BFF;
	s21 =	sshll.u32 s6, $0x1;
	s3 =	sadd.s32 s4, s19  }
0x9c: {  	s7 =	simm.s32 $0x0;
	s20 =	sshll.u32 s5, $0x1;
	s5 =	sadd.s32 s21, s3  }
0x9d: {  	[timem:s7], [sflag:s22] =	dma.local [hbm:s5], s20  }
0x9e: {  	_ =	swait.ge [sflag:s22], s20  }
0x9f: {  	s4 =	ssub.s32 $0x0, s20;
	[sflag:s22] =	ssyncset.done $0x0  }
0xa0: {  	[sflag:s22] =	ssyncadd.s32 s4;
	_ =	sdelay $0x1  }
0xa1: {  	s23 =	simm.s32 $0x1B8B  }
0xa2: {  	_ =	swait.ge [sflag:s23], $0x1  }
0xa3: {  	[sflag:s23] =	ssyncset.done $0x0  }
0xa4: {  	s25 =	simm.s32 $0x1B8E;
	s24 =	sld [smem:$0x3FFE];
	[sflag:s23] =	ssyncadd.s32 $0xFFFFFFFF  }
0xa5: {  	s26 =	simm.s32 $execute0_lowered;
	[smem:$0x3FD2] =	sst s25  }
0xa6: {  	s5 =	sshll.u32 s26, $0x1;
	_ =	strace $0x8000004C;
	[dreg:$0x1] =	wrdreg $0xFFFFFFFF  }
0xa7: {  	s28 =	simm.s32 $_size_execute0_lowered;
	s3 =	sadd.s32 s3, s5;
	[dreg:$0x0] =	wrdreg $0x0  }
0xa8: {  	s5 =	sshll.u32 s28, $0x1;
	[dreg:$0x2] =	wrdreg s3  }
0xa9: {  	[dreg:$0x3] =	wrdreg s5  }
0xaa: {  	[dreg:$0x4] =	wrdreg $0xC0  }
0xab: {  	_ =	task [dreg:s7], $0x5FFFF  }
0xac: {  	[dreg:$0x1] =	wrdreg $0xFFFFFFFF  }
0xad: {  	[dreg:$0x0] =	wrdreg $0x60  }
0xae: {  	[dreg:$0x2] =	wrdreg s24  }
0xaf: {  	[dreg:$0x3] =	wrdreg s2  }
0xb0: {  	[dreg:$0x4] =	wrdreg $0xA8000  }
0xb1: {  	[dreg:$0x5] =	wrdreg $0x9  }
0xb2: {  	_ =	task.clear_ibuf [dreg:s7], $0x6FFFF;
	_ =	strace $0x9000004C  }
0xb3: {  	s29 =	simm.s32 $0x9;
	_ =	strace $0x8000004E  }
0xb4: {  	_ =	swait.ge [sflag:s29], $0x1  }
0xb5: {  	[sflag:s29] =	ssyncadd.s32 $0xFFFFFFFF  }
0xb6: {  	_ =	strace $0x9000004E  }
0xb7: {  	_ =	sfence  }
0xb8: {  	s30 =	sld [smem:$0x0];
	_ =	sdelay $0x2  }
0xb9: {  	s31 =	sshll.u32 s1, $0xD;
	s1 =	sshrl.u32 s1, $0x2  }
0xba: {  	s3 =	sand.u32 $0x4000, s31;
	s1 =	sadd.s32 s1, s30  }
0xbb: {  	s0 =	sor.u32 s3, s0;
	s1 =	sshll.u32 s1, $0x11  }
0xbc: {  	s0 =	sor.u32 s1, s0  }
0xbd: {  	s0 =	sadd.s32 $0x8F2B, s0  }
0xbe: {  	[sflag:s0] =	ssyncadd.remote.s32 $0x1  }
0xbf: {  	_ =	sfence.sel $0xFFFF  }
0xc0: {  	[dreg:$0x0] =	wrdreg $0xFFFFFFFF;
	(pc) =	sbr.abs _section_cstart, $3  }
0xc1: {  	[dreg:$0x1] =	wrdreg $0xFFFFFFFF  }
0xc2: {  	_ =	task.clear_ibuf [dreg:s7], $0x2FFFF;
	_ =	strace $0x9FFFFFFF  }
0xc3: {  	(tm) =	ssettm $0x7FFFFFFF  }
tec
execute0_lowered:
.L_overlay_start_1:
0x0: {  	(tag) =	ssettag $0x1  }
0x1: {  	s6 =	rddreg [dreg:$0x0]  }
0x2: {  	s1 =	srdreg.scid;
	s2 =	rddreg [dreg:$0x1]  }
0x3: {  	s0 =	stileid.u32;
	s3 =	rddreg [dreg:$0x2];
	s4 =	simm.s32 $0x0  }
0x4: {  	s12 =	simm.s32 $0x1400;
	s13 =	simm.s32 $0x7D;
	s14 =	simm.s32 $0x2800  }
0x5: {  	s15 =	simm.s32 $0x6800;
	s16 =	simm.s32 $0x1;
	s17 =	simm.s32 $0x2  }
0x6: {  	s18 =	simm.s32 $0x1380;
	s19 =	simm.s32 $0x2700;
	s20 =	simm.s32 $0x2780  }
0x7: {  	s7 =	sand.u32 $0x1, s1;
	s1 =	rddreg [dreg:$0x3];
	s10 =	smul.u32 $0x50000, s0  }
0x8: {  	s29 =	sshll.u32 s0, $0x1;
	[smem:$0x7FF] =	sst s4;
	s24 =	smul.u32 $0x2800, s0  }
0x9: {  	s31 =	sshll.u32 s0, $0x6;
	s5 =	sor.u32 s7, s29;
	s9 =	smul.u32 $0x28000, s7  }
0xa: {  	_ =	strace $0x8000004D;
	s7 =	ssub.s32 $0x2, s7;
	s8 =	smul.u32 $0x500, s5  }
0xb: {  	s5 =	sadd.s32 $0x2C000, s6;
	s30 =	sshrl.u32 s7, $0x1;
	s10 =	sshrl.u32 s10, $0x2  }
0xc: {  	s9 =	sadd.s32 s9, s6;
	s11 =	ssub.s32 s7, s30;
	s10 =	sadd.s32 s10, s3  }
0xd: {  	s8 =	sadd.s32 s8, s6;
	s6 =	sor.u32 $0x1C03, s31;
	s23 =	sadd.s32 $0x53200, s9  }
0xe: {  	s9 =	smax.u32 s11, $0x1;
	s10 =	sshrl.u32 s10, $0x3;
	s11 =	simm.s32 $0x3  }
0xf: {  	s7 =	sadd.s32 $0x18000, s8;
	s8 =	sadd.s32 $0x22000, s8;
	s23 =	sadd.s32 s24, s23  }
0x10: {  	s24 =	simm.s32 $0x0;
	s21 =	sadd.s32 $0x280, s7;
	s22 =	sadd.s32 $0x280, s8  }
.LBB2_1:
0x11: {  	[spmem:s10], [sflag:s6] =	dma.local [hbm:s2], $0x2800  }
0x12: {  	_ =	swait.ge [sflag:s11], $0x2800  }
0x13: {  	[sflag:s11] =	ssyncset.done $0x0  }
0x14: {  	[sflag:s11] =	ssyncadd.s32 $0xFFFFD800  }
0x15: {  	[bflag:$0x0] =	sbarrier.arrive $0xFFFF  }
0x16: {  	[tilespmem:s4], [sflag:$0x3] =	stream.linear.gather [hbm4b:s7+s4], $0x1400, $0x38;
	[tilespmem:$0x1E800] =	vst v63  }
0x17: {  	_ =	swait.ge [sflag:s11], $0x1400  }
0x18: {  	[sflag:s11] =	ssyncset.done $0x0  }
0x19: {  	[sflag:s11] =	ssyncadd.s32 $0xFFFFEC00  }
0x1a: {  	[tilespmem:s12], [sflag:$0x3] =	stream.linear.gather [hbm4b:s8+s4], $0x1400, $0x38;
	[tilespmem:$0x1E800] =	vst v63  }
0x1b: {  	_ =	swait.ge [sflag:s11], $0x1400  }
0x1c: {  	[sflag:s11] =	ssyncset.done $0x0  }
0x1d: {  	[sflag:s11] =	ssyncadd.s32 $0xFFFFEC00  }
0x1e: {  	[tilespmem:s14], [sflag:$0x1] =	stream.indirect.gather [hbm4b:s5+s13], $0x80, s4, s13, $0xb8;
	[tilespmem:$0x1E800] =	vst v63  }
0x1f: {  	s25 =	simm.s32 $0x80  }
0x20: {  	[tilespmem:s15], [sflag:$0x2] =	stream.indirect.gather [hbm4b:s5+s13], $0x80, s25, s13, $0xb8;
	[tilespmem:$0x1E800] =	vst v63  }
0x21: {  	_ =	swait.ge [sflag:s16], $0x3E80  }
0x22: {  	[sflag:s16] =	ssyncset.done $0x0  }
0x23: {  	s29 =	simm.s32 $0x1400;
	[sflag:s16] =	ssyncadd.s32 $0xFFFFC180  }
0x24: {  	[spmem:s3] =	stream.indirect.scatter.add.f32 [tilespmem:s14], [sflag:$0x3], $0x80, s29, s13, $0xb8;
	[tilespmem:$0x1E800] =	vst v63  }
0x25: {  	_ =	swait.ge [sflag:s11], $0x3E80  }
0x26: {  	[sflag:s11] =	ssyncset.done $0x0  }
0x27: {  	s30 =	simm.s32 $0x100;
	[sflag:s11] =	ssyncadd.s32 $0xFFFFC180  }
0x28: {  	[tilespmem:s14], [sflag:$0x1] =	stream.indirect.gather [hbm4b:s5+s13], $0x80, s30, s13, $0xb8;
	[tilespmem:$0x1E800] =	vst v63  }
0x29: {  	_ =	swait.ge [sflag:s17], $0x3E80  }
0x2a: {  	[sflag:s17] =	ssyncset.done $0x0  }
0x2b: {  	s31 =	simm.s32 $0x1480;
	[sflag:s17] =	ssyncadd.s32 $0xFFFFC180  }
0x2c: {  	[spmem:s3] =	stream.indirect.scatter.add.f32 [tilespmem:s15], [sflag:$0x3], $0x80, s31, s13, $0xb8;
	[tilespmem:$0x1E800] =	vst v63  }
0x2d: {  	_ =	swait.ge [sflag:s11], $0x3E80  }
0x2e: {  	s26 =	simm.s32 $0x800;
	s25 =	simm.s32 $0x100;
	[sflag:s11] =	ssyncset.done $0x0  }
.LBB2_2:
0x2f: {  	s28 =	sadd.s32 $0x80, s25  }
0x30: {  	[sflag:s11] =	ssyncadd.s32 $0xFFFFC180;
	s29 =	smov.u32 s26;
	s30 =	sadd.s32 $0x400, s26  }
0x31: {  	[tilespmem:s15], [sflag:$0x2] =	stream.indirect.gather [hbm4b:s5+s13], $0x80, s28, s13, $0xb8;
	[tilespmem:$0x1E800] =	vst v63  }
0x32: {  	p0 =	sne.s32 s26, $0x4800;
	_ =	swait.ge [sflag:s16], $0x3E80  }
0x33: {  	[sflag:s16] =	ssyncset.done $0x0  }
0x34: {  	s26 =	sadd.s32 $0x1400, s25;
	[sflag:s16] =	ssyncadd.s32 $0xFFFFC180  }
0x35: {  	[spmem:s3] =	stream.indirect.scatter.add.f32 [tilespmem:s14], [sflag:$0x3], $0x80, s26, s13, $0xb8;
	[tilespmem:$0x1E800] =	vst v63  }
0x36: {  	_ =	swait.ge [sflag:s11], $0x3E80  }
0x37: {  	[sflag:s11] =	ssyncset.done $0x0  }
0x38: {  	s26 =	sadd.s32 $0x100, s25;
	[sflag:s11] =	ssyncadd.s32 $0xFFFFC180  }
0x39: {  	[tilespmem:s14], [sflag:$0x1] =	stream.indirect.gather [hbm4b:s5+s13], $0x80, s26, s13, $0xb8;
	[tilespmem:$0x1E800] =	vst v63  }
0x3a: {  	_ =	swait.ge [sflag:s17], $0x3E80  }
.Ltmp0:
0x3b: {  	[sflag:s17] =	ssyncset.done $0x0;
	(pc) =	sbr.rel @p0 .LBB2_2-.Ltmp0, $4  }
0x3c: {  	s25 =	sadd.s32 $0x1480, s25;
	[sflag:s17] =	ssyncadd.s32 $0xFFFFC180  }
0x3d: {  	[spmem:s3] =	stream.indirect.scatter.add.f32 [tilespmem:s15], [sflag:$0x3], $0x80, s25, s13, $0xb8;
	[tilespmem:$0x1E800] =	vst v63  }
0x3e: {  	_ =	swait.ge [sflag:s11], $0x3E80  }
0x3f: {  	s26 =	smov.u32 s30;
	s25 =	sshra.s32 s29, $0x2;
	[sflag:s11] =	ssyncset.done $0x0  }
0x40: {  	s26 =	sadd.s32 $0x80, s25;
	[sflag:s11] =	ssyncadd.s32 $0xFFFFC180  }
0x41: {  	[tilespmem:s15], [sflag:$0x2] =	stream.indirect.gather [hbm4b:s5+s13], $0x80, s26, s13, $0xb8;
	[tilespmem:$0x1E800] =	vst v63  }
0x42: {  	_ =	swait.ge [sflag:s16], $0x3E80  }
0x43: {  	[sflag:s16] =	ssyncset.done $0x0  }
0x44: {  	s29 =	sadd.s32 $0x1400, s25;
	[sflag:s16] =	ssyncadd.s32 $0xFFFFC180  }
0x45: {  	[spmem:s3] =	stream.indirect.scatter.add.f32 [tilespmem:s14], [sflag:$0x3], $0x80, s29, s13, $0xb8;
	[tilespmem:$0x1E800] =	vst v63  }
0x46: {  	_ =	swait.ge [sflag:s11], $0x3E80  }
0x47: {  	[sflag:s11] =	ssyncset.done $0x0  }
0x48: {  	s30 =	sadd.s32 $0x100, s25;
	[sflag:s11] =	ssyncadd.s32 $0xFFFFC180  }
0x49: {  	[tilespmem:s14], [sflag:$0x1] =	stream.indirect.gather [hbm4b:s5+s13], $0x80, s30, s13, $0xb8;
	[tilespmem:$0x1E800] =	vst v63  }
0x4a: {  	_ =	swait.ge [sflag:s17], $0x3E80  }
0x4b: {  	[sflag:s17] =	ssyncset.done $0x0  }
0x4c: {  	s31 =	sadd.s32 $0x1480, s25;
	[sflag:s17] =	ssyncadd.s32 $0xFFFFC180  }
0x4d: {  	[spmem:s3] =	stream.indirect.scatter.add.f32 [tilespmem:s15], [sflag:$0x3], $0x80, s31, s13, $0xb8;
	[tilespmem:$0x1E800] =	vst v63  }
0x4e: {  	_ =	swait.ge [sflag:s11], $0x3E80  }
0x4f: {  	[sflag:s11] =	ssyncset.done $0x0  }
0x50: {  	[sflag:s11] =	ssyncadd.s32 $0xFFFFC180  }
0x51: {  	[tilespmem:s15], [sflag:$0x2] =	stream.indirect.gather [hbm4b:s5+s13], $0x80, s18, s13, $0xb8;
	[tilespmem:$0x1E800] =	vst v63  }
0x52: {  	_ =	swait.ge [sflag:s16], $0x3E80  }
0x53: {  	[sflag:s16] =	ssyncset.done $0x0  }
0x54: {  	[sflag:s16] =	ssyncadd.s32 $0xFFFFC180  }
0x55: {  	[spmem:s3] =	stream.indirect.scatter.add.f32 [tilespmem:s14], [sflag:$0x3], $0x80, s19, s13, $0xb8;
	[tilespmem:$0x1E800] =	vst v63  }
0x56: {  	_ =	swait.ge [sflag:s11], $0x3E80  }
0x57: {  	[sflag:s11] =	ssyncset.done $0x0  }
0x58: {  	[sflag:s11] =	ssyncadd.s32 $0xFFFFC180  }
0x59: {  	_ =	swait.ge [sflag:s17], $0x3E80  }
0x5a: {  	[sflag:s17] =	ssyncset.done $0x0  }
0x5b: {  	[sflag:s17] =	ssyncadd.s32 $0xFFFFC180  }
0x5c: {  	[spmem:s3] =	stream.indirect.scatter.add.f32 [tilespmem:s15], [sflag:$0x3], $0x80, s20, s13, $0xb8;
	[tilespmem:$0x1E800] =	vst v63  }
0x5d: {  	_ =	swait.ge [sflag:s11], $0x3E80  }
0x5e: {  	[sflag:s11] =	ssyncset.done $0x0  }
0x5f: {  	s26 =	simm.s32 $0x0;
	[sflag:s11] =	ssyncadd.s32 $0xFFFFC180  }
0x60: {  	[tilespmem:s26], [sflag:$0x3] =	stream.linear.gather [hbm4b:s21+s26], $0x1400, $0x38;
	[tilespmem:$0x1E800] =	vst v63  }
0x61: {  	_ =	swait.ge [sflag:s11], $0x1400  }
0x62: {  	[sflag:s11] =	ssyncset.done $0x0  }
0x63: {  	[sflag:s11] =	ssyncadd.s32 $0xFFFFEC00  }
0x64: {  	[tilespmem:s12], [sflag:$0x3] =	stream.linear.gather [hbm4b:s22+s26], $0x1400, $0x38;
	[tilespmem:$0x1E800] =	vst v63  }
0x65: {  	_ =	swait.ge [sflag:s11], $0x1400  }
0x66: {  	[sflag:s11] =	ssyncset.done $0x0  }
0x67: {  	[sflag:s11] =	ssyncadd.s32 $0xFFFFEC00  }
0x68: {  	[tilespmem:s14], [sflag:$0x1] =	stream.indirect.gather [hbm4b:s5+s13], $0x80, s26, s13, $0xb8;
	[tilespmem:$0x1E800] =	vst v63  }
0x69: {  	s28 =	simm.s32 $0x80  }
0x6a: {  	[tilespmem:s15], [sflag:$0x2] =	stream.indirect.gather [hbm4b:s5+s13], $0x80, s28, s13, $0xb8;
	[tilespmem:$0x1E800] =	vst v63  }
0x6b: {  	_ =	swait.ge [sflag:s16], $0x3E80  }
0x6c: {  	[sflag:s16] =	ssyncset.done $0x0  }
0x6d: {  	s29 =	simm.s32 $0x1400;
	[sflag:s16] =	ssyncadd.s32 $0xFFFFC180  }
0x6e: {  	[spmem:s3] =	stream.indirect.scatter.add.f32 [tilespmem:s14], [sflag:$0x3], $0x80, s29, s13, $0xb8;
	[tilespmem:$0x1E800] =	vst v63  }
0x6f: {  	_ =	swait.ge [sflag:s11], $0x3E80  }
0x70: {  	[sflag:s11] =	ssyncset.done $0x0  }
0x71: {  	s30 =	simm.s32 $0x100;
	[sflag:s11] =	ssyncadd.s32 $0xFFFFC180  }
0x72: {  	[tilespmem:s14], [sflag:$0x1] =	stream.indirect.gather [hbm4b:s5+s13], $0x80, s30, s13, $0xb8;
	[tilespmem:$0x1E800] =	vst v63  }
0x73: {  	_ =	swait.ge [sflag:s17], $0x3E80  }
0x74: {  	[sflag:s17] =	ssyncset.done $0x0  }
0x75: {  	s31 =	simm.s32 $0x1480;
	[sflag:s17] =	ssyncadd.s32 $0xFFFFC180  }
0x76: {  	[spmem:s3] =	stream.indirect.scatter.add.f32 [tilespmem:s15], [sflag:$0x3], $0x80, s31, s13, $0xb8;
	[tilespmem:$0x1E800] =	vst v63  }
0x77: {  	_ =	swait.ge [sflag:s11], $0x3E80  }
0x78: {  	s25 =	simm.s32 $0x100;
	s26 =	simm.s32 $0x800;
	[sflag:s11] =	ssyncset.done $0x0  }
.LBB2_4:
0x79: {  	s28 =	sadd.s32 $0x80, s25  }
0x7a: {  	[sflag:s11] =	ssyncadd.s32 $0xFFFFC180;
	s29 =	smov.u32 s26;
	s30 =	sadd.s32 $0x400, s26  }
0x7b: {  	[tilespmem:s15], [sflag:$0x2] =	stream.indirect.gather [hbm4b:s5+s13], $0x80, s28, s13, $0xb8;
	[tilespmem:$0x1E800] =	vst v63  }
0x7c: {  	p0 =	sne.s32 s26, $0x4800;
	_ =	swait.ge [sflag:s16], $0x3E80  }
0x7d: {  	[sflag:s16] =	ssyncset.done $0x0  }
0x7e: {  	s26 =	sadd.s32 $0x1400, s25;
	[sflag:s16] =	ssyncadd.s32 $0xFFFFC180  }
0x7f: {  	[spmem:s3] =	stream.indirect.scatter.add.f32 [tilespmem:s14], [sflag:$0x3], $0x80, s26, s13, $0xb8;
	[tilespmem:$0x1E800] =	vst v63  }
0x80: {  	_ =	swait.ge [sflag:s11], $0x3E80  }
0x81: {  	[sflag:s11] =	ssyncset.done $0x0  }
0x82: {  	s26 =	sadd.s32 $0x100, s25;
	[sflag:s11] =	ssyncadd.s32 $0xFFFFC180  }
0x83: {  	[tilespmem:s14], [sflag:$0x1] =	stream.indirect.gather [hbm4b:s5+s13], $0x80, s26, s13, $0xb8;
	[tilespmem:$0x1E800] =	vst v63  }
0x84: {  	_ =	swait.ge [sflag:s17], $0x3E80  }
.Ltmp1:
0x85: {  	[sflag:s17] =	ssyncset.done $0x0;
	(pc) =	sbr.rel @p0 .LBB2_4-.Ltmp1, $4  }
0x86: {  	s25 =	sadd.s32 $0x1480, s25;
	[sflag:s17] =	ssyncadd.s32 $0xFFFFC180  }
0x87: {  	[spmem:s3] =	stream.indirect.scatter.add.f32 [tilespmem:s15], [sflag:$0x3], $0x80, s25, s13, $0xb8;
	[tilespmem:$0x1E800] =	vst v63  }
0x88: {  	_ =	swait.ge [sflag:s11], $0x3E80  }
0x89: {  	s26 =	smov.u32 s30;
	s25 =	sshra.s32 s29, $0x2;
	[sflag:s11] =	ssyncset.done $0x0  }
0x8a: {  	s26 =	sadd.s32 $0x80, s25;
	[sflag:s11] =	ssyncadd.s32 $0xFFFFC180  }
0x8b: {  	[tilespmem:s15], [sflag:$0x2] =	stream.indirect.gather [hbm4b:s5+s13], $0x80, s26, s13, $0xb8;
	[tilespmem:$0x1E800] =	vst v63  }
0x8c: {  	_ =	swait.ge [sflag:s16], $0x3E80  }
0x8d: {  	[sflag:s16] =	ssyncset.done $0x0  }
0x8e: {  	s29 =	sadd.s32 $0x1400, s25;
	[sflag:s16] =	ssyncadd.s32 $0xFFFFC180  }
0x8f: {  	[spmem:s3] =	stream.indirect.scatter.add.f32 [tilespmem:s14], [sflag:$0x3], $0x80, s29, s13, $0xb8;
	[tilespmem:$0x1E800] =	vst v63  }
0x90: {  	_ =	swait.ge [sflag:s11], $0x3E80  }
0x91: {  	[sflag:s11] =	ssyncset.done $0x0  }
0x92: {  	s30 =	sadd.s32 $0x100, s25;
	[sflag:s11] =	ssyncadd.s32 $0xFFFFC180  }
0x93: {  	[tilespmem:s14], [sflag:$0x1] =	stream.indirect.gather [hbm4b:s5+s13], $0x80, s30, s13, $0xb8;
	[tilespmem:$0x1E800] =	vst v63  }
0x94: {  	_ =	swait.ge [sflag:s17], $0x3E80  }
0x95: {  	[sflag:s17] =	ssyncset.done $0x0  }
0x96: {  	s31 =	sadd.s32 $0x1480, s25;
	[sflag:s17] =	ssyncadd.s32 $0xFFFFC180  }
0x97: {  	[spmem:s3] =	stream.indirect.scatter.add.f32 [tilespmem:s15], [sflag:$0x3], $0x80, s31, s13, $0xb8;
	[tilespmem:$0x1E800] =	vst v63  }
0x98: {  	_ =	swait.ge [sflag:s11], $0x3E80  }
0x99: {  	[sflag:s11] =	ssyncset.done $0x0  }
0x9a: {  	[sflag:s11] =	ssyncadd.s32 $0xFFFFC180  }
0x9b: {  	[tilespmem:s15], [sflag:$0x2] =	stream.indirect.gather [hbm4b:s5+s13], $0x80, s18, s13, $0xb8;
	[tilespmem:$0x1E800] =	vst v63  }
0x9c: {  	_ =	swait.ge [sflag:s16], $0x3E80  }
0x9d: {  	[sflag:s16] =	ssyncset.done $0x0  }
0x9e: {  	[sflag:s16] =	ssyncadd.s32 $0xFFFFC180  }
0x9f: {  	[spmem:s3] =	stream.indirect.scatter.add.f32 [tilespmem:s14], [sflag:$0x3], $0x80, s19, s13, $0xb8;
	[tilespmem:$0x1E800] =	vst v63  }
0xa0: {  	_ =	swait.ge [sflag:s11], $0x3E80  }
0xa1: {  	[sflag:s11] =	ssyncset.done $0x0  }
0xa2: {  	[sflag:s11] =	ssyncadd.s32 $0xFFFFC180  }
0xa3: {  	_ =	swait.ge [sflag:s17], $0x3E80  }
0xa4: {  	[sflag:s17] =	ssyncset.done $0x0  }
0xa5: {  	[sflag:s17] =	ssyncadd.s32 $0xFFFFC180  }
0xa6: {  	[spmem:s3] =	stream.indirect.scatter.add.f32 [tilespmem:s15], [sflag:$0x3], $0x80, s20, s13, $0xb8;
	[tilespmem:$0x1E800] =	vst v63  }
0xa7: {  	_ =	swait.ge [sflag:s11], $0x3E80  }
0xa8: {  	s24 =	sadd.s32 $0x1, s24;
	[sflag:s11] =	ssyncset.done $0x0  }
0xa9: {  	p0 =	sne.s32 s24, s9;
	[sflag:s11] =	ssyncadd.s32 $0xFFFFC180  }
.Ltmp2:
0xaa: {  	[bflag:$0x0] =	sbarrier.arrive $0xFFFF;
	(pc) =	sbr.rel @p0 .LBB2_1-.Ltmp2, $4  }
0xab: {  	[hbm:s23], [sflag:s6] =	dma.local [spmem:s10], $0x2800  }
0xac: {  	_ =	swait.ge [sflag:s11], $0x2800  }
0xad: {  	[sflag:s11] =	ssyncset.done $0x0  }
0xae: {  	[sflag:s11] =	ssyncadd.s32 $0xFFFFD800  }
0xaf: {  	_ =	sfence.sel $0x180000  }
0xb0: {  	[bflag:$0x0] =	sbarrier.arrive $0xFFFF  }
0xb1: {  	p0 =	sne.s32 s0, $0x0;
	_ =	strace $0x9000004D  }
0xb2: {  	s0 =	sadd.s32 @!p0 $0x100000, s1;
	[bflag:$0x2] =	sbarrier.arrive $0xFFFF  }
0xb3: {  	[sflag:s0] =	ssyncadd.tile.s32 @!p0 $0x1;
	_ =	shalt  }
.Lfunc_end2:
_tile_overlayer_lowered:
.L_overlay_start_2:
0xb4: {  	(tag) =	ssettag $0x2  }
0xb5: {  	s0 =	rddreg [dreg:$0x0];
	s2 =	stileid.u32  }
0xb6: {  	s1 =	rddreg [dreg:$0x1];
	p0 =	sne.s32 s2, $0x0  }
0xb7: {  	s3 =	rddreg [dreg:$0x2];
	[bflag:$0x3] =	sbarrier.arrive $0xFFFF;
	s2 =	simm.s32 @!p0 $0x1C03  }
0xb8: {  	[timem:s3], [sflag:s2] =	dma.local @!p0 [hbm:s0], s1  }
0xb9: {  	s0 =	simm.s32 @!p0 $0x3  }
0xba: {  	_ =	swait.ge @!p0 [sflag:s0], s1  }
0xbb: {  	s1 =	ssub.s32 @!p0 $0x0, s1;
	[sflag:s0] =	ssyncset.done @!p0 $0x0  }
0xbc: {  	[sflag:s0] =	ssyncadd.s32 @!p0 s1  }
0xbd: {  	[bflag:$0x3] =	sbarrier.arrive $0xFFFF  }
0xbe: {  	_ =	shalt  }

// kernel: kernel.19.cloned.1.call-start
scs
__scs_entry_jumppad:
0x0: {  	(pc) =	sbr.rel $0x88, $3  }
0x1: {  	(tag) =	ssettag $0x0;
	lr =	simm.s32 $0x1  }
0x2: {  	[smem:$0x3F99] =	sst lr;
	_ =	strace $0xD0000000  }
0x3: {  	_ = 	snop  }
0x4: {  	_ = 	snop  }
0x5: {  	_ = 	snop  }
0x6: {  	_ = 	snop  }
0x7: {  	_ = 	snop  }
__scs_overlays_trampoline_lowered:
0x8: {  	[smem:$0x3FA8] =	sst s0  }
0x9: {  	[smem:$0x3FA9] =	sst s1  }
0xa: {  	[smem:$0x3FAA] =	sst s2  }
0xb: {  	[smem:$0x3FAB] =	sst s3  }
0xc: {  	[smem:$0x3FAC] =	sst s4  }
0xd: {  	[smem:$0x3FAD] =	sst s5  }
0xe: {  	[smem:$0x3FAE] =	sst s6  }
0xf: {  	[smem:$0x3FAF] =	sst s7  }
0x10: {  	[smem:$0x3FB0] =	sst s8  }
0x11: {  	[smem:$0x3FB1] =	sst s9;
	s0 =	simm.s32 @!p0 $0x0  }
0x12: {  	s1 =	sld [smem:$0x3F97];
	s0 =	simm.s32 @p0 $0x1  }
0x13: {  	[smem:$0x3FB2] =	sst s0;
	s0 =	simm.s32 @!p1 $0x0  }
0x14: {  	s2 =	sld [smem:$0x3F96];
	s0 =	simm.s32 @p1 $0x1  }
0x15: {  	[smem:$0x3FB3] =	sst s0;
	s0 =	simm.s32 @!p2 $0x0  }
0x16: {  	s3 =	sld [smem:$0x3FDB];
	s0 =	simm.s32 @p2 $0x1  }
0x17: {  	s4 =	simm.s32 $0x1BF5;
	[smem:$0x3FB5] =	sst s0  }
0x18: {  	s0 =	sld [smem:$0x3F98];
	_ =	swait.ge [sflag:s4], $0x0  }
0x19: {  	s7 =	sld [smem:$0x3F99]  }
0x1a: {  	s8 =	sadd.s32 $0xFFFFE003, lr  }
0x1b: {  	s9 =	sadd.s32 $0xFFFFFEF7, lr;
	s5 =	simm.s32 $0xFFFFFFFF;
	p2 =	slt.u32 s8, $0xFFFFF086  }
0x1c: {  	p1 =	slt.u32 s9, $0xF7A;
	s5 =	simm.s32 @!p2 $0x0  }
0x1d: {  	s5 =	simm.s32 @p1 $0x1;
	p0 =	seq.s32 s7, s2  }
0x1e: {  	s7 =	smul.u32 @!p0 $0xF7A, s2;
	p2 =	seq.s32 @!p0 s5, $0x0  }
0x1f: {  	s9 =	smul.u32 $0xF7A, s1;
	s8 =	simm.s32 @!p0 $0x1BF5;
	p2 =	por !p2, p0  }
0x20: {  	[sflag:s8] =	ssyncset.s32 @!p0 $0xFFFFF086;
	s6 =	sadd.s32 @!p0 s3, s7;
	s7 =	simm.s32 @!p0 $0x108  }
0x21: {  	s3 =	sadd.s32 s3, s9;
	s6 =	sadd.s32 @!p0 $0x88, s6;
	s7 =	simm.s32 @p2 $0x1082  }
0x22: {  	[simem:s7], [sflag:s8] =	dma.local @!p0 [hbm:s6], $0xF7A  }
0x23: {  	s9 =	sor.u32 $0xD0000000, s2;
	s6 =	simm.s32 $0x108;
	_ =	swait.ge @!p0 [sflag:s8], $0x0  }
0x24: {  	s3 =	sadd.s32 $0x88, s3;
	s6 =	simm.s32 @!p1 $0x1082;
	[sflag:s4] =	ssyncset.s32 $0xFFFFF086  }
0x25: {  	[simem:s6], [sflag:s4] =	dma.local [hbm:s3], $0xF7A  }
0x26: {  	[smem:$0x3F99] =	sst s1;
	(tag) =	ssettag s2;
	_ =	strace s9  }
0x27: {  	s1 =	sld [smem:$0x3FA9]  }
0x28: {  	s2 =	sld [smem:$0x3FAA]  }
0x29: {  	s4 =	sld [smem:$0x3FAC]  }
0x2a: {  	p0 =	seq.s32 s5, $0x0;
	s5 =	sld [smem:$0x3FAD]  }
0x2b: {  	s6 =	sld [smem:$0x3FAE]  }
0x2c: {  	s7 =	sld [smem:$0x3FAF]  }
0x2d: {  	s3 =	simm.s32 $0x108;
	s8 =	sld [smem:$0x3FB0]  }
0x2e: {  	s3 =	simm.s32 @!p0 $0x1082;
	s9 =	sld [smem:$0x3FB1]  }
0x2f: {  	lr =	sadd.s32 s0, s3;
	s0 =	sld [smem:$0x3FA8]  }
0x30: {  	s3 =	sld [smem:$0x3FAB]  }
0x31: {  	[smem:$0x3FB4] =	sst s10  }
0x32: {  	s10 =	sld [smem:$0x3FB2];
	_ =	sdelay $0x3  }
0x33: {  	p0 =	seq.s32 s10, $0x1;
	s10 =	sld [smem:$0x3FB4];
	_ =	sdelay $0x3  }
0x34: {  	[smem:$0x3FB4] =	sst s10  }
0x35: {  	s10 =	sld [smem:$0x3FB3];
	_ =	sdelay $0x3  }
0x36: {  	p1 =	seq.s32 s10, $0x1;
	s10 =	sld [smem:$0x3FB4];
	_ =	sdelay $0x3  }
0x37: {  	[smem:$0x3FB4] =	sst s10  }
0x38: {  	s10 =	sld [smem:$0x3FB5]  }
0x39: {  	_ = 	snop;
	(pc) =	sbr.ind lr, $3  }
0x3a: {  	_ = 	snop  }
0x3b: {  	_ = 	snop  }
0x3c: {  	p2 =	seq.s32 s10, $0x1;
	s10 =	sld [smem:$0x3FB4]  }
0x3d: {  	_ =	shalt  }
0x3e: {  	_ =	shalt  }
0x3f: {  	_ =	shalt  }
0x40: {  	_ =	shalt  }
0x41: {  	_ =	shalt  }
0x42: {  	_ =	shalt  }
0x43: {  	_ =	shalt  }
0x44: {  	_ =	shalt  }
0x45: {  	_ =	shalt  }
0x46: {  	_ =	shalt  }
0x47: {  	_ =	shalt  }
0x48: {  	_ =	shalt  }
0x49: {  	_ =	shalt  }
0x4a: {  	_ =	shalt  }
0x4b: {  	_ =	shalt  }
0x4c: {  	_ =	shalt  }
0x4d: {  	_ =	shalt  }
0x4e: {  	_ =	shalt  }
0x4f: {  	_ =	shalt  }
0x50: {  	_ =	shalt  }
0x51: {  	_ =	shalt  }
0x52: {  	_ =	shalt  }
0x53: {  	_ =	shalt  }
0x54: {  	_ =	shalt  }
0x55: {  	_ =	shalt  }
0x56: {  	_ =	shalt  }
0x57: {  	_ =	shalt  }
0x58: {  	_ =	shalt  }
0x59: {  	_ =	shalt  }
0x5a: {  	_ =	shalt  }
0x5b: {  	_ =	shalt  }
0x5c: {  	_ =	shalt  }
0x5d: {  	_ =	shalt  }
0x5e: {  	_ =	shalt  }
0x5f: {  	_ =	shalt  }
0x60: {  	_ =	shalt  }
0x61: {  	_ =	shalt  }
0x62: {  	_ =	shalt  }
0x63: {  	_ =	shalt  }
0x64: {  	_ =	shalt  }
0x65: {  	_ =	shalt  }
0x66: {  	_ =	shalt  }
0x67: {  	_ =	shalt  }
0x68: {  	_ =	shalt  }
0x69: {  	_ =	shalt  }
0x6a: {  	_ =	shalt  }
0x6b: {  	_ =	shalt  }
0x6c: {  	_ =	shalt  }
0x6d: {  	_ =	shalt  }
0x6e: {  	_ =	shalt  }
0x6f: {  	_ =	shalt  }
0x70: {  	_ =	shalt  }
0x71: {  	_ =	shalt  }
0x72: {  	_ =	shalt  }
0x73: {  	_ =	shalt  }
0x74: {  	_ =	shalt  }
0x75: {  	_ =	shalt  }
0x76: {  	_ =	shalt  }
0x77: {  	_ =	shalt  }
0x78: {  	_ =	shalt  }
0x79: {  	_ =	shalt  }
0x7a: {  	_ =	shalt  }
0x7b: {  	_ =	shalt  }
0x7c: {  	_ =	shalt  }
0x7d: {  	_ =	shalt  }
0x7e: {  	_ =	shalt  }
0x7f: {  	_ =	shalt  }
0x80: {  	_ =	shalt  }
0x81: {  	_ =	shalt  }
0x82: {  	_ =	shalt  }
0x83: {  	_ =	shalt  }
0x84: {  	_ =	shalt  }
0x85: {  	_ =	shalt  }
0x86: {  	_ =	shalt  }
0x87: {  	_ =	shalt  }
.Lfunc_end0:
.L_simem_size_0:
called_computation.3_lowered:
.L_overlay_start_0:
0x88: {  	s2 =	sld [smem:$0x3FD9]  }
0x89: {  	s3 =	sld [smem:$0x3FFE];
	_ =	sdelay $0x1  }
0x8a: {  	s1 =	srdreg.scid  }
0x8b: {  	s0 =	sand.u32 $0x1, s1  }
0x8c: {  	s17 =	sshll.u32 s0, $0xA;
	s2 =	sadd.s32 s3, s2  }
0x8d: {  	s2 =	sadd.s32 s2, s17  }
0x8e: {  	[smem:$0x3FC0] =	sst s2  }
0x8f: {  	_ = 	snop  }
0x90: {  	s2 =	sld [smem:$0x3FD0];
	(tm) =	ssettm $0x1  }
0x91: {  	s18 =	sld [smem:$0x3FFB];
	_ =	sdelay $0x3  }
0x92: {  	_ =	strace s18  }
0x93: {  	s3 =	sld [smem:$0x3FFC];
	_ =	sdelay $0x3  }
0x94: {  	_ =	strace s3  }
0x95: {  	s3 =	sld [smem:$0x3FFD];
	_ =	sdelay $0x3  }
0x96: {  	_ =	strace s3  }
0x97: {  	_ =	strace $0x8FFFFFFF  }
0x98: {  	s19 =	sld [smem:$0x3FDB];
	_ =	sdelay $0x1  }
0x99: {  	s4 =	simm.s32 $_scs_section_size  }
0x9a: {  	s5 =	simm.s32 $_size__tile_overlayer_lowered;
	s6 =	simm.s32 $_tile_overlayer_lowered  }
0x9b: {  	s22 =	simm.s32 $0x1BFF;
	s21 =	sshll.u32 s6, $0x1;
	s3 =	sadd.s32 s4, s19  }
0x9c: {  	s7 =	simm.s32 $0x0;
	s20 =	sshll.u32 s5, $0x1;
	s5 =	sadd.s32 s21, s3  }
0x9d: {  	[timem:s7], [sflag:s22] =	dma.local [hbm:s5], s20  }
0x9e: {  	_ =	swait.ge [sflag:s22], s20  }
0x9f: {  	s4 =	ssub.s32 $0x0, s20;
	[sflag:s22] =	ssyncset.done $0x0  }
0xa0: {  	[sflag:s22] =	ssyncadd.s32 s4;
	_ =	sdelay $0x1  }
0xa1: {  	s23 =	simm.s32 $0x1B8B  }
0xa2: {  	_ =	swait.ge [sflag:s23], $0x1  }
0xa3: {  	[sflag:s23] =	ssyncset.done $0x0  }
0xa4: {  	s25 =	simm.s32 $0x1B8E;
	s24 =	sld [smem:$0x3FFE];
	[sflag:s23] =	ssyncadd.s32 $0xFFFFFFFF  }
0xa5: {  	s26 =	simm.s32 $execute0_lowered;
	[smem:$0x3FD2] =	sst s25  }
0xa6: {  	s5 =	sshll.u32 s26, $0x1;
	_ =	strace $0x8000004F;
	[dreg:$0x1] =	wrdreg $0xFFFFFFFF  }
0xa7: {  	s28 =	simm.s32 $_size_execute0_lowered;
	s3 =	sadd.s32 s3, s5;
	[dreg:$0x0] =	wrdreg $0x0  }
0xa8: {  	s5 =	sshll.u32 s28, $0x1;
	[dreg:$0x2] =	wrdreg s3  }
0xa9: {  	[dreg:$0x3] =	wrdreg s5  }
0xaa: {  	[dreg:$0x4] =	wrdreg $0xC0  }
0xab: {  	_ =	task [dreg:s7], $0x5FFFF  }
0xac: {  	[dreg:$0x1] =	wrdreg $0xFFFFFFFF  }
0xad: {  	[dreg:$0x0] =	wrdreg $0x60  }
0xae: {  	[dreg:$0x2] =	wrdreg s24  }
0xaf: {  	[dreg:$0x3] =	wrdreg s2  }
0xb0: {  	[dreg:$0x4] =	wrdreg $0xA8000  }
0xb1: {  	[dreg:$0x5] =	wrdreg $0x9  }
0xb2: {  	_ =	task.clear_ibuf [dreg:s7], $0x6FFFF;
	_ =	strace $0x9000004F  }
0xb3: {  	s29 =	simm.s32 $0x9;
	_ =	strace $0x80000051  }
0xb4: {  	_ =	swait.ge [sflag:s29], $0x1  }
0xb5: {  	[sflag:s29] =	ssyncadd.s32 $0xFFFFFFFF  }
0xb6: {  	_ =	strace $0x90000051  }
0xb7: {  	_ =	sfence  }
0xb8: {  	s30 =	sld [smem:$0x0];
	_ =	sdelay $0x2  }
0xb9: {  	s31 =	sshll.u32 s1, $0xD;
	s1 =	sshrl.u32 s1, $0x2  }
0xba: {  	s3 =	sand.u32 $0x4000, s31;
	s1 =	sadd.s32 s1, s30  }
0xbb: {  	s0 =	sor.u32 s3, s0;
	s1 =	sshll.u32 s1, $0x11  }
0xbc: {  	s0 =	sor.u32 s1, s0  }
0xbd: {  	s0 =	sadd.s32 $0x8F2B, s0  }
0xbe: {  	[sflag:s0] =	ssyncadd.remote.s32 $0x1  }
0xbf: {  	_ =	sfence.sel $0xFFFF  }
0xc0: {  	[dreg:$0x0] =	wrdreg $0xFFFFFFFF;
	(pc) =	sbr.abs _section_cstart, $3  }
0xc1: {  	[dreg:$0x1] =	wrdreg $0xFFFFFFFF  }
0xc2: {  	_ =	task.clear_ibuf [dreg:s7], $0x2FFFF;
	_ =	strace $0x9FFFFFFF  }
0xc3: {  	(tm) =	ssettm $0x7FFFFFFF  }
tec
execute0_lowered:
.L_overlay_start_1:
0x0: {  	(tag) =	ssettag $0x1  }
0x1: {  	s6 =	rddreg [dreg:$0x0]  }
0x2: {  	s1 =	srdreg.scid;
	s2 =	rddreg [dreg:$0x1]  }
0x3: {  	s0 =	stileid.u32;
	s3 =	rddreg [dreg:$0x2];
	s4 =	simm.s32 $0x0  }
0x4: {  	s12 =	simm.s32 $0x1400;
	s13 =	simm.s32 $0x7D;
	s14 =	simm.s32 $0x2800  }
0x5: {  	s15 =	simm.s32 $0x6800;
	s16 =	simm.s32 $0x1;
	s17 =	simm.s32 $0x2  }
0x6: {  	s18 =	simm.s32 $0x1380;
	s19 =	simm.s32 $0x2700;
	s20 =	simm.s32 $0x2780  }
0x7: {  	s7 =	sand.u32 $0x1, s1;
	s1 =	rddreg [dreg:$0x3];
	s10 =	smul.u32 $0x50000, s0  }
0x8: {  	s29 =	sshll.u32 s0, $0x1;
	[smem:$0x7FF] =	sst s4;
	s24 =	smul.u32 $0x2800, s0  }
0x9: {  	s31 =	sshll.u32 s0, $0x6;
	s5 =	sor.u32 s7, s29;
	s9 =	smul.u32 $0x28000, s7  }
0xa: {  	_ =	strace $0x80000050;
	s7 =	ssub.s32 $0x2, s7;
	s8 =	smul.u32 $0x500, s5  }
0xb: {  	s5 =	sadd.s32 $0x2C000, s6;
	s30 =	sshrl.u32 s7, $0x1;
	s10 =	sshrl.u32 s10, $0x2  }
0xc: {  	s9 =	sadd.s32 s9, s6;
	s11 =	ssub.s32 s7, s30;
	s10 =	sadd.s32 s10, s3  }
0xd: {  	s8 =	sadd.s32 s8, s6;
	s6 =	sor.u32 $0x1C03, s31;
	s23 =	sadd.s32 $0x53200, s9  }
0xe: {  	s9 =	smax.u32 s11, $0x1;
	s10 =	sshrl.u32 s10, $0x3;
	s11 =	simm.s32 $0x3  }
0xf: {  	s7 =	sadd.s32 $0x18000, s8;
	s8 =	sadd.s32 $0x22000, s8;
	s23 =	sadd.s32 s24, s23  }
0x10: {  	s24 =	simm.s32 $0x0;
	s21 =	sadd.s32 $0x280, s7;
	s22 =	sadd.s32 $0x280, s8  }
.LBB2_1:
0x11: {  	[spmem:s10], [sflag:s6] =	dma.local [hbm:s2], $0x2800  }
0x12: {  	_ =	swait.ge [sflag:s11], $0x2800  }
0x13: {  	[sflag:s11] =	ssyncset.done $0x0  }
0x14: {  	[sflag:s11] =	ssyncadd.s32 $0xFFFFD800  }
0x15: {  	[bflag:$0x0] =	sbarrier.arrive $0xFFFF  }
0x16: {  	[tilespmem:s4], [sflag:$0x3] =	stream.linear.gather [hbm4b:s7+s4], $0x1400, $0x38;
	[tilespmem:$0x1E800] =	vst v63  }
0x17: {  	_ =	swait.ge [sflag:s11], $0x1400  }
0x18: {  	[sflag:s11] =	ssyncset.done $0x0  }
0x19: {  	[sflag:s11] =	ssyncadd.s32 $0xFFFFEC00  }
0x1a: {  	[tilespmem:s12], [sflag:$0x3] =	stream.linear.gather [hbm4b:s8+s4], $0x1400, $0x38;
	[tilespmem:$0x1E800] =	vst v63  }
0x1b: {  	_ =	swait.ge [sflag:s11], $0x1400  }
0x1c: {  	[sflag:s11] =	ssyncset.done $0x0  }
0x1d: {  	[sflag:s11] =	ssyncadd.s32 $0xFFFFEC00  }
0x1e: {  	[tilespmem:s14], [sflag:$0x1] =	stream.indirect.gather [hbm4b:s5+s13], $0x80, s4, s13, $0xb8;
	[tilespmem:$0x1E800] =	vst v63  }
0x1f: {  	s25 =	simm.s32 $0x80  }
0x20: {  	[tilespmem:s15], [sflag:$0x2] =	stream.indirect.gather [hbm4b:s5+s13], $0x80, s25, s13, $0xb8;
	[tilespmem:$0x1E800] =	vst v63  }
0x21: {  	_ =	swait.ge [sflag:s16], $0x3E80  }
0x22: {  	[sflag:s16] =	ssyncset.done $0x0  }
0x23: {  	s29 =	simm.s32 $0x1400;
	[sflag:s16] =	ssyncadd.s32 $0xFFFFC180  }
0x24: {  	[spmem:s3] =	stream.indirect.scatter.add.f32 [tilespmem:s14], [sflag:$0x3], $0x80, s29, s13, $0xb8;
	[tilespmem:$0x1E800] =	vst v63  }
0x25: {  	_ =	swait.ge [sflag:s11], $0x3E80  }
0x26: {  	[sflag:s11] =	ssyncset.done $0x0  }
0x27: {  	s30 =	simm.s32 $0x100;
	[sflag:s11] =	ssyncadd.s32 $0xFFFFC180  }
0x28: {  	[tilespmem:s14], [sflag:$0x1] =	stream.indirect.gather [hbm4b:s5+s13], $0x80, s30, s13, $0xb8;
	[tilespmem:$0x1E800] =	vst v63  }
0x29: {  	_ =	swait.ge [sflag:s17], $0x3E80  }
0x2a: {  	[sflag:s17] =	ssyncset.done $0x0  }
0x2b: {  	s31 =	simm.s32 $0x1480;
	[sflag:s17] =	ssyncadd.s32 $0xFFFFC180  }
0x2c: {  	[spmem:s3] =	stream.indirect.scatter.add.f32 [tilespmem:s15], [sflag:$0x3], $0x80, s31, s13, $0xb8;
	[tilespmem:$0x1E800] =	vst v63  }
0x2d: {  	_ =	swait.ge [sflag:s11], $0x3E80  }
0x2e: {  	s26 =	simm.s32 $0x800;
	s25 =	simm.s32 $0x100;
	[sflag:s11] =	ssyncset.done $0x0  }
.LBB2_2:
0x2f: {  	s28 =	sadd.s32 $0x80, s25  }
0x30: {  	[sflag:s11] =	ssyncadd.s32 $0xFFFFC180;
	s29 =	smov.u32 s26;
	s30 =	sadd.s32 $0x400, s26  }
0x31: {  	[tilespmem:s15], [sflag:$0x2] =	stream.indirect.gather [hbm4b:s5+s13], $0x80, s28, s13, $0xb8;
	[tilespmem:$0x1E800] =	vst v63  }
0x32: {  	p0 =	sne.s32 s26, $0x4800;
	_ =	swait.ge [sflag:s16], $0x3E80  }
0x33: {  	[sflag:s16] =	ssyncset.done $0x0  }
0x34: {  	s26 =	sadd.s32 $0x1400, s25;
	[sflag:s16] =	ssyncadd.s32 $0xFFFFC180  }
0x35: {  	[spmem:s3] =	stream.indirect.scatter.add.f32 [tilespmem:s14], [sflag:$0x3], $0x80, s26, s13, $0xb8;
	[tilespmem:$0x1E800] =	vst v63  }
0x36: {  	_ =	swait.ge [sflag:s11], $0x3E80  }
0x37: {  	[sflag:s11] =	ssyncset.done $0x0  }
0x38: {  	s26 =	sadd.s32 $0x100, s25;
	[sflag:s11] =	ssyncadd.s32 $0xFFFFC180  }
0x39: {  	[tilespmem:s14], [sflag:$0x1] =	stream.indirect.gather [hbm4b:s5+s13], $0x80, s26, s13, $0xb8;
	[tilespmem:$0x1E800] =	vst v63  }
0x3a: {  	_ =	swait.ge [sflag:s17], $0x3E80  }
.Ltmp0:
0x3b: {  	[sflag:s17] =	ssyncset.done $0x0;
	(pc) =	sbr.rel @p0 .LBB2_2-.Ltmp0, $4  }
0x3c: {  	s25 =	sadd.s32 $0x1480, s25;
	[sflag:s17] =	ssyncadd.s32 $0xFFFFC180  }
0x3d: {  	[spmem:s3] =	stream.indirect.scatter.add.f32 [tilespmem:s15], [sflag:$0x3], $0x80, s25, s13, $0xb8;
	[tilespmem:$0x1E800] =	vst v63  }
0x3e: {  	_ =	swait.ge [sflag:s11], $0x3E80  }
0x3f: {  	s26 =	smov.u32 s30;
	s25 =	sshra.s32 s29, $0x2;
	[sflag:s11] =	ssyncset.done $0x0  }
0x40: {  	s26 =	sadd.s32 $0x80, s25;
	[sflag:s11] =	ssyncadd.s32 $0xFFFFC180  }
0x41: {  	[tilespmem:s15], [sflag:$0x2] =	stream.indirect.gather [hbm4b:s5+s13], $0x80, s26, s13, $0xb8;
	[tilespmem:$0x1E800] =	vst v63  }
0x42: {  	_ =	swait.ge [sflag:s16], $0x3E80  }
0x43: {  	[sflag:s16] =	ssyncset.done $0x0  }
0x44: {  	s29 =	sadd.s32 $0x1400, s25;
	[sflag:s16] =	ssyncadd.s32 $0xFFFFC180  }
0x45: {  	[spmem:s3] =	stream.indirect.scatter.add.f32 [tilespmem:s14], [sflag:$0x3], $0x80, s29, s13, $0xb8;
	[tilespmem:$0x1E800] =	vst v63  }
0x46: {  	_ =	swait.ge [sflag:s11], $0x3E80  }
0x47: {  	[sflag:s11] =	ssyncset.done $0x0  }
0x48: {  	s30 =	sadd.s32 $0x100, s25;
	[sflag:s11] =	ssyncadd.s32 $0xFFFFC180  }
0x49: {  	[tilespmem:s14], [sflag:$0x1] =	stream.indirect.gather [hbm4b:s5+s13], $0x80, s30, s13, $0xb8;
	[tilespmem:$0x1E800] =	vst v63  }
0x4a: {  	_ =	swait.ge [sflag:s17], $0x3E80  }
0x4b: {  	[sflag:s17] =	ssyncset.done $0x0  }
0x4c: {  	s31 =	sadd.s32 $0x1480, s25;
	[sflag:s17] =	ssyncadd.s32 $0xFFFFC180  }
0x4d: {  	[spmem:s3] =	stream.indirect.scatter.add.f32 [tilespmem:s15], [sflag:$0x3], $0x80, s31, s13, $0xb8;
	[tilespmem:$0x1E800] =	vst v63  }
0x4e: {  	_ =	swait.ge [sflag:s11], $0x3E80  }
0x4f: {  	[sflag:s11] =	ssyncset.done $0x0  }
0x50: {  	[sflag:s11] =	ssyncadd.s32 $0xFFFFC180  }
0x51: {  	[tilespmem:s15], [sflag:$0x2] =	stream.indirect.gather [hbm4b:s5+s13], $0x80, s18, s13, $0xb8;
	[tilespmem:$0x1E800] =	vst v63  }
0x52: {  	_ =	swait.ge [sflag:s16], $0x3E80  }
0x53: {  	[sflag:s16] =	ssyncset.done $0x0  }
0x54: {  	[sflag:s16] =	ssyncadd.s32 $0xFFFFC180  }
0x55: {  	[spmem:s3] =	stream.indirect.scatter.add.f32 [tilespmem:s14], [sflag:$0x3], $0x80, s19, s13, $0xb8;
	[tilespmem:$0x1E800] =	vst v63  }
0x56: {  	_ =	swait.ge [sflag:s11], $0x3E80  }
0x57: {  	[sflag:s11] =	ssyncset.done $0x0  }
0x58: {  	[sflag:s11] =	ssyncadd.s32 $0xFFFFC180  }
0x59: {  	_ =	swait.ge [sflag:s17], $0x3E80  }
0x5a: {  	[sflag:s17] =	ssyncset.done $0x0  }
0x5b: {  	[sflag:s17] =	ssyncadd.s32 $0xFFFFC180  }
0x5c: {  	[spmem:s3] =	stream.indirect.scatter.add.f32 [tilespmem:s15], [sflag:$0x3], $0x80, s20, s13, $0xb8;
	[tilespmem:$0x1E800] =	vst v63  }
0x5d: {  	_ =	swait.ge [sflag:s11], $0x3E80  }
0x5e: {  	[sflag:s11] =	ssyncset.done $0x0  }
0x5f: {  	s26 =	simm.s32 $0x0;
	[sflag:s11] =	ssyncadd.s32 $0xFFFFC180  }
0x60: {  	[tilespmem:s26], [sflag:$0x3] =	stream.linear.gather [hbm4b:s21+s26], $0x1400, $0x38;
	[tilespmem:$0x1E800] =	vst v63  }
0x61: {  	_ =	swait.ge [sflag:s11], $0x1400  }
0x62: {  	[sflag:s11] =	ssyncset.done $0x0  }
0x63: {  	[sflag:s11] =	ssyncadd.s32 $0xFFFFEC00  }
0x64: {  	[tilespmem:s12], [sflag:$0x3] =	stream.linear.gather [hbm4b:s22+s26], $0x1400, $0x38;
	[tilespmem:$0x1E800] =	vst v63  }
0x65: {  	_ =	swait.ge [sflag:s11], $0x1400  }
0x66: {  	[sflag:s11] =	ssyncset.done $0x0  }
0x67: {  	[sflag:s11] =	ssyncadd.s32 $0xFFFFEC00  }
0x68: {  	[tilespmem:s14], [sflag:$0x1] =	stream.indirect.gather [hbm4b:s5+s13], $0x80, s26, s13, $0xb8;
	[tilespmem:$0x1E800] =	vst v63  }
0x69: {  	s28 =	simm.s32 $0x80  }
0x6a: {  	[tilespmem:s15], [sflag:$0x2] =	stream.indirect.gather [hbm4b:s5+s13], $0x80, s28, s13, $0xb8;
	[tilespmem:$0x1E800] =	vst v63  }
0x6b: {  	_ =	swait.ge [sflag:s16], $0x3E80  }
0x6c: {  	[sflag:s16] =	ssyncset.done $0x0  }
0x6d: {  	s29 =	simm.s32 $0x1400;
	[sflag:s16] =	ssyncadd.s32 $0xFFFFC180  }
0x6e: {  	[spmem:s3] =	stream.indirect.scatter.add.f32 [tilespmem:s14], [sflag:$0x3], $0x80, s29, s13, $0xb8;
	[tilespmem:$0x1E800] =	vst v63  }
0x6f: {  	_ =	swait.ge [sflag:s11], $0x3E80  }
0x70: {  	[sflag:s11] =	ssyncset.done $0x0  }
0x71: {  	s30 =	simm.s32 $0x100;
	[sflag:s11] =	ssyncadd.s32 $0xFFFFC180  }
0x72: {  	[tilespmem:s14], [sflag:$0x1] =	stream.indirect.gather [hbm4b:s5+s13], $0x80, s30, s13, $0xb8;
	[tilespmem:$0x1E800] =	vst v63  }
0x73: {  	_ =	swait.ge [sflag:s17], $0x3E80  }
0x74: {  	[sflag:s17] =	ssyncset.done $0x0  }
0x75: {  	s31 =	simm.s32 $0x1480;
	[sflag:s17] =	ssyncadd.s32 $0xFFFFC180  }
0x76: {  	[spmem:s3] =	stream.indirect.scatter.add.f32 [tilespmem:s15], [sflag:$0x3], $0x80, s31, s13, $0xb8;
	[tilespmem:$0x1E800] =	vst v63  }
0x77: {  	_ =	swait.ge [sflag:s11], $0x3E80  }
0x78: {  	s25 =	simm.s32 $0x100;
	s26 =	simm.s32 $0x800;
	[sflag:s11] =	ssyncset.done $0x0  }
.LBB2_4:
0x79: {  	s28 =	sadd.s32 $0x80, s25  }
0x7a: {  	[sflag:s11] =	ssyncadd.s32 $0xFFFFC180;
	s29 =	smov.u32 s26;
	s30 =	sadd.s32 $0x400, s26  }
0x7b: {  	[tilespmem:s15], [sflag:$0x2] =	stream.indirect.gather [hbm4b:s5+s13], $0x80, s28, s13, $0xb8;
	[tilespmem:$0x1E800] =	vst v63  }
0x7c: {  	p0 =	sne.s32 s26, $0x4800;
	_ =	swait.ge [sflag:s16], $0x3E80  }
0x7d: {  	[sflag:s16] =	ssyncset.done $0x0  }
0x7e: {  	s26 =	sadd.s32 $0x1400, s25;
	[sflag:s16] =	ssyncadd.s32 $0xFFFFC180  }
0x7f: {  	[spmem:s3] =	stream.indirect.scatter.add.f32 [tilespmem:s14], [sflag:$0x3], $0x80, s26, s13, $0xb8;
	[tilespmem:$0x1E800] =	vst v63  }
0x80: {  	_ =	swait.ge [sflag:s11], $0x3E80  }
0x81: {  	[sflag:s11] =	ssyncset.done $0x0  }
0x82: {  	s26 =	sadd.s32 $0x100, s25;
	[sflag:s11] =	ssyncadd.s32 $0xFFFFC180  }
0x83: {  	[tilespmem:s14], [sflag:$0x1] =	stream.indirect.gather [hbm4b:s5+s13], $0x80, s26, s13, $0xb8;
	[tilespmem:$0x1E800] =	vst v63  }
0x84: {  	_ =	swait.ge [sflag:s17], $0x3E80  }
.Ltmp1:
0x85: {  	[sflag:s17] =	ssyncset.done $0x0;
	(pc) =	sbr.rel @p0 .LBB2_4-.Ltmp1, $4  }
0x86: {  	s25 =	sadd.s32 $0x1480, s25;
	[sflag:s17] =	ssyncadd.s32 $0xFFFFC180  }
0x87: {  	[spmem:s3] =	stream.indirect.scatter.add.f32 [tilespmem:s15], [sflag:$0x3], $0x80, s25, s13, $0xb8;
	[tilespmem:$0x1E800] =	vst v63  }
0x88: {  	_ =	swait.ge [sflag:s11], $0x3E80  }
0x89: {  	s26 =	smov.u32 s30;
	s25 =	sshra.s32 s29, $0x2;
	[sflag:s11] =	ssyncset.done $0x0  }
0x8a: {  	s26 =	sadd.s32 $0x80, s25;
	[sflag:s11] =	ssyncadd.s32 $0xFFFFC180  }
0x8b: {  	[tilespmem:s15], [sflag:$0x2] =	stream.indirect.gather [hbm4b:s5+s13], $0x80, s26, s13, $0xb8;
	[tilespmem:$0x1E800] =	vst v63  }
0x8c: {  	_ =	swait.ge [sflag:s16], $0x3E80  }
0x8d: {  	[sflag:s16] =	ssyncset.done $0x0  }
0x8e: {  	s29 =	sadd.s32 $0x1400, s25;
	[sflag:s16] =	ssyncadd.s32 $0xFFFFC180  }
0x8f: {  	[spmem:s3] =	stream.indirect.scatter.add.f32 [tilespmem:s14], [sflag:$0x3], $0x80, s29, s13, $0xb8;
	[tilespmem:$0x1E800] =	vst v63  }
0x90: {  	_ =	swait.ge [sflag:s11], $0x3E80  }
0x91: {  	[sflag:s11] =	ssyncset.done $0x0  }
0x92: {  	s30 =	sadd.s32 $0x100, s25;
	[sflag:s11] =	ssyncadd.s32 $0xFFFFC180  }
0x93: {  	[tilespmem:s14], [sflag:$0x1] =	stream.indirect.gather [hbm4b:s5+s13], $0x80, s30, s13, $0xb8;
	[tilespmem:$0x1E800] =	vst v63  }
0x94: {  	_ =	swait.ge [sflag:s17], $0x3E80  }
0x95: {  	[sflag:s17] =	ssyncset.done $0x0  }
0x96: {  	s31 =	sadd.s32 $0x1480, s25;
	[sflag:s17] =	ssyncadd.s32 $0xFFFFC180  }
0x97: {  	[spmem:s3] =	stream.indirect.scatter.add.f32 [tilespmem:s15], [sflag:$0x3], $0x80, s31, s13, $0xb8;
	[tilespmem:$0x1E800] =	vst v63  }
0x98: {  	_ =	swait.ge [sflag:s11], $0x3E80  }
0x99: {  	[sflag:s11] =	ssyncset.done $0x0  }
0x9a: {  	[sflag:s11] =	ssyncadd.s32 $0xFFFFC180  }
0x9b: {  	[tilespmem:s15], [sflag:$0x2] =	stream.indirect.gather [hbm4b:s5+s13], $0x80, s18, s13, $0xb8;
	[tilespmem:$0x1E800] =	vst v63  }
0x9c: {  	_ =	swait.ge [sflag:s16], $0x3E80  }
0x9d: {  	[sflag:s16] =	ssyncset.done $0x0  }
0x9e: {  	[sflag:s16] =	ssyncadd.s32 $0xFFFFC180  }
0x9f: {  	[spmem:s3] =	stream.indirect.scatter.add.f32 [tilespmem:s14], [sflag:$0x3], $0x80, s19, s13, $0xb8;
	[tilespmem:$0x1E800] =	vst v63  }
0xa0: {  	_ =	swait.ge [sflag:s11], $0x3E80  }
0xa1: {  	[sflag:s11] =	ssyncset.done $0x0  }
0xa2: {  	[sflag:s11] =	ssyncadd.s32 $0xFFFFC180  }
0xa3: {  	_ =	swait.ge [sflag:s17], $0x3E80  }
0xa4: {  	[sflag:s17] =	ssyncset.done $0x0  }
0xa5: {  	[sflag:s17] =	ssyncadd.s32 $0xFFFFC180  }
0xa6: {  	[spmem:s3] =	stream.indirect.scatter.add.f32 [tilespmem:s15], [sflag:$0x3], $0x80, s20, s13, $0xb8;
	[tilespmem:$0x1E800] =	vst v63  }
0xa7: {  	_ =	swait.ge [sflag:s11], $0x3E80  }
0xa8: {  	s24 =	sadd.s32 $0x1, s24;
	[sflag:s11] =	ssyncset.done $0x0  }
0xa9: {  	p0 =	sne.s32 s24, s9;
	[sflag:s11] =	ssyncadd.s32 $0xFFFFC180  }
.Ltmp2:
0xaa: {  	[bflag:$0x0] =	sbarrier.arrive $0xFFFF;
	(pc) =	sbr.rel @p0 .LBB2_1-.Ltmp2, $4  }
0xab: {  	[hbm:s23], [sflag:s6] =	dma.local [spmem:s10], $0x2800  }
0xac: {  	_ =	swait.ge [sflag:s11], $0x2800  }
0xad: {  	[sflag:s11] =	ssyncset.done $0x0  }
0xae: {  	[sflag:s11] =	ssyncadd.s32 $0xFFFFD800  }
0xaf: {  	_ =	sfence.sel $0x180000  }
0xb0: {  	[bflag:$0x0] =	sbarrier.arrive $0xFFFF  }
0xb1: {  	p0 =	sne.s32 s0, $0x0;
	_ =	strace $0x90000050  }
0xb2: {  	s0 =	sadd.s32 @!p0 $0x100000, s1;
	[bflag:$0x2] =	sbarrier.arrive $0xFFFF  }
0xb3: {  	[sflag:s0] =	ssyncadd.tile.s32 @!p0 $0x1;
	_ =	shalt  }
.Lfunc_end2:
_tile_overlayer_lowered:
.L_overlay_start_2:
0xb4: {  	(tag) =	ssettag $0x2  }
0xb5: {  	s0 =	rddreg [dreg:$0x0];
	s2 =	stileid.u32  }
0xb6: {  	s1 =	rddreg [dreg:$0x1];
	p0 =	sne.s32 s2, $0x0  }
0xb7: {  	s3 =	rddreg [dreg:$0x2];
	[bflag:$0x3] =	sbarrier.arrive $0xFFFF;
	s2 =	simm.s32 @!p0 $0x1C03  }
0xb8: {  	[timem:s3], [sflag:s2] =	dma.local @!p0 [hbm:s0], s1  }
0xb9: {  	s0 =	simm.s32 @!p0 $0x3  }
0xba: {  	_ =	swait.ge @!p0 [sflag:s0], s1  }
0xbb: {  	s1 =	ssub.s32 @!p0 $0x0, s1;
	[sflag:s0] =	ssyncset.done @!p0 $0x0  }
0xbc: {  	[sflag:s0] =	ssyncadd.s32 @!p0 s1  }
0xbd: {  	[bflag:$0x3] =	sbarrier.arrive $0xFFFF  }
0xbe: {  	_ =	shalt  }

</sc_bundles>
